<compile_context>
chip_gen: v7x
topology: tpu7x:2x2x1
jax: 0.10.2.dev20260603
libtpu: 0.0.44.dev20260713+nightly
codegen_flags: <defaults>
</compile_context>

<pallas_src>
import functools

import jax
import jax.numpy as jnp
from jax import lax
from jax.experimental import pallas as pl
from jax.experimental.pallas import tpu as pltpu
from jax.experimental.pallas import tpu_sc as plsc

N = 10000
D = 128
E = 320000
NC, NS = 2, 16
NW = NC * NS
C = 125
ERows = E // C
EPW = E // NW
GPW = EPW // 16
MAXCH = EPW // C
CAPC = 10160
NP = 10240
BOUND = 5096
TRASH = 5100
ACC_R = 5104
SPT = 320
SPT15 = BOUND - 15 * SPT
RB = 1000
NB = N // RB


def _compact_body(src_hbm, dst_hbm, fill0_hbm, fillt_hbm, zeros_np_hbm,
                  lsrc_hbm, ldst_hbm, cnts_hbm, hists_hbm,
                  sv, dv, ls0, ld0, ls1, ld1, cv, hist):
    cid = lax.axis_index("c")
    sid = lax.axis_index("s")
    wid = cid * NS + sid
    pltpu.sync_copy(src_hbm.at[pl.ds(wid * EPW, EPW)], sv)
    pltpu.sync_copy(dst_hbm.at[pl.ds(wid * EPW, EPW)], dv)
    pltpu.sync_copy(fill0_hbm, ls0)
    pltpu.sync_copy(fill0_hbm, ls1)
    pltpu.sync_copy(fillt_hbm, ld0)
    pltpu.sync_copy(fillt_hbm, ld1)
    pltpu.sync_copy(zeros_np_hbm, hist)

    lanes = lax.iota(jnp.int32, 16)
    garbage = CAPC - 16
    zero16 = jnp.zeros((16,), jnp.int32)
    onesf = jnp.ones((16,), jnp.float32)

    def body(g, carry):
        n0v, n1v = carry
        s = sv[pl.ds(g * 16, 16)]
        d = dv[pl.ds(g * 16, 16)]
        m0 = d < BOUND
        c0 = plsc.cumsum(m0.astype(jnp.int32))
        k0s = plsc.all_reduce_population_count(m0)
        pos0 = jnp.where(m0, n0v + c0 - 1, garbage + lanes)
        pos1 = jnp.where(m0, garbage + lanes, n1v + (lanes + 1 - c0) - 1)
        plsc.store_scatter(ls0, [pos0], s)
        plsc.store_scatter(ld0, [pos0], d)
        plsc.store_scatter(ls1, [pos1], s)
        plsc.store_scatter(ld1, [pos1], d - BOUND)
        plsc.addupdate_scatter(hist, [d], onesf)
        return n0v + k0s, n1v + (16 - k0s)

    n0v, n1v = lax.fori_loop(0, GPW, body, (zero16, zero16))
    pltpu.sync_copy(ls0, lsrc_hbm.at[wid, 0])
    pltpu.sync_copy(ld0, ldst_hbm.at[wid, 0])
    pltpu.sync_copy(ls1, lsrc_hbm.at[wid, 1])
    pltpu.sync_copy(ld1, ldst_hbm.at[wid, 1])
    pltpu.sync_copy(hist, hists_hbm.at[wid])
    cv[pl.ds(0, 16)] = n0v
    cv[pl.ds(16, 16)] = n1v
    pltpu.sync_copy(cv, cnts_hbm.at[wid])


def _valid(c, na, nb):
    return lax.select(c < MAXCH, c * C < na, (c - MAXCH) * C < nb)


def _segsum_body(y_hbm, lsrc_hbm, ldst_hbm, cnts_hbm, zeros_hbm, part_hbm,
                 sidx, didx, buf0, buf1, buf2, cv, acc,
                 sem0, sem1, sem2, szero):
    bufs = (buf0, buf1, buf2)
    sems = (sem0, sem1, sem2)
    cid = lax.axis_index("c")
    sid = lax.axis_index("s")
    @pl.when(sid < 15)
    def _():
        pltpu.async_copy(zeros_hbm, acc.at[pl.ds(sid * SPT, SPT)], szero)

    @pl.when(sid == 15)
    def _():
        pltpu.async_copy(zeros_hbm.at[pl.ds(0, SPT15)],
                         acc.at[pl.ds(15 * SPT, SPT15)], szero)
    pltpu.sync_copy(lsrc_hbm.at[2 * sid, cid], sidx.at[pl.ds(0, MAXCH)])
    pltpu.sync_copy(lsrc_hbm.at[2 * sid + 1, cid], sidx.at[pl.ds(MAXCH, MAXCH)])
    pltpu.sync_copy(ldst_hbm.at[2 * sid, cid], didx.at[pl.ds(0, MAXCH)])
    pltpu.sync_copy(ldst_hbm.at[2 * sid + 1, cid], didx.at[pl.ds(MAXCH, MAXCH)])
    pltpu.sync_copy(cnts_hbm.at[2 * sid, pl.ds(cid * 16, 16)],
                    cv.at[pl.ds(0, 16)])
    pltpu.sync_copy(cnts_hbm.at[2 * sid + 1, pl.ds(cid * 16, 16)],
                    cv.at[pl.ds(16, 16)])
    @pl.when(sid < 15)
    def _():
        pltpu.make_async_copy(zeros_hbm, acc.at[pl.ds(0, SPT)], szero).wait()

    @pl.when(sid == 15)
    def _():
        pltpu.make_async_copy(zeros_hbm.at[pl.ds(0, SPT15)],
                              acc.at[pl.ds(0, SPT15)], szero).wait()

    plsc.subcore_barrier()
    na = cv[pl.ds(0, 16)][0]
    nb = cv[pl.ds(16, 16)][0]

    for c in range(2):
        @pl.when(_valid(c, na, nb))
        def _(c=c):
            pltpu.async_copy(y_hbm.at[sidx.at[c]], bufs[c], sems[c])

    def body(i, _):
        c0 = 3 * i
        for j in range(3):
            c = c0 + j
            vc = _valid(c, na, nb)
            vn = _valid(c + 2, na, nb)

            @pl.when(vc)
            def _(c=c, j=j):
                pltpu.make_async_copy(y_hbm.at[sidx.at[c]], bufs[j],
                                      sems[j]).wait()

            @pl.when(vn)
            def _(c=c, j=j):
                pltpu.async_copy(y_hbm.at[sidx.at[c + 2]], bufs[(j + 2) % 3],
                                 sems[(j + 2) % 3])

            @pl.when(vc)
            def _(c=c, j=j):
                pltpu.sync_copy(bufs[j], acc.at[didx.at[c]], add=True)

        return 0

    lax.fori_loop(0, (2 * MAXCH + 2) // 3, body, 0)
    plsc.subcore_barrier()

    @pl.when(sid < 15)
    def _():
        pltpu.sync_copy(acc.at[pl.ds(sid * SPT, SPT)],
                        part_hbm.at[cid, pl.ds(sid * SPT, SPT)])

    @pl.when(sid == 15)
    def _():
        pltpu.sync_copy(acc.at[pl.ds(15 * SPT, SPT15)],
                        part_hbm.at[cid, pl.ds(15 * SPT, SPT15)])


@functools.cache
def _sc_kernels():
    mesh = plsc.VectorSubcoreMesh(core_axis_name="c", subcore_axis_name="s",
                                  num_cores=NC, num_subcores=NS)
    compact = pl.kernel(
        _compact_body,
        out_type=(
            jax.ShapeDtypeStruct((NW, 2, CAPC), jnp.int32),
            jax.ShapeDtypeStruct((NW, 2, CAPC), jnp.int32),
            jax.ShapeDtypeStruct((NW, 32), jnp.int32),
            jax.ShapeDtypeStruct((NW, NP), jnp.float32),
        ),
        mesh=mesh,
        compiler_params=pltpu.CompilerParams(needs_layout_passes=False),
        scratch_types=[
            pltpu.VMEM((EPW,), jnp.int32),
            pltpu.VMEM((EPW,), jnp.int32),
            pltpu.VMEM((CAPC,), jnp.int32),
            pltpu.VMEM((CAPC,), jnp.int32),
            pltpu.VMEM((CAPC,), jnp.int32),
            pltpu.VMEM((CAPC,), jnp.int32),
            pltpu.VMEM((32,), jnp.int32),
            pltpu.VMEM((NP,), jnp.float32),
        ],
    )
    segsum = pl.kernel(
        _segsum_body,
        out_type=jax.ShapeDtypeStruct((NC, BOUND, D), jnp.float32),
        mesh=mesh,
        scratch_types=[
            pltpu.VMEM((2 * MAXCH, C), jnp.int32),
            pltpu.VMEM((2 * MAXCH, C), jnp.int32),
            pltpu.VMEM((C, D), jnp.float32),
            pltpu.VMEM((C, D), jnp.float32),
            pltpu.VMEM((C, D), jnp.float32),
            pltpu.VMEM((32,), jnp.int32),
            pltpu.VMEM_SHARED((ACC_R, D), jnp.float32),
            pltpu.SemaphoreType.DMA,
            pltpu.SemaphoreType.DMA,
            pltpu.SemaphoreType.DMA,
            pltpu.SemaphoreType.DMA,
        ],
    )
    return compact, segsum


def _degsum_body(h_ref, deg_ref):
    deg_ref[...] = jnp.sum(h_ref[...], axis=0)[:, None]


def _dinv(deg_ref):
    return lax.rsqrt(deg_ref[...] + 1.0)


def _y1_body(x_ref, w_ref, deg_ref, y_ref):
    y_ref[...] = _dinv(deg_ref) * jnp.dot(
        x_ref[...], w_ref[...], preferred_element_type=jnp.float32)


def _mid_body(p_ref, y1_ref, deg_ref, b1_ref, w2_ref, y2_ref):
    dinv = _dinv(deg_ref)
    h = jnp.maximum(dinv * (p_ref[...] + y1_ref[...]) + b1_ref[...], 0.0)
    y2_ref[...] = dinv * jnp.dot(h, w2_ref[...],
                                 preferred_element_type=jnp.float32)


def _out_body(p_ref, y2_ref, deg_ref, b2_ref, o_ref):
    dinv = _dinv(deg_ref)
    o_ref[...] = dinv * (p_ref[...] + y2_ref[...]) + b2_ref[...]


_row_spec = pl.BlockSpec((RB, D), lambda i: (i, 0))
_full_spec = pl.BlockSpec((D, D), lambda i: (0, 0))
_bias_spec = pl.BlockSpec((1, D), lambda i: (0, 0))
_deg_spec = pl.BlockSpec((RB, 1), lambda i: (i, 0))
_grid = (NB,)
_nd_f32 = jax.ShapeDtypeStruct((N, D), jnp.float32)
DSB = 1280


def kernel(x, edge_index, W1, b1, W2, b2):
    src1 = edge_index[0].astype(jnp.int32)
    dst1 = edge_index[1].astype(jnp.int32)
    zeros_rd = jnp.zeros((SPT, D), jnp.float32)
    zeros_np = jnp.zeros((NP,), jnp.float32)
    fill0 = jnp.zeros((CAPC,), jnp.int32)
    fillt = jnp.full((CAPC,), TRASH, jnp.int32)
    b1r = b1.reshape(1, D)
    b2r = b2.reshape(1, D)

    _compact_kernel, _segsum_kernel = _sc_kernels()
    lsrc, ldst, cnts, hists = _compact_kernel(src1, dst1, fill0, fillt,
                                              zeros_np)
    lsrc = lsrc[:, :, :EPW].reshape(NW, 2, MAXCH, C)
    ldst = ldst[:, :, :EPW].reshape(NW, 2, MAXCH, C)

    deg = pl.pallas_call(
        _degsum_body,
        grid=(NP // DSB,),
        in_specs=[pl.BlockSpec((NW, DSB), lambda i: (0, i))],
        out_specs=pl.BlockSpec((DSB, 1), lambda i: (i, 0)),
        out_shape=jax.ShapeDtypeStruct((NP, 1), jnp.float32),
    )(hists)[:N]

    y1 = pl.pallas_call(
        _y1_body,
        grid=_grid,
        in_specs=[_row_spec, _full_spec, _deg_spec],
        out_specs=_row_spec,
        out_shape=_nd_f32,
    )(x, W1, deg)

    p1 = _segsum_kernel(y1, lsrc, ldst, cnts, zeros_rd)
    p1 = jnp.concatenate([p1[0, :BOUND], p1[1, :N - BOUND]])

    y2 = pl.pallas_call(
        _mid_body,
        grid=_grid,
        in_specs=[_row_spec, _row_spec, _deg_spec, _bias_spec, _full_spec],
        out_specs=_row_spec,
        out_shape=_nd_f32,
    )(p1, y1, deg, b1r, W2)

    p2 = _segsum_kernel(y2, lsrc, ldst, cnts, zeros_rd)
    p2 = jnp.concatenate([p2[0, :BOUND], p2[1, :N - BOUND]])

    out = pl.pallas_call(
        _out_body,
        grid=_grid,
        in_specs=[_row_spec, _row_spec, _deg_spec, _bias_spec],
        out_specs=_row_spec,
        out_shape=_nd_f32,
    )(p2, y2, deg, b2r)
    return out

# --- scband reference (transcript-rebuilt; emitter-appended) ---
"""Pipeline reference for scband-gcn-1829656068112 (READ-ONLY COPY).

The authoritative reference and input builder live on the scoring server;
editing this copy changes nothing except your own understanding.
"""

import jax, jax.numpy as jnp
import numpy as np

N_NODES = 10000
D_IN = 128
D_HID = 128
D_OUT = 128
N_EDGES = 320000


def setup_inputs(seed: int = 0) -> dict:
    key = jax.random.key(seed)
    k1, k2, k3, k4, k5, k6 = jax.random.split(key, 6)
    x = jax.random.normal(k1, (N_NODES, D_IN), dtype=jnp.float32)
    edge_index = jax.random.randint(k2, (2, N_EDGES), 0, N_NODES, dtype=jnp.int64)
    # GCNConv linear weights (Glorot-ish scaling) and biases
    W1 = jax.random.normal(k3, (D_IN, D_HID), dtype=jnp.float32) * (1.0 / np.sqrt(D_IN))
    b1 = jnp.zeros((D_HID,), dtype=jnp.float32)
    W2 = jax.random.normal(k4, (D_HID, D_OUT), dtype=jnp.float32) * (1.0 / np.sqrt(D_HID))
    b2 = jnp.zeros((D_OUT,), dtype=jnp.float32)
    return {"x": x, "edge_index": edge_index, "W1": W1, "b1": b1, "W2": W2, "b2": b2}


def _gcn_conv(x, edge_index, W, b):
    n = x.shape[0]
    # add self-loops
    loop = jnp.arange(n, dtype=edge_index.dtype)
    src = jnp.concatenate([edge_index[0], loop])
    dst = jnp.concatenate([edge_index[1], loop])
    # symmetric normalization: deg computed on dst with unit edge weight
    deg = jnp.zeros((n,), dtype=x.dtype).at[dst].add(1.0)
    dinv = jax.lax.rsqrt(deg)
    dinv = jnp.where(jnp.isinf(dinv), 0.0, dinv)
    norm = dinv[src] * dinv[dst]
    # linear transform first (PyG GCNConv), then gather -> scale -> scatter-add
    xw = x @ W
    msg = xw[src] * norm[:, None]
    out = jnp.zeros((n, W.shape[1]), dtype=x.dtype).at[dst].add(msg)
    return out + b


def reference(x, edge_index, W1, b1, W2, b2):
    h = _gcn_conv(x, edge_index, W1, b1)
    h = jax.nn.relu(h)
    # dropout p=0.0 (add_dropout=False) -> identity
    out = _gcn_conv(h, edge_index, W2, b2)
    return out

if __name__ == "__main__":
    import jax
    _d = setup_inputs()
    print(jax.jit(kernel)(*tuple(_d.values())))

</pallas_src>

<mosaic_0001>
#map = affine_map<(d0, d1) -> (0, 0)>
#map1 = affine_map<(d0, d1) -> (0, 0, 0, 0)>
#map2 = affine_map<(d0, d1) -> (0, 0, 0)>
module attributes {stable_mosaic.version = 14 : i64} {
  func.func @_segsum_body(%arg0: i32, %arg1: i32, %arg2: memref<10000x128xf32, #tpu.memory_space<hbm>>, %arg3: memref<32x2x80x125xi32, #tpu.memory_space<hbm>>, %arg4: memref<32x2x80x125xi32, #tpu.memory_space<hbm>>, %arg5: memref<32x32xi32, #tpu.memory_space<hbm>>, %arg6: memref<320x128xf32, #tpu.memory_space<hbm>>, %arg7: memref<2x5096x128xf32, #tpu.memory_space<hbm>>, %arg8: memref<160x125xi32, #tpu.memory_space<vmem>>, %arg9: memref<160x125xi32, #tpu.memory_space<vmem>>, %arg10: memref<125x128xf32, #tpu.memory_space<vmem>>, %arg11: memref<125x128xf32, #tpu.memory_space<vmem>>, %arg12: memref<125x128xf32, #tpu.memory_space<vmem>>, %arg13: memref<32xi32, #tpu.memory_space<vmem>>, %arg14: memref<5104x128xf32, #tpu.memory_space<vmem_shared>>, %arg15: memref<!tpu.dma_semaphore, #tpu.memory_space<semaphore_mem>>, %arg16: memref<!tpu.dma_semaphore, #tpu.memory_space<semaphore_mem>>, %arg17: memref<!tpu.dma_semaphore, #tpu.memory_space<semaphore_mem>>, %arg18: memref<!tpu.dma_semaphore, #tpu.memory_space<semaphore_mem>>) attributes {dimension_semantics = [#tpu.dimension_semantics<core_parallel>, #tpu.dimension_semantics<subcore_parallel>], iteration_bounds = array<i64: 2, 16>, scalar_prefetch = 0 : i64, scratch_operands = 11 : i64, tpu.core_type = #tpu.core_type<sc_vector_subcore>, window_params = [{transform_indices = #map}, {transform_indices = #map1}, {transform_indices = #map1}, {transform_indices = #map}, {transform_indices = #map}, {transform_indices = #map2}]} {
    %lt3A = arith.constant 15 : i32
    %lt3A_0 = arith.cmpi slt, %arg1, %lt3A : i32
    %convert_element_type3A = arith.extui %lt3A_0 : i1 to i32
    %cond3A = arith.constant 0 : i32
    %cond3A_1 = arith.cmpi ne, %convert_element_type3A, %cond3A : i32
    scf.if %cond3A_1 {
      %mul3A_76 = arith.constant 320 : i32
      %mul3A_77 = arith.muli %arg1, %mul3A_76 : i32
      %dma_start3A = arith.constant 0 : i32
      %dma_start3A_78 = tpu.memref_slice %arg14[%mul3A_77, %dma_start3A] : memref<5104x128xf32, #tpu.memory_space<vmem_shared>> -> memref<320x128xf32, #tpu.memory_space<vmem_shared>>
      tpu.enqueue_dma source(%arg6 : memref<320x128xf32, #tpu.memory_space<hbm>>) target(%dma_start3A_78 : memref<320x128xf32, #tpu.memory_space<vmem_shared>>) target_semaphore(%arg18 : memref<!tpu.dma_semaphore, #tpu.memory_space<semaphore_mem>>)
    } else {
    }
    %eq3A = arith.constant 15 : i32
    %eq3A_2 = arith.cmpi eq, %arg1, %eq3A : i32
    %convert_element_type3A_3 = arith.extui %eq3A_2 : i1 to i32
    %cond3A_4 = arith.constant 0 : i32
    %cond3A_5 = arith.cmpi ne, %convert_element_type3A_3, %cond3A_4 : i32
    scf.if %cond3A_5 {
      %dma_start3A = arith.constant 4800 : i32
      %dma_start3A_76 = arith.constant 0 : i32
      %dma_start3A_77 = tpu.memref_slice %arg14[%dma_start3A, %dma_start3A_76] : memref<5104x128xf32, #tpu.memory_space<vmem_shared>> -> memref<296x128xf32, #tpu.memory_space<vmem_shared>>
      %dma_start3A_78 = arith.constant 0 : i32
      %dma_start3A_79 = arith.constant 0 : i32
      %dma_start3A_80 = tpu.memref_slice %arg6[%dma_start3A_78, %dma_start3A_79] : memref<320x128xf32, #tpu.memory_space<hbm>> -> memref<296x128xf32, #tpu.memory_space<hbm>>
      tpu.enqueue_dma source(%dma_start3A_80 : memref<296x128xf32, #tpu.memory_space<hbm>>) target(%dma_start3A_77 : memref<296x128xf32, #tpu.memory_space<vmem_shared>>) target_semaphore(%arg18 : memref<!tpu.dma_semaphore, #tpu.memory_space<semaphore_mem>>)
    } else {
    }
    %mul3A = arith.constant 2 : i32
    %mul3A_6 = arith.muli %mul3A, %arg1 : i32
    "tpu.region"() ({
      %run_scoped3A = tpu.sem_alloc : memref<!tpu.dma_semaphore, #tpu.memory_space<semaphore_mem>>
      %dma_start3A = arith.constant 0 : i32
      %dma_start3A_76 = arith.constant 0 : i32
      %dma_start3A_77 = tpu.memref_slice %arg8[%dma_start3A, %dma_start3A_76] : memref<160x125xi32, #tpu.memory_space<vmem>> -> memref<80x125xi32, #tpu.memory_space<vmem>>
      %dma_start3A_78 = arith.constant 0 : i32
      %dma_start3A_79 = arith.constant 0 : i32
      %dma_start3A_80 = tpu.memref_slice %arg3[%mul3A_6, %arg0, %dma_start3A_78, %dma_start3A_79] : memref<32x2x80x125xi32, #tpu.memory_space<hbm>> -> memref<1x1x80x125xi32, #tpu.memory_space<hbm>>
      %dma_start3A_81 = tpu.memref_squeeze %dma_start3A_80 : memref<1x1x80x125xi32, #tpu.memory_space<hbm>> -> memref<80x125xi32, #tpu.memory_space<hbm>>
      %dma_start3A_82 = arith.constant 0 : i32
      %dma_start3A_83 = arith.constant 0 : i32
      %dma_start3A_84 = tpu.memref_slice %arg8[%dma_start3A_82, %dma_start3A_83] : memref<160x125xi32, #tpu.memory_space<vmem>> -> memref<80x125xi32, #tpu.memory_space<vmem>>
      %dma_start3A_85 = arith.constant 0 : i32
      %dma_start3A_86 = arith.constant 0 : i32
      %dma_start3A_87 = tpu.memref_slice %arg3[%mul3A_6, %arg0, %dma_start3A_85, %dma_start3A_86] : memref<32x2x80x125xi32, #tpu.memory_space<hbm>> -> memref<1x1x80x125xi32, #tpu.memory_space<hbm>>
      %dma_start3A_88 = tpu.memref_squeeze %dma_start3A_87 : memref<1x1x80x125xi32, #tpu.memory_space<hbm>> -> memref<80x125xi32, #tpu.memory_space<hbm>>
      tpu.enqueue_dma source(%dma_start3A_88 : memref<80x125xi32, #tpu.memory_space<hbm>>) target(%dma_start3A_84 : memref<80x125xi32, #tpu.memory_space<vmem>>) target_semaphore(%run_scoped3A : memref<!tpu.dma_semaphore, #tpu.memory_space<semaphore_mem>>)
      %dma_wait3A = arith.constant 0 : i32
      %dma_wait3A_89 = arith.constant 0 : i32
      %dma_wait3A_90 = tpu.memref_slice %arg8[%dma_wait3A, %dma_wait3A_89] : memref<160x125xi32, #tpu.memory_space<vmem>> -> memref<80x125xi32, #tpu.memory_space<vmem>>
      %dma_wait3A_91 = arith.constant 0 : i32
      %dma_wait3A_92 = arith.constant 0 : i32
      %dma_wait3A_93 = tpu.memref_slice %arg3[%mul3A_6, %arg0, %dma_wait3A_91, %dma_wait3A_92] : memref<32x2x80x125xi32, #tpu.memory_space<hbm>> -> memref<1x1x80x125xi32, #tpu.memory_space<hbm>>
      %dma_wait3A_94 = tpu.memref_squeeze %dma_wait3A_93 : memref<1x1x80x125xi32, #tpu.memory_space<hbm>> -> memref<80x125xi32, #tpu.memory_space<hbm>>
      %dma_wait3A_95 = arith.constant 0 : i32
      %dma_wait3A_96 = arith.constant 0 : i32
      %dma_wait3A_97 = tpu.memref_slice %arg8[%dma_wait3A_95, %dma_wait3A_96] : memref<160x125xi32, #tpu.memory_space<vmem>> -> memref<80x125xi32, #tpu.memory_space<vmem>>
      %dma_wait3A_98 = arith.constant 0 : i32
      %dma_wait3A_99 = arith.constant 0 : i32
      %dma_wait3A_100 = tpu.memref_slice %arg3[%mul3A_6, %arg0, %dma_wait3A_98, %dma_wait3A_99] : memref<32x2x80x125xi32, #tpu.memory_space<hbm>> -> memref<1x1x80x125xi32, #tpu.memory_space<hbm>>
      %dma_wait3A_101 = tpu.memref_squeeze %dma_wait3A_100 : memref<1x1x80x125xi32, #tpu.memory_space<hbm>> -> memref<80x125xi32, #tpu.memory_space<hbm>>
      tpu.wait_dma2 semaphore(%run_scoped3A : memref<!tpu.dma_semaphore, #tpu.memory_space<semaphore_mem>>) src(%dma_wait3A_101 : memref<80x125xi32, #tpu.memory_space<hbm>>) dst(%dma_wait3A_97 : memref<80x125xi32, #tpu.memory_space<vmem>>)
      tpu.yield
    }) : () -> ()
    %mul3A_7 = arith.constant 2 : i32
    %mul3A_8 = arith.muli %mul3A_7, %arg1 : i32
    %add3A = arith.constant 1 : i32
    %add3A_9 = arith.addi %mul3A_8, %add3A : i32
    "tpu.region"() ({
      %run_scoped3A = tpu.sem_alloc : memref<!tpu.dma_semaphore, #tpu.memory_space<semaphore_mem>>
      %dma_start3A = arith.constant 80 : i32
      %dma_start3A_76 = arith.constant 0 : i32
      %dma_start3A_77 = tpu.memref_slice %arg8[%dma_start3A, %dma_start3A_76] : memref<160x125xi32, #tpu.memory_space<vmem>> -> memref<80x125xi32, #tpu.memory_space<vmem>>
      %dma_start3A_78 = arith.constant 0 : i32
      %dma_start3A_79 = arith.constant 0 : i32
      %dma_start3A_80 = tpu.memref_slice %arg3[%add3A_9, %arg0, %dma_start3A_78, %dma_start3A_79] : memref<32x2x80x125xi32, #tpu.memory_space<hbm>> -> memref<1x1x80x125xi32, #tpu.memory_space<hbm>>
      %dma_start3A_81 = tpu.memref_squeeze %dma_start3A_80 : memref<1x1x80x125xi32, #tpu.memory_space<hbm>> -> memref<80x125xi32, #tpu.memory_space<hbm>>
      %dma_start3A_82 = arith.constant 80 : i32
      %dma_start3A_83 = arith.constant 0 : i32
      %dma_start3A_84 = tpu.memref_slice %arg8[%dma_start3A_82, %dma_start3A_83] : memref<160x125xi32, #tpu.memory_space<vmem>> -> memref<80x125xi32, #tpu.memory_space<vmem>>
      %dma_start3A_85 = arith.constant 0 : i32
      %dma_start3A_86 = arith.constant 0 : i32
      %dma_start3A_87 = tpu.memref_slice %arg3[%add3A_9, %arg0, %dma_start3A_85, %dma_start3A_86] : memref<32x2x80x125xi32, #tpu.memory_space<hbm>> -> memref<1x1x80x125xi32, #tpu.memory_space<hbm>>
      %dma_start3A_88 = tpu.memref_squeeze %dma_start3A_87 : memref<1x1x80x125xi32, #tpu.memory_space<hbm>> -> memref<80x125xi32, #tpu.memory_space<hbm>>
      tpu.enqueue_dma source(%dma_start3A_88 : memref<80x125xi32, #tpu.memory_space<hbm>>) target(%dma_start3A_84 : memref<80x125xi32, #tpu.memory_space<vmem>>) target_semaphore(%run_scoped3A : memref<!tpu.dma_semaphore, #tpu.memory_space<semaphore_mem>>)
      %dma_wait3A = arith.constant 80 : i32
      %dma_wait3A_89 = arith.constant 0 : i32
      %dma_wait3A_90 = tpu.memref_slice %arg8[%dma_wait3A, %dma_wait3A_89] : memref<160x125xi32, #tpu.memory_space<vmem>> -> memref<80x125xi32, #tpu.memory_space<vmem>>
      %dma_wait3A_91 = arith.constant 0 : i32
      %dma_wait3A_92 = arith.constant 0 : i32
      %dma_wait3A_93 = tpu.memref_slice %arg3[%add3A_9, %arg0, %dma_wait3A_91, %dma_wait3A_92] : memref<32x2x80x125xi32, #tpu.memory_space<hbm>> -> memref<1x1x80x125xi32, #tpu.memory_space<hbm>>
      %dma_wait3A_94 = tpu.memref_squeeze %dma_wait3A_93 : memref<1x1x80x125xi32, #tpu.memory_space<hbm>> -> memref<80x125xi32, #tpu.memory_space<hbm>>
      %dma_wait3A_95 = arith.constant 80 : i32
      %dma_wait3A_96 = arith.constant 0 : i32
      %dma_wait3A_97 = tpu.memref_slice %arg8[%dma_wait3A_95, %dma_wait3A_96] : memref<160x125xi32, #tpu.memory_space<vmem>> -> memref<80x125xi32, #tpu.memory_space<vmem>>
      %dma_wait3A_98 = arith.constant 0 : i32
      %dma_wait3A_99 = arith.constant 0 : i32
      %dma_wait3A_100 = tpu.memref_slice %arg3[%add3A_9, %arg0, %dma_wait3A_98, %dma_wait3A_99] : memref<32x2x80x125xi32, #tpu.memory_space<hbm>> -> memref<1x1x80x125xi32, #tpu.memory_space<hbm>>
      %dma_wait3A_101 = tpu.memref_squeeze %dma_wait3A_100 : memref<1x1x80x125xi32, #tpu.memory_space<hbm>> -> memref<80x125xi32, #tpu.memory_space<hbm>>
      tpu.wait_dma2 semaphore(%run_scoped3A : memref<!tpu.dma_semaphore, #tpu.memory_space<semaphore_mem>>) src(%dma_wait3A_101 : memref<80x125xi32, #tpu.memory_space<hbm>>) dst(%dma_wait3A_97 : memref<80x125xi32, #tpu.memory_space<vmem>>)
      tpu.yield
    }) : () -> ()
    %mul3A_10 = arith.constant 2 : i32
    %mul3A_11 = arith.muli %mul3A_10, %arg1 : i32
    "tpu.region"() ({
      %run_scoped3A = tpu.sem_alloc : memref<!tpu.dma_semaphore, #tpu.memory_space<semaphore_mem>>
      %dma_start3A = arith.constant 0 : i32
      %dma_start3A_76 = arith.constant 0 : i32
      %dma_start3A_77 = tpu.memref_slice %arg9[%dma_start3A, %dma_start3A_76] : memref<160x125xi32, #tpu.memory_space<vmem>> -> memref<80x125xi32, #tpu.memory_space<vmem>>
      %dma_start3A_78 = arith.constant 0 : i32
      %dma_start3A_79 = arith.constant 0 : i32
      %dma_start3A_80 = tpu.memref_slice %arg4[%mul3A_11, %arg0, %dma_start3A_78, %dma_start3A_79] : memref<32x2x80x125xi32, #tpu.memory_space<hbm>> -> memref<1x1x80x125xi32, #tpu.memory_space<hbm>>
      %dma_start3A_81 = tpu.memref_squeeze %dma_start3A_80 : memref<1x1x80x125xi32, #tpu.memory_space<hbm>> -> memref<80x125xi32, #tpu.memory_space<hbm>>
      %dma_start3A_82 = arith.constant 0 : i32
      %dma_start3A_83 = arith.constant 0 : i32
      %dma_start3A_84 = tpu.memref_slice %arg9[%dma_start3A_82, %dma_start3A_83] : memref<160x125xi32, #tpu.memory_space<vmem>> -> memref<80x125xi32, #tpu.memory_space<vmem>>
      %dma_start3A_85 = arith.constant 0 : i32
      %dma_start3A_86 = arith.constant 0 : i32
      %dma_start3A_87 = tpu.memref_slice %arg4[%mul3A_11, %arg0, %dma_start3A_85, %dma_start3A_86] : memref<32x2x80x125xi32, #tpu.memory_space<hbm>> -> memref<1x1x80x125xi32, #tpu.memory_space<hbm>>
      %dma_start3A_88 = tpu.memref_squeeze %dma_start3A_87 : memref<1x1x80x125xi32, #tpu.memory_space<hbm>> -> memref<80x125xi32, #tpu.memory_space<hbm>>
      tpu.enqueue_dma source(%dma_start3A_88 : memref<80x125xi32, #tpu.memory_space<hbm>>) target(%dma_start3A_84 : memref<80x125xi32, #tpu.memory_space<vmem>>) target_semaphore(%run_scoped3A : memref<!tpu.dma_semaphore, #tpu.memory_space<semaphore_mem>>)
      %dma_wait3A = arith.constant 0 : i32
      %dma_wait3A_89 = arith.constant 0 : i32
      %dma_wait3A_90 = tpu.memref_slice %arg9[%dma_wait3A, %dma_wait3A_89] : memref<160x125xi32, #tpu.memory_space<vmem>> -> memref<80x125xi32, #tpu.memory_space<vmem>>
      %dma_wait3A_91 = arith.constant 0 : i32
      %dma_wait3A_92 = arith.constant 0 : i32
      %dma_wait3A_93 = tpu.memref_slice %arg4[%mul3A_11, %arg0, %dma_wait3A_91, %dma_wait3A_92] : memref<32x2x80x125xi32, #tpu.memory_space<hbm>> -> memref<1x1x80x125xi32, #tpu.memory_space<hbm>>
      %dma_wait3A_94 = tpu.memref_squeeze %dma_wait3A_93 : memref<1x1x80x125xi32, #tpu.memory_space<hbm>> -> memref<80x125xi32, #tpu.memory_space<hbm>>
      %dma_wait3A_95 = arith.constant 0 : i32
      %dma_wait3A_96 = arith.constant 0 : i32
      %dma_wait3A_97 = tpu.memref_slice %arg9[%dma_wait3A_95, %dma_wait3A_96] : memref<160x125xi32, #tpu.memory_space<vmem>> -> memref<80x125xi32, #tpu.memory_space<vmem>>
      %dma_wait3A_98 = arith.constant 0 : i32
      %dma_wait3A_99 = arith.constant 0 : i32
      %dma_wait3A_100 = tpu.memref_slice %arg4[%mul3A_11, %arg0, %dma_wait3A_98, %dma_wait3A_99] : memref<32x2x80x125xi32, #tpu.memory_space<hbm>> -> memref<1x1x80x125xi32, #tpu.memory_space<hbm>>
      %dma_wait3A_101 = tpu.memref_squeeze %dma_wait3A_100 : memref<1x1x80x125xi32, #tpu.memory_space<hbm>> -> memref<80x125xi32, #tpu.memory_space<hbm>>
      tpu.wait_dma2 semaphore(%run_scoped3A : memref<!tpu.dma_semaphore, #tpu.memory_space<semaphore_mem>>) src(%dma_wait3A_101 : memref<80x125xi32, #tpu.memory_space<hbm>>) dst(%dma_wait3A_97 : memref<80x125xi32, #tpu.memory_space<vmem>>)
      tpu.yield
    }) : () -> ()
    %mul3A_12 = arith.constant 2 : i32
    %mul3A_13 = arith.muli %mul3A_12, %arg1 : i32
    %add3A_14 = arith.constant 1 : i32
    %add3A_15 = arith.addi %mul3A_13, %add3A_14 : i32
    "tpu.region"() ({
      %run_scoped3A = tpu.sem_alloc : memref<!tpu.dma_semaphore, #tpu.memory_space<semaphore_mem>>
      %dma_start3A = arith.constant 80 : i32
      %dma_start3A_76 = arith.constant 0 : i32
      %dma_start3A_77 = tpu.memref_slice %arg9[%dma_start3A, %dma_start3A_76] : memref<160x125xi32, #tpu.memory_space<vmem>> -> memref<80x125xi32, #tpu.memory_space<vmem>>
      %dma_start3A_78 = arith.constant 0 : i32
      %dma_start3A_79 = arith.constant 0 : i32
      %dma_start3A_80 = tpu.memref_slice %arg4[%add3A_15, %arg0, %dma_start3A_78, %dma_start3A_79] : memref<32x2x80x125xi32, #tpu.memory_space<hbm>> -> memref<1x1x80x125xi32, #tpu.memory_space<hbm>>
      %dma_start3A_81 = tpu.memref_squeeze %dma_start3A_80 : memref<1x1x80x125xi32, #tpu.memory_space<hbm>> -> memref<80x125xi32, #tpu.memory_space<hbm>>
      %dma_start3A_82 = arith.constant 80 : i32
      %dma_start3A_83 = arith.constant 0 : i32
      %dma_start3A_84 = tpu.memref_slice %arg9[%dma_start3A_82, %dma_start3A_83] : memref<160x125xi32, #tpu.memory_space<vmem>> -> memref<80x125xi32, #tpu.memory_space<vmem>>
      %dma_start3A_85 = arith.constant 0 : i32
      %dma_start3A_86 = arith.constant 0 : i32
      %dma_start3A_87 = tpu.memref_slice %arg4[%add3A_15, %arg0, %dma_start3A_85, %dma_start3A_86] : memref<32x2x80x125xi32, #tpu.memory_space<hbm>> -> memref<1x1x80x125xi32, #tpu.memory_space<hbm>>
      %dma_start3A_88 = tpu.memref_squeeze %dma_start3A_87 : memref<1x1x80x125xi32, #tpu.memory_space<hbm>> -> memref<80x125xi32, #tpu.memory_space<hbm>>
      tpu.enqueue_dma source(%dma_start3A_88 : memref<80x125xi32, #tpu.memory_space<hbm>>) target(%dma_start3A_84 : memref<80x125xi32, #tpu.memory_space<vmem>>) target_semaphore(%run_scoped3A : memref<!tpu.dma_semaphore, #tpu.memory_space<semaphore_mem>>)
      %dma_wait3A = arith.constant 80 : i32
      %dma_wait3A_89 = arith.constant 0 : i32
      %dma_wait3A_90 = tpu.memref_slice %arg9[%dma_wait3A, %dma_wait3A_89] : memref<160x125xi32, #tpu.memory_space<vmem>> -> memref<80x125xi32, #tpu.memory_space<vmem>>
      %dma_wait3A_91 = arith.constant 0 : i32
      %dma_wait3A_92 = arith.constant 0 : i32
      %dma_wait3A_93 = tpu.memref_slice %arg4[%add3A_15, %arg0, %dma_wait3A_91, %dma_wait3A_92] : memref<32x2x80x125xi32, #tpu.memory_space<hbm>> -> memref<1x1x80x125xi32, #tpu.memory_space<hbm>>
      %dma_wait3A_94 = tpu.memref_squeeze %dma_wait3A_93 : memref<1x1x80x125xi32, #tpu.memory_space<hbm>> -> memref<80x125xi32, #tpu.memory_space<hbm>>
      %dma_wait3A_95 = arith.constant 80 : i32
      %dma_wait3A_96 = arith.constant 0 : i32
      %dma_wait3A_97 = tpu.memref_slice %arg9[%dma_wait3A_95, %dma_wait3A_96] : memref<160x125xi32, #tpu.memory_space<vmem>> -> memref<80x125xi32, #tpu.memory_space<vmem>>
      %dma_wait3A_98 = arith.constant 0 : i32
      %dma_wait3A_99 = arith.constant 0 : i32
      %dma_wait3A_100 = tpu.memref_slice %arg4[%add3A_15, %arg0, %dma_wait3A_98, %dma_wait3A_99] : memref<32x2x80x125xi32, #tpu.memory_space<hbm>> -> memref<1x1x80x125xi32, #tpu.memory_space<hbm>>
      %dma_wait3A_101 = tpu.memref_squeeze %dma_wait3A_100 : memref<1x1x80x125xi32, #tpu.memory_space<hbm>> -> memref<80x125xi32, #tpu.memory_space<hbm>>
      tpu.wait_dma2 semaphore(%run_scoped3A : memref<!tpu.dma_semaphore, #tpu.memory_space<semaphore_mem>>) src(%dma_wait3A_101 : memref<80x125xi32, #tpu.memory_space<hbm>>) dst(%dma_wait3A_97 : memref<80x125xi32, #tpu.memory_space<vmem>>)
      tpu.yield
    }) : () -> ()
    %mul3A_16 = arith.constant 2 : i32
    %mul3A_17 = arith.muli %mul3A_16, %arg1 : i32
    %mul3A_18 = arith.constant 16 : i32
    %mul3A_19 = arith.muli %arg0, %mul3A_18 : i32
    "tpu.region"() ({
      %run_scoped3A = tpu.sem_alloc : memref<!tpu.dma_semaphore, #tpu.memory_space<semaphore_mem>>
      %dma_start3A = arith.constant 0 : i32
      %dma_start3A_76 = tpu.memref_slice %arg13[%dma_start3A] : memref<32xi32, #tpu.memory_space<vmem>> -> memref<16xi32, #tpu.memory_space<vmem>>
      %dma_start3A_77 = tpu.memref_slice %arg5[%mul3A_17, %mul3A_19] : memref<32x32xi32, #tpu.memory_space<hbm>> -> memref<1x16xi32, #tpu.memory_space<hbm>>
      %dma_start3A_78 = tpu.memref_squeeze %dma_start3A_77 : memref<1x16xi32, #tpu.memory_space<hbm>> -> memref<16xi32, #tpu.memory_space<hbm>>
      %dma_start3A_79 = arith.constant 0 : i32
      %dma_start3A_80 = tpu.memref_slice %arg13[%dma_start3A_79] : memref<32xi32, #tpu.memory_space<vmem>> -> memref<16xi32, #tpu.memory_space<vmem>>
      %dma_start3A_81 = tpu.memref_slice %arg5[%mul3A_17, %mul3A_19] : memref<32x32xi32, #tpu.memory_space<hbm>> -> memref<1x16xi32, #tpu.memory_space<hbm>>
      %dma_start3A_82 = tpu.memref_squeeze %dma_start3A_81 : memref<1x16xi32, #tpu.memory_space<hbm>> -> memref<16xi32, #tpu.memory_space<hbm>>
      tpu.enqueue_dma source(%dma_start3A_82 : memref<16xi32, #tpu.memory_space<hbm>>) target(%dma_start3A_80 : memref<16xi32, #tpu.memory_space<vmem>>) target_semaphore(%run_scoped3A : memref<!tpu.dma_semaphore, #tpu.memory_space<semaphore_mem>>)
      %dma_wait3A = arith.constant 0 : i32
      %dma_wait3A_83 = tpu.memref_slice %arg13[%dma_wait3A] : memref<32xi32, #tpu.memory_space<vmem>> -> memref<16xi32, #tpu.memory_space<vmem>>
      %dma_wait3A_84 = tpu.memref_slice %arg5[%mul3A_17, %mul3A_19] : memref<32x32xi32, #tpu.memory_space<hbm>> -> memref<1x16xi32, #tpu.memory_space<hbm>>
      %dma_wait3A_85 = tpu.memref_squeeze %dma_wait3A_84 : memref<1x16xi32, #tpu.memory_space<hbm>> -> memref<16xi32, #tpu.memory_space<hbm>>
      %dma_wait3A_86 = arith.constant 0 : i32
      %dma_wait3A_87 = tpu.memref_slice %arg13[%dma_wait3A_86] : memref<32xi32, #tpu.memory_space<vmem>> -> memref<16xi32, #tpu.memory_space<vmem>>
      %dma_wait3A_88 = tpu.memref_slice %arg5[%mul3A_17, %mul3A_19] : memref<32x32xi32, #tpu.memory_space<hbm>> -> memref<1x16xi32, #tpu.memory_space<hbm>>
      %dma_wait3A_89 = tpu.memref_squeeze %dma_wait3A_88 : memref<1x16xi32, #tpu.memory_space<hbm>> -> memref<16xi32, #tpu.memory_space<hbm>>
      tpu.wait_dma2 semaphore(%run_scoped3A : memref<!tpu.dma_semaphore, #tpu.memory_space<semaphore_mem>>) src(%dma_wait3A_89 : memref<16xi32, #tpu.memory_space<hbm>>) dst(%dma_wait3A_87 : memref<16xi32, #tpu.memory_space<vmem>>)
      tpu.yield
    }) : () -> ()
    %mul3A_20 = arith.constant 2 : i32
    %mul3A_21 = arith.muli %mul3A_20, %arg1 : i32
    %add3A_22 = arith.constant 1 : i32
    %add3A_23 = arith.addi %mul3A_21, %add3A_22 : i32
    %mul3A_24 = arith.constant 16 : i32
    %mul3A_25 = arith.muli %arg0, %mul3A_24 : i32
    "tpu.region"() ({
      %run_scoped3A = tpu.sem_alloc : memref<!tpu.dma_semaphore, #tpu.memory_space<semaphore_mem>>
      %dma_start3A = arith.constant 16 : i32
      %dma_start3A_76 = tpu.memref_slice %arg13[%dma_start3A] : memref<32xi32, #tpu.memory_space<vmem>> -> memref<16xi32, #tpu.memory_space<vmem>>
      %dma_start3A_77 = tpu.memref_slice %arg5[%add3A_23, %mul3A_25] : memref<32x32xi32, #tpu.memory_space<hbm>> -> memref<1x16xi32, #tpu.memory_space<hbm>>
      %dma_start3A_78 = tpu.memref_squeeze %dma_start3A_77 : memref<1x16xi32, #tpu.memory_space<hbm>> -> memref<16xi32, #tpu.memory_space<hbm>>
      %dma_start3A_79 = arith.constant 16 : i32
      %dma_start3A_80 = tpu.memref_slice %arg13[%dma_start3A_79] : memref<32xi32, #tpu.memory_space<vmem>> -> memref<16xi32, #tpu.memory_space<vmem>>
      %dma_start3A_81 = tpu.memref_slice %arg5[%add3A_23, %mul3A_25] : memref<32x32xi32, #tpu.memory_space<hbm>> -> memref<1x16xi32, #tpu.memory_space<hbm>>
      %dma_start3A_82 = tpu.memref_squeeze %dma_start3A_81 : memref<1x16xi32, #tpu.memory_space<hbm>> -> memref<16xi32, #tpu.memory_space<hbm>>
      tpu.enqueue_dma source(%dma_start3A_82 : memref<16xi32, #tpu.memory_space<hbm>>) target(%dma_start3A_80 : memref<16xi32, #tpu.memory_space<vmem>>) target_semaphore(%run_scoped3A : memref<!tpu.dma_semaphore, #tpu.memory_space<semaphore_mem>>)
      %dma_wait3A = arith.constant 16 : i32
      %dma_wait3A_83 = tpu.memref_slice %arg13[%dma_wait3A] : memref<32xi32, #tpu.memory_space<vmem>> -> memref<16xi32, #tpu.memory_space<vmem>>
      %dma_wait3A_84 = tpu.memref_slice %arg5[%add3A_23, %mul3A_25] : memref<32x32xi32, #tpu.memory_space<hbm>> -> memref<1x16xi32, #tpu.memory_space<hbm>>
      %dma_wait3A_85 = tpu.memref_squeeze %dma_wait3A_84 : memref<1x16xi32, #tpu.memory_space<hbm>> -> memref<16xi32, #tpu.memory_space<hbm>>
      %dma_wait3A_86 = arith.constant 16 : i32
      %dma_wait3A_87 = tpu.memref_slice %arg13[%dma_wait3A_86] : memref<32xi32, #tpu.memory_space<vmem>> -> memref<16xi32, #tpu.memory_space<vmem>>
      %dma_wait3A_88 = tpu.memref_slice %arg5[%add3A_23, %mul3A_25] : memref<32x32xi32, #tpu.memory_space<hbm>> -> memref<1x16xi32, #tpu.memory_space<hbm>>
      %dma_wait3A_89 = tpu.memref_squeeze %dma_wait3A_88 : memref<1x16xi32, #tpu.memory_space<hbm>> -> memref<16xi32, #tpu.memory_space<hbm>>
      tpu.wait_dma2 semaphore(%run_scoped3A : memref<!tpu.dma_semaphore, #tpu.memory_space<semaphore_mem>>) src(%dma_wait3A_89 : memref<16xi32, #tpu.memory_space<hbm>>) dst(%dma_wait3A_87 : memref<16xi32, #tpu.memory_space<vmem>>)
      tpu.yield
    }) : () -> ()
    %lt3A_26 = arith.constant 15 : i32
    %lt3A_27 = arith.cmpi slt, %arg1, %lt3A_26 : i32
    %convert_element_type3A_28 = arith.extui %lt3A_27 : i1 to i32
    %cond3A_29 = arith.constant 0 : i32
    %cond3A_30 = arith.cmpi ne, %convert_element_type3A_28, %cond3A_29 : i32
    scf.if %cond3A_30 {
      %dma_wait3A = arith.constant 0 : i32
      %dma_wait3A_76 = arith.constant 0 : i32
      %dma_wait3A_77 = tpu.memref_slice %arg14[%dma_wait3A, %dma_wait3A_76] : memref<5104x128xf32, #tpu.memory_space<vmem_shared>> -> memref<320x128xf32, #tpu.memory_space<vmem_shared>>
      tpu.wait_dma2 semaphore(%arg18 : memref<!tpu.dma_semaphore, #tpu.memory_space<semaphore_mem>>) src(%arg6 : memref<320x128xf32, #tpu.memory_space<hbm>>) dst(%dma_wait3A_77 : memref<320x128xf32, #tpu.memory_space<vmem_shared>>)
    } else {
    }
    %eq3A_31 = arith.constant 15 : i32
    %eq3A_32 = arith.cmpi eq, %arg1, %eq3A_31 : i32
    %convert_element_type3A_33 = arith.extui %eq3A_32 : i1 to i32
    %cond3A_34 = arith.constant 0 : i32
    %cond3A_35 = arith.cmpi ne, %convert_element_type3A_33, %cond3A_34 : i32
    scf.if %cond3A_35 {
      %dma_wait3A = arith.constant 0 : i32
      %dma_wait3A_76 = arith.constant 0 : i32
      %dma_wait3A_77 = tpu.memref_slice %arg14[%dma_wait3A, %dma_wait3A_76] : memref<5104x128xf32, #tpu.memory_space<vmem_shared>> -> memref<296x128xf32, #tpu.memory_space<vmem_shared>>
      %dma_wait3A_78 = arith.constant 0 : i32
      %dma_wait3A_79 = arith.constant 0 : i32
      %dma_wait3A_80 = tpu.memref_slice %arg6[%dma_wait3A_78, %dma_wait3A_79] : memref<320x128xf32, #tpu.memory_space<hbm>> -> memref<296x128xf32, #tpu.memory_space<hbm>>
      tpu.wait_dma2 semaphore(%arg18 : memref<!tpu.dma_semaphore, #tpu.memory_space<semaphore_mem>>) src(%dma_wait3A_80 : memref<296x128xf32, #tpu.memory_space<hbm>>) dst(%dma_wait3A_77 : memref<296x128xf32, #tpu.memory_space<vmem_shared>>)
    } else {
    }
    %barrier3A = arith.constant 0 : index
    tpu.barrier barrier_id(%barrier3A)
    %get3A = arith.constant 0 : index
    %get3A_36 = tpu.vector_load %arg13[%get3A] {strides = array<i32>} : memref<32xi32, #tpu.memory_space<vmem>>, vector<16xi32>,
    %get3A_37 = vector.shape_cast %get3A_36 : vector<16xi32> to vector<16xi32>
    %slice3A = vector.extract_strided_slice %get3A_37 {offsets = [0], sizes = [1], strides = [1]} : vector<16xi32> to vector<1xi32>
    %squeeze3A = vector.extract %slice3A[0] : i32 from vector<1xi32>
    %get3A_38 = arith.constant 16 : index
    %get3A_39 = tpu.vector_load %arg13[%get3A_38] {strides = array<i32>} : memref<32xi32, #tpu.memory_space<vmem>>, vector<16xi32>,
    %get3A_40 = vector.shape_cast %get3A_39 : vector<16xi32> to vector<16xi32>
    %slice3A_41 = vector.extract_strided_slice %get3A_40 {offsets = [0], sizes = [1], strides = [1]} : vector<16xi32> to vector<1xi32>
    %squeeze3A_42 = vector.extract %slice3A_41[0] : i32 from vector<1xi32>
    %gt3A = arith.constant 0 : i32
    %gt3A_43 = arith.cmpi sgt, %squeeze3A, %gt3A : i32
    %gt3A_44 = arith.constant -10000 : i32
    %gt3A_45 = arith.cmpi sgt, %squeeze3A_42, %gt3A_44 : i32
    %select_n3A = arith.constant true
    %select_n3A_46 = arith.select %select_n3A, %gt3A_43, %gt3A_45 : i1
    %convert_element_type3A_47 = arith.extui %select_n3A_46 : i1 to i32
    %cond3A_48 = arith.constant 0 : i32
    %cond3A_49 = arith.cmpi ne, %convert_element_type3A_47, %cond3A_48 : i32
    scf.if %cond3A_49 {
      %dma_start3A = arith.constant 0 : i32
      %dma_start3A_76 = arith.constant 0 : i32
      %dma_start3A_77 = tpu.memref_slice %arg8[%dma_start3A, %dma_start3A_76] : memref<160x125xi32, #tpu.memory_space<vmem>> -> memref<1x125xi32, #tpu.memory_space<vmem>>
      %dma_start3A_78 = tpu.memref_squeeze %dma_start3A_77 : memref<1x125xi32, #tpu.memory_space<vmem>> -> memref<125xi32, #tpu.memory_space<vmem>>
      %dma_start3A_79 = arith.constant 0 : i32
      %dma_start3A_80 = arith.constant 0 : i32
      %dma_start3A_81 = tpu.memref_slice %arg2[%dma_start3A_79, %dma_start3A_80] : memref<10000x128xf32, #tpu.memory_space<hbm>> -> memref<10000x128xf32, #tpu.memory_space<hbm>>
      tpu.enqueue_indirect_dma source(%dma_start3A_81 : memref<10000x128xf32, #tpu.memory_space<hbm>>) target(%arg10 : memref<125x128xf32, #tpu.memory_space<vmem>>) offsets(%dma_start3A_78 : memref<125xi32, #tpu.memory_space<vmem>>) semaphore(%arg15 : memref<!tpu.dma_semaphore, #tpu.memory_space<semaphore_mem>>)
    } else {
    }
    %gt3A_50 = arith.constant 125 : i32
    %gt3A_51 = arith.cmpi sgt, %squeeze3A, %gt3A_50 : i32
    %gt3A_52 = arith.constant -9875 : i32
    %gt3A_53 = arith.cmpi sgt, %squeeze3A_42, %gt3A_52 : i32
    %select_n3A_54 = arith.constant true
    %select_n3A_55 = arith.select %select_n3A_54, %gt3A_51, %gt3A_53 : i1
    %convert_element_type3A_56 = arith.extui %select_n3A_55 : i1 to i32
    %cond3A_57 = arith.constant 0 : i32
    %cond3A_58 = arith.cmpi ne, %convert_element_type3A_56, %cond3A_57 : i32
    scf.if %cond3A_58 {
      %dma_start3A = arith.constant 1 : i32
      %dma_start3A_76 = arith.constant 0 : i32
      %dma_start3A_77 = tpu.memref_slice %arg8[%dma_start3A, %dma_start3A_76] : memref<160x125xi32, #tpu.memory_space<vmem>> -> memref<1x125xi32, #tpu.memory_space<vmem>>
      %dma_start3A_78 = tpu.memref_squeeze %dma_start3A_77 : memref<1x125xi32, #tpu.memory_space<vmem>> -> memref<125xi32, #tpu.memory_space<vmem>>
      %dma_start3A_79 = arith.constant 0 : i32
      %dma_start3A_80 = arith.constant 0 : i32
      %dma_start3A_81 = tpu.memref_slice %arg2[%dma_start3A_79, %dma_start3A_80] : memref<10000x128xf32, #tpu.memory_space<hbm>> -> memref<10000x128xf32, #tpu.memory_space<hbm>>
      tpu.enqueue_indirect_dma source(%dma_start3A_81 : memref<10000x128xf32, #tpu.memory_space<hbm>>) target(%arg11 : memref<125x128xf32, #tpu.memory_space<vmem>>) offsets(%dma_start3A_78 : memref<125xi32, #tpu.memory_space<vmem>>) semaphore(%arg16 : memref<!tpu.dma_semaphore, #tpu.memory_space<semaphore_mem>>)
    } else {
    }
    %scan3A = arith.constant 0 : i32
    %scan3A_59 = arith.constant 0 : i32
    %scan3A_60 = arith.constant 54 : i32
    %scan3A_61 = arith.addi %scan3A_59, %scan3A_60 : i32
    %scan3A_62 = arith.constant 1 : i32
    %scan3A_63 = scf.for %scan3A_76 = %scan3A_59 to %scan3A_61 step %scan3A_62 iter_args(%scan3A_77 = %scan3A) -> (i32)  : i32 {
      %mul3A_78 = arith.constant 3 : i32
      %mul3A_79 = arith.muli %mul3A_78, %scan3A_76 : i32
      %add3A_80 = arith.constant 0 : i32
      %add3A_81 = arith.addi %mul3A_79, %add3A_80 : i32
      %lt3A_82 = arith.constant 80 : i32
      %lt3A_83 = arith.cmpi slt, %add3A_81, %lt3A_82 : i32
      %mul3A_84 = arith.constant 125 : i32
      %mul3A_85 = arith.muli %add3A_81, %mul3A_84 : i32
      %lt3A_86 = arith.cmpi slt, %mul3A_85, %squeeze3A : i32
      %sub3A = arith.constant 80 : i32
      %sub3A_87 = arith.subi %add3A_81, %sub3A : i32
      %mul3A_88 = arith.constant 125 : i32
      %mul3A_89 = arith.muli %sub3A_87, %mul3A_88 : i32
      %lt3A_90 = arith.cmpi slt, %mul3A_89, %squeeze3A_42 : i32
      %select_n3A_91 = arith.select %lt3A_83, %lt3A_86, %lt3A_90 : i1
      %add3A_92 = arith.constant 2 : i32
      %add3A_93 = arith.addi %add3A_81, %add3A_92 : i32
      %lt3A_94 = arith.constant 80 : i32
      %lt3A_95 = arith.cmpi slt, %add3A_93, %lt3A_94 : i32
      %mul3A_96 = arith.constant 125 : i32
      %mul3A_97 = arith.muli %add3A_93, %mul3A_96 : i32
      %lt3A_98 = arith.cmpi slt, %mul3A_97, %squeeze3A : i32
      %sub3A_99 = arith.constant 80 : i32
      %sub3A_100 = arith.subi %add3A_93, %sub3A_99 : i32
      %mul3A_101 = arith.constant 125 : i32
      %mul3A_102 = arith.muli %sub3A_100, %mul3A_101 : i32
      %lt3A_103 = arith.cmpi slt, %mul3A_102, %squeeze3A_42 : i32
      %select_n3A_104 = arith.select %lt3A_95, %lt3A_98, %lt3A_103 : i1
      %convert_element_type3A_105 = arith.extui %select_n3A_91 : i1 to i32
      %cond3A_106 = arith.constant 0 : i32
      %cond3A_107 = arith.cmpi ne, %convert_element_type3A_105, %cond3A_106 : i32
      scf.if %cond3A_107 {
        %dma_wait3A = arith.constant 0 : i32
        %dma_wait3A_185 = tpu.memref_slice %arg8[%add3A_81, %dma_wait3A] : memref<160x125xi32, #tpu.memory_space<vmem>> -> memref<1x125xi32, #tpu.memory_space<vmem>>
        %dma_wait3A_186 = tpu.memref_squeeze %dma_wait3A_185 : memref<1x125xi32, #tpu.memory_space<vmem>> -> memref<125xi32, #tpu.memory_space<vmem>>
        %dma_wait3A_187 = arith.constant 0 : i32
        %dma_wait3A_188 = arith.constant 0 : i32
        %dma_wait3A_189 = tpu.memref_slice %arg2[%dma_wait3A_187, %dma_wait3A_188] : memref<10000x128xf32, #tpu.memory_space<hbm>> -> memref<10000x128xf32, #tpu.memory_space<hbm>>
        tpu.wait_indirect_dma semaphore(%arg15 : memref<!tpu.dma_semaphore, #tpu.memory_space<semaphore_mem>>) src(%dma_wait3A_189 : memref<10000x128xf32, #tpu.memory_space<hbm>>) dst(%arg10 : memref<125x128xf32, #tpu.memory_space<vmem>>)
      } else {
      }
      %convert_element_type3A_108 = arith.extui %select_n3A_104 : i1 to i32
      %cond3A_109 = arith.constant 0 : i32
      %cond3A_110 = arith.cmpi ne, %convert_element_type3A_108, %cond3A_109 : i32
      scf.if %cond3A_110 {
        %add3A_185 = arith.constant 2 : i32
        %add3A_186 = arith.addi %add3A_81, %add3A_185 : i32
        %dma_start3A = arith.constant 0 : i32
        %dma_start3A_187 = tpu.memref_slice %arg8[%add3A_186, %dma_start3A] : memref<160x125xi32, #tpu.memory_space<vmem>> -> memref<1x125xi32, #tpu.memory_space<vmem>>
        %dma_start3A_188 = tpu.memref_squeeze %dma_start3A_187 : memref<1x125xi32, #tpu.memory_space<vmem>> -> memref<125xi32, #tpu.memory_space<vmem>>
        %dma_start3A_189 = arith.constant 0 : i32
        %dma_start3A_190 = arith.constant 0 : i32
        %dma_start3A_191 = tpu.memref_slice %arg2[%dma_start3A_189, %dma_start3A_190] : memref<10000x128xf32, #tpu.memory_space<hbm>> -> memref<10000x128xf32, #tpu.memory_space<hbm>>
        tpu.enqueue_indirect_dma source(%dma_start3A_191 : memref<10000x128xf32, #tpu.memory_space<hbm>>) target(%arg12 : memref<125x128xf32, #tpu.memory_space<vmem>>) offsets(%dma_start3A_188 : memref<125xi32, #tpu.memory_space<vmem>>) semaphore(%arg17 : memref<!tpu.dma_semaphore, #tpu.memory_space<semaphore_mem>>)
      } else {
      }
      %convert_element_type3A_111 = arith.extui %select_n3A_91 : i1 to i32
      %cond3A_112 = arith.constant 0 : i32
      %cond3A_113 = arith.cmpi ne, %convert_element_type3A_111, %cond3A_112 : i32
      scf.if %cond3A_113 {
        "tpu.region"() ({
          %run_scoped3A = tpu.sem_alloc : memref<!tpu.dma_semaphore, #tpu.memory_space<semaphore_mem>>
          %dma_start3A = arith.constant 0 : i32
          %dma_start3A_185 = tpu.memref_slice %arg9[%add3A_81, %dma_start3A] : memref<160x125xi32, #tpu.memory_space<vmem>> -> memref<1x125xi32, #tpu.memory_space<vmem>>
          %dma_start3A_186 = tpu.memref_squeeze %dma_start3A_185 : memref<1x125xi32, #tpu.memory_space<vmem>> -> memref<125xi32, #tpu.memory_space<vmem>>
          %dma_start3A_187 = arith.constant 0 : i32
          %dma_start3A_188 = arith.constant 0 : i32
          %dma_start3A_189 = tpu.memref_slice %arg14[%dma_start3A_187, %dma_start3A_188] : memref<5104x128xf32, #tpu.memory_space<vmem_shared>> -> memref<5104x128xf32, #tpu.memory_space<vmem_shared>>
          tpu.enqueue_indirect_dma source(%arg10 : memref<125x128xf32, #tpu.memory_space<vmem>>) target(%dma_start3A_189 : memref<5104x128xf32, #tpu.memory_space<vmem_shared>>) offsets(%dma_start3A_186 : memref<125xi32, #tpu.memory_space<vmem>>) semaphore(%run_scoped3A : memref<!tpu.dma_semaphore, #tpu.memory_space<semaphore_mem>>) {add = true}
          %dma_wait3A = arith.constant 0 : i32
          %dma_wait3A_190 = tpu.memref_slice %arg9[%add3A_81, %dma_wait3A] : memref<160x125xi32, #tpu.memory_space<vmem>> -> memref<1x125xi32, #tpu.memory_space<vmem>>
          %dma_wait3A_191 = tpu.memref_squeeze %dma_wait3A_190 : memref<1x125xi32, #tpu.memory_space<vmem>> -> memref<125xi32, #tpu.memory_space<vmem>>
          %dma_wait3A_192 = arith.constant 0 : i32
          %dma_wait3A_193 = arith.constant 0 : i32
          %dma_wait3A_194 = tpu.memref_slice %arg14[%dma_wait3A_192, %dma_wait3A_193] : memref<5104x128xf32, #tpu.memory_space<vmem_shared>> -> memref<5104x128xf32, #tpu.memory_space<vmem_shared>>
          tpu.wait_indirect_dma semaphore(%run_scoped3A : memref<!tpu.dma_semaphore, #tpu.memory_space<semaphore_mem>>) src(%arg10 : memref<125x128xf32, #tpu.memory_space<vmem>>) dst(%dma_wait3A_194 : memref<5104x128xf32, #tpu.memory_space<vmem_shared>>)
          tpu.yield
        }) : () -> ()
      } else {
      }
      %add3A_114 = arith.constant 1 : i32
      %add3A_115 = arith.addi %mul3A_79, %add3A_114 : i32
      %lt3A_116 = arith.constant 80 : i32
      %lt3A_117 = arith.cmpi slt, %add3A_115, %lt3A_116 : i32
      %mul3A_118 = arith.constant 125 : i32
      %mul3A_119 = arith.muli %add3A_115, %mul3A_118 : i32
      %lt3A_120 = arith.cmpi slt, %mul3A_119, %squeeze3A : i32
      %sub3A_121 = arith.constant 80 : i32
      %sub3A_122 = arith.subi %add3A_115, %sub3A_121 : i32
      %mul3A_123 = arith.constant 125 : i32
      %mul3A_124 = arith.muli %sub3A_122, %mul3A_123 : i32
      %lt3A_125 = arith.cmpi slt, %mul3A_124, %squeeze3A_42 : i32
      %select_n3A_126 = arith.select %lt3A_117, %lt3A_120, %lt3A_125 : i1
      %add3A_127 = arith.constant 2 : i32
      %add3A_128 = arith.addi %add3A_115, %add3A_127 : i32
      %lt3A_129 = arith.constant 80 : i32
      %lt3A_130 = arith.cmpi slt, %add3A_128, %lt3A_129 : i32
      %mul3A_131 = arith.constant 125 : i32
      %mul3A_132 = arith.muli %add3A_128, %mul3A_131 : i32
      %lt3A_133 = arith.cmpi slt, %mul3A_132, %squeeze3A : i32
      %sub3A_134 = arith.constant 80 : i32
      %sub3A_135 = arith.subi %add3A_128, %sub3A_134 : i32
      %mul3A_136 = arith.constant 125 : i32
      %mul3A_137 = arith.muli %sub3A_135, %mul3A_136 : i32
      %lt3A_138 = arith.cmpi slt, %mul3A_137, %squeeze3A_42 : i32
      %select_n3A_139 = arith.select %lt3A_130, %lt3A_133, %lt3A_138 : i1
      %convert_element_type3A_140 = arith.extui %select_n3A_126 : i1 to i32
      %cond3A_141 = arith.constant 0 : i32
      %cond3A_142 = arith.cmpi ne, %convert_element_type3A_140, %cond3A_141 : i32
      scf.if %cond3A_142 {
        %dma_wait3A = arith.constant 0 : i32
        %dma_wait3A_185 = tpu.memref_slice %arg8[%add3A_115, %dma_wait3A] : memref<160x125xi32, #tpu.memory_space<vmem>> -> memref<1x125xi32, #tpu.memory_space<vmem>>
        %dma_wait3A_186 = tpu.memref_squeeze %dma_wait3A_185 : memref<1x125xi32, #tpu.memory_space<vmem>> -> memref<125xi32, #tpu.memory_space<vmem>>
        %dma_wait3A_187 = arith.constant 0 : i32
        %dma_wait3A_188 = arith.constant 0 : i32
        %dma_wait3A_189 = tpu.memref_slice %arg2[%dma_wait3A_187, %dma_wait3A_188] : memref<10000x128xf32, #tpu.memory_space<hbm>> -> memref<10000x128xf32, #tpu.memory_space<hbm>>
        tpu.wait_indirect_dma semaphore(%arg16 : memref<!tpu.dma_semaphore, #tpu.memory_space<semaphore_mem>>) src(%dma_wait3A_189 : memref<10000x128xf32, #tpu.memory_space<hbm>>) dst(%arg11 : memref<125x128xf32, #tpu.memory_space<vmem>>)
      } else {
      }
      %convert_element_type3A_143 = arith.extui %select_n3A_139 : i1 to i32
      %cond3A_144 = arith.constant 0 : i32
      %cond3A_145 = arith.cmpi ne, %convert_element_type3A_143, %cond3A_144 : i32
      scf.if %cond3A_145 {
        %add3A_185 = arith.constant 2 : i32
        %add3A_186 = arith.addi %add3A_115, %add3A_185 : i32
        %dma_start3A = arith.constant 0 : i32
        %dma_start3A_187 = tpu.memref_slice %arg8[%add3A_186, %dma_start3A] : memref<160x125xi32, #tpu.memory_space<vmem>> -> memref<1x125xi32, #tpu.memory_space<vmem>>
        %dma_start3A_188 = tpu.memref_squeeze %dma_start3A_187 : memref<1x125xi32, #tpu.memory_space<vmem>> -> memref<125xi32, #tpu.memory_space<vmem>>
        %dma_start3A_189 = arith.constant 0 : i32
        %dma_start3A_190 = arith.constant 0 : i32
        %dma_start3A_191 = tpu.memref_slice %arg2[%dma_start3A_189, %dma_start3A_190] : memref<10000x128xf32, #tpu.memory_space<hbm>> -> memref<10000x128xf32, #tpu.memory_space<hbm>>
        tpu.enqueue_indirect_dma source(%dma_start3A_191 : memref<10000x128xf32, #tpu.memory_space<hbm>>) target(%arg10 : memref<125x128xf32, #tpu.memory_space<vmem>>) offsets(%dma_start3A_188 : memref<125xi32, #tpu.memory_space<vmem>>) semaphore(%arg15 : memref<!tpu.dma_semaphore, #tpu.memory_space<semaphore_mem>>)
      } else {
      }
      %convert_element_type3A_146 = arith.extui %select_n3A_126 : i1 to i32
      %cond3A_147 = arith.constant 0 : i32
      %cond3A_148 = arith.cmpi ne, %convert_element_type3A_146, %cond3A_147 : i32
      scf.if %cond3A_148 {
        "tpu.region"() ({
          %run_scoped3A = tpu.sem_alloc : memref<!tpu.dma_semaphore, #tpu.memory_space<semaphore_mem>>
          %dma_start3A = arith.constant 0 : i32
          %dma_start3A_185 = tpu.memref_slice %arg9[%add3A_115, %dma_start3A] : memref<160x125xi32, #tpu.memory_space<vmem>> -> memref<1x125xi32, #tpu.memory_space<vmem>>
          %dma_start3A_186 = tpu.memref_squeeze %dma_start3A_185 : memref<1x125xi32, #tpu.memory_space<vmem>> -> memref<125xi32, #tpu.memory_space<vmem>>
          %dma_start3A_187 = arith.constant 0 : i32
          %dma_start3A_188 = arith.constant 0 : i32
          %dma_start3A_189 = tpu.memref_slice %arg14[%dma_start3A_187, %dma_start3A_188] : memref<5104x128xf32, #tpu.memory_space<vmem_shared>> -> memref<5104x128xf32, #tpu.memory_space<vmem_shared>>
          tpu.enqueue_indirect_dma source(%arg11 : memref<125x128xf32, #tpu.memory_space<vmem>>) target(%dma_start3A_189 : memref<5104x128xf32, #tpu.memory_space<vmem_shared>>) offsets(%dma_start3A_186 : memref<125xi32, #tpu.memory_space<vmem>>) semaphore(%run_scoped3A : memref<!tpu.dma_semaphore, #tpu.memory_space<semaphore_mem>>) {add = true}
          %dma_wait3A = arith.constant 0 : i32
          %dma_wait3A_190 = tpu.memref_slice %arg9[%add3A_115, %dma_wait3A] : memref<160x125xi32, #tpu.memory_space<vmem>> -> memref<1x125xi32, #tpu.memory_space<vmem>>
          %dma_wait3A_191 = tpu.memref_squeeze %dma_wait3A_190 : memref<1x125xi32, #tpu.memory_space<vmem>> -> memref<125xi32, #tpu.memory_space<vmem>>
          %dma_wait3A_192 = arith.constant 0 : i32
          %dma_wait3A_193 = arith.constant 0 : i32
          %dma_wait3A_194 = tpu.memref_slice %arg14[%dma_wait3A_192, %dma_wait3A_193] : memref<5104x128xf32, #tpu.memory_space<vmem_shared>> -> memref<5104x128xf32, #tpu.memory_space<vmem_shared>>
          tpu.wait_indirect_dma semaphore(%run_scoped3A : memref<!tpu.dma_semaphore, #tpu.memory_space<semaphore_mem>>) src(%arg11 : memref<125x128xf32, #tpu.memory_space<vmem>>) dst(%dma_wait3A_194 : memref<5104x128xf32, #tpu.memory_space<vmem_shared>>)
          tpu.yield
        }) : () -> ()
      } else {
      }
      %add3A_149 = arith.constant 2 : i32
      %add3A_150 = arith.addi %mul3A_79, %add3A_149 : i32
      %lt3A_151 = arith.constant 80 : i32
      %lt3A_152 = arith.cmpi slt, %add3A_150, %lt3A_151 : i32
      %mul3A_153 = arith.constant 125 : i32
      %mul3A_154 = arith.muli %add3A_150, %mul3A_153 : i32
      %lt3A_155 = arith.cmpi slt, %mul3A_154, %squeeze3A : i32
      %sub3A_156 = arith.constant 80 : i32
      %sub3A_157 = arith.subi %add3A_150, %sub3A_156 : i32
      %mul3A_158 = arith.constant 125 : i32
      %mul3A_159 = arith.muli %sub3A_157, %mul3A_158 : i32
      %lt3A_160 = arith.cmpi slt, %mul3A_159, %squeeze3A_42 : i32
      %select_n3A_161 = arith.select %lt3A_152, %lt3A_155, %lt3A_160 : i1
      %add3A_162 = arith.constant 2 : i32
      %add3A_163 = arith.addi %add3A_150, %add3A_162 : i32
      %lt3A_164 = arith.constant 80 : i32
      %lt3A_165 = arith.cmpi slt, %add3A_163, %lt3A_164 : i32
      %mul3A_166 = arith.constant 125 : i32
      %mul3A_167 = arith.muli %add3A_163, %mul3A_166 : i32
      %lt3A_168 = arith.cmpi slt, %mul3A_167, %squeeze3A : i32
      %sub3A_169 = arith.constant 80 : i32
      %sub3A_170 = arith.subi %add3A_163, %sub3A_169 : i32
      %mul3A_171 = arith.constant 125 : i32
      %mul3A_172 = arith.muli %sub3A_170, %mul3A_171 : i32
      %lt3A_173 = arith.cmpi slt, %mul3A_172, %squeeze3A_42 : i32
      %select_n3A_174 = arith.select %lt3A_165, %lt3A_168, %lt3A_173 : i1
      %convert_element_type3A_175 = arith.extui %select_n3A_161 : i1 to i32
      %cond3A_176 = arith.constant 0 : i32
      %cond3A_177 = arith.cmpi ne, %convert_element_type3A_175, %cond3A_176 : i32
      scf.if %cond3A_177 {
        %dma_wait3A = arith.constant 0 : i32
        %dma_wait3A_185 = tpu.memref_slice %arg8[%add3A_150, %dma_wait3A] : memref<160x125xi32, #tpu.memory_space<vmem>> -> memref<1x125xi32, #tpu.memory_space<vmem>>
        %dma_wait3A_186 = tpu.memref_squeeze %dma_wait3A_185 : memref<1x125xi32, #tpu.memory_space<vmem>> -> memref<125xi32, #tpu.memory_space<vmem>>
        %dma_wait3A_187 = arith.constant 0 : i32
        %dma_wait3A_188 = arith.constant 0 : i32
        %dma_wait3A_189 = tpu.memref_slice %arg2[%dma_wait3A_187, %dma_wait3A_188] : memref<10000x128xf32, #tpu.memory_space<hbm>> -> memref<10000x128xf32, #tpu.memory_space<hbm>>
        tpu.wait_indirect_dma semaphore(%arg17 : memref<!tpu.dma_semaphore, #tpu.memory_space<semaphore_mem>>) src(%dma_wait3A_189 : memref<10000x128xf32, #tpu.memory_space<hbm>>) dst(%arg12 : memref<125x128xf32, #tpu.memory_space<vmem>>)
      } else {
      }
      %convert_element_type3A_178 = arith.extui %select_n3A_174 : i1 to i32
      %cond3A_179 = arith.constant 0 : i32
      %cond3A_180 = arith.cmpi ne, %convert_element_type3A_178, %cond3A_179 : i32
      scf.if %cond3A_180 {
        %add3A_185 = arith.constant 2 : i32
        %add3A_186 = arith.addi %add3A_150, %add3A_185 : i32
        %dma_start3A = arith.constant 0 : i32
        %dma_start3A_187 = tpu.memref_slice %arg8[%add3A_186, %dma_start3A] : memref<160x125xi32, #tpu.memory_space<vmem>> -> memref<1x125xi32, #tpu.memory_space<vmem>>
        %dma_start3A_188 = tpu.memref_squeeze %dma_start3A_187 : memref<1x125xi32, #tpu.memory_space<vmem>> -> memref<125xi32, #tpu.memory_space<vmem>>
        %dma_start3A_189 = arith.constant 0 : i32
        %dma_start3A_190 = arith.constant 0 : i32
        %dma_start3A_191 = tpu.memref_slice %arg2[%dma_start3A_189, %dma_start3A_190] : memref<10000x128xf32, #tpu.memory_space<hbm>> -> memref<10000x128xf32, #tpu.memory_space<hbm>>
        tpu.enqueue_indirect_dma source(%dma_start3A_191 : memref<10000x128xf32, #tpu.memory_space<hbm>>) target(%arg11 : memref<125x128xf32, #tpu.memory_space<vmem>>) offsets(%dma_start3A_188 : memref<125xi32, #tpu.memory_space<vmem>>) semaphore(%arg16 : memref<!tpu.dma_semaphore, #tpu.memory_space<semaphore_mem>>)
      } else {
      }
      %convert_element_type3A_181 = arith.extui %select_n3A_161 : i1 to i32
      %cond3A_182 = arith.constant 0 : i32
      %cond3A_183 = arith.cmpi ne, %convert_element_type3A_181, %cond3A_182 : i32
      scf.if %cond3A_183 {
        "tpu.region"() ({
          %run_scoped3A = tpu.sem_alloc : memref<!tpu.dma_semaphore, #tpu.memory_space<semaphore_mem>>
          %dma_start3A = arith.constant 0 : i32
          %dma_start3A_185 = tpu.memref_slice %arg9[%add3A_150, %dma_start3A] : memref<160x125xi32, #tpu.memory_space<vmem>> -> memref<1x125xi32, #tpu.memory_space<vmem>>
          %dma_start3A_186 = tpu.memref_squeeze %dma_start3A_185 : memref<1x125xi32, #tpu.memory_space<vmem>> -> memref<125xi32, #tpu.memory_space<vmem>>
          %dma_start3A_187 = arith.constant 0 : i32
          %dma_start3A_188 = arith.constant 0 : i32
          %dma_start3A_189 = tpu.memref_slice %arg14[%dma_start3A_187, %dma_start3A_188] : memref<5104x128xf32, #tpu.memory_space<vmem_shared>> -> memref<5104x128xf32, #tpu.memory_space<vmem_shared>>
          tpu.enqueue_indirect_dma source(%arg12 : memref<125x128xf32, #tpu.memory_space<vmem>>) target(%dma_start3A_189 : memref<5104x128xf32, #tpu.memory_space<vmem_shared>>) offsets(%dma_start3A_186 : memref<125xi32, #tpu.memory_space<vmem>>) semaphore(%run_scoped3A : memref<!tpu.dma_semaphore, #tpu.memory_space<semaphore_mem>>) {add = true}
          %dma_wait3A = arith.constant 0 : i32
          %dma_wait3A_190 = tpu.memref_slice %arg9[%add3A_150, %dma_wait3A] : memref<160x125xi32, #tpu.memory_space<vmem>> -> memref<1x125xi32, #tpu.memory_space<vmem>>
          %dma_wait3A_191 = tpu.memref_squeeze %dma_wait3A_190 : memref<1x125xi32, #tpu.memory_space<vmem>> -> memref<125xi32, #tpu.memory_space<vmem>>
          %dma_wait3A_192 = arith.constant 0 : i32
          %dma_wait3A_193 = arith.constant 0 : i32
          %dma_wait3A_194 = tpu.memref_slice %arg14[%dma_wait3A_192, %dma_wait3A_193] : memref<5104x128xf32, #tpu.memory_space<vmem_shared>> -> memref<5104x128xf32, #tpu.memory_space<vmem_shared>>
          tpu.wait_indirect_dma semaphore(%run_scoped3A : memref<!tpu.dma_semaphore, #tpu.memory_space<semaphore_mem>>) src(%arg12 : memref<125x128xf32, #tpu.memory_space<vmem>>) dst(%dma_wait3A_194 : memref<5104x128xf32, #tpu.memory_space<vmem_shared>>)
          tpu.yield
        }) : () -> ()
      } else {
      }
      %scan3A_184 = arith.constant 0 : i32
      scf.yield %scan3A_184 : i32
    }
    %scan3A_64 = arith.constant 54 : i32
    %barrier3A_65 = arith.constant 0 : index
    tpu.barrier barrier_id(%barrier3A_65)
    %lt3A_66 = arith.constant 15 : i32
    %lt3A_67 = arith.cmpi slt, %arg1, %lt3A_66 : i32
    %convert_element_type3A_68 = arith.extui %lt3A_67 : i1 to i32
    %cond3A_69 = arith.constant 0 : i32
    %cond3A_70 = arith.cmpi ne, %convert_element_type3A_68, %cond3A_69 : i32
    scf.if %cond3A_70 {
      %mul3A_76 = arith.constant 320 : i32
      %mul3A_77 = arith.muli %arg1, %mul3A_76 : i32
      %mul3A_78 = arith.constant 320 : i32
      %mul3A_79 = arith.muli %arg1, %mul3A_78 : i32
      "tpu.region"() ({
        %run_scoped3A = tpu.sem_alloc : memref<!tpu.dma_semaphore, #tpu.memory_space<semaphore_mem>>
        %dma_start3A = arith.constant 0 : i32
        %dma_start3A_80 = tpu.memref_slice %arg7[%arg0, %mul3A_79, %dma_start3A] : memref<2x5096x128xf32, #tpu.memory_space<hbm>> -> memref<1x320x128xf32, #tpu.memory_space<hbm>>
        %dma_start3A_81 = tpu.memref_squeeze %dma_start3A_80 : memref<1x320x128xf32, #tpu.memory_space<hbm>> -> memref<320x128xf32, #tpu.memory_space<hbm>>
        %dma_start3A_82 = arith.constant 0 : i32
        %dma_start3A_83 = tpu.memref_slice %arg14[%mul3A_77, %dma_start3A_82] : memref<5104x128xf32, #tpu.memory_space<vmem_shared>> -> memref<320x128xf32, #tpu.memory_space<vmem_shared>>
        tpu.enqueue_dma source(%dma_start3A_83 : memref<320x128xf32, #tpu.memory_space<vmem_shared>>) target(%dma_start3A_81 : memref<320x128xf32, #tpu.memory_space<hbm>>) target_semaphore(%run_scoped3A : memref<!tpu.dma_semaphore, #tpu.memory_space<semaphore_mem>>)
        %dma_wait3A = arith.constant 0 : i32
        %dma_wait3A_84 = tpu.memref_slice %arg7[%arg0, %mul3A_79, %dma_wait3A] : memref<2x5096x128xf32, #tpu.memory_space<hbm>> -> memref<1x320x128xf32, #tpu.memory_space<hbm>>
        %dma_wait3A_85 = tpu.memref_squeeze %dma_wait3A_84 : memref<1x320x128xf32, #tpu.memory_space<hbm>> -> memref<320x128xf32, #tpu.memory_space<hbm>>
        %dma_wait3A_86 = arith.constant 0 : i32
        %dma_wait3A_87 = tpu.memref_slice %arg14[%mul3A_77, %dma_wait3A_86] : memref<5104x128xf32, #tpu.memory_space<vmem_shared>> -> memref<320x128xf32, #tpu.memory_space<vmem_shared>>
        tpu.wait_dma2 semaphore(%run_scoped3A : memref<!tpu.dma_semaphore, #tpu.memory_space<semaphore_mem>>) src(%dma_wait3A_87 : memref<320x128xf32, #tpu.memory_space<vmem_shared>>) dst(%dma_wait3A_85 : memref<320x128xf32, #tpu.memory_space<hbm>>)
        tpu.yield
      }) : () -> ()
    } else {
    }
    %eq3A_71 = arith.constant 15 : i32
    %eq3A_72 = arith.cmpi eq, %arg1, %eq3A_71 : i32
    %convert_element_type3A_73 = arith.extui %eq3A_72 : i1 to i32
    %cond3A_74 = arith.constant 0 : i32
    %cond3A_75 = arith.cmpi ne, %convert_element_type3A_73, %cond3A_74 : i32
    scf.if %cond3A_75 {
      "tpu.region"() ({
        %run_scoped3A = tpu.sem_alloc : memref<!tpu.dma_semaphore, #tpu.memory_space<semaphore_mem>>
        %dma_start3A = arith.constant 4800 : i32
        %dma_start3A_76 = arith.constant 0 : i32
        %dma_start3A_77 = tpu.memref_slice %arg7[%arg0, %dma_start3A, %dma_start3A_76] : memref<2x5096x128xf32, #tpu.memory_space<hbm>> -> memref<1x296x128xf32, #tpu.memory_space<hbm>>
        %dma_start3A_78 = tpu.memref_squeeze %dma_start3A_77 : memref<1x296x128xf32, #tpu.memory_space<hbm>> -> memref<296x128xf32, #tpu.memory_space<hbm>>
        %dma_start3A_79 = arith.constant 4800 : i32
        %dma_start3A_80 = arith.constant 0 : i32
        %dma_start3A_81 = tpu.memref_slice %arg14[%dma_start3A_79, %dma_start3A_80] : memref<5104x128xf32, #tpu.memory_space<vmem_shared>> -> memref<296x128xf32, #tpu.memory_space<vmem_shared>>
        tpu.enqueue_dma source(%dma_start3A_81 : memref<296x128xf32, #tpu.memory_space<vmem_shared>>) target(%dma_start3A_78 : memref<296x128xf32, #tpu.memory_space<hbm>>) target_semaphore(%run_scoped3A : memref<!tpu.dma_semaphore, #tpu.memory_space<semaphore_mem>>)
        %dma_wait3A = arith.constant 4800 : i32
        %dma_wait3A_82 = arith.constant 0 : i32
        %dma_wait3A_83 = tpu.memref_slice %arg7[%arg0, %dma_wait3A, %dma_wait3A_82] : memref<2x5096x128xf32, #tpu.memory_space<hbm>> -> memref<1x296x128xf32, #tpu.memory_space<hbm>>
        %dma_wait3A_84 = tpu.memref_squeeze %dma_wait3A_83 : memref<1x296x128xf32, #tpu.memory_space<hbm>> -> memref<296x128xf32, #tpu.memory_space<hbm>>
        %dma_wait3A_85 = arith.constant 4800 : i32
        %dma_wait3A_86 = arith.constant 0 : i32
        %dma_wait3A_87 = tpu.memref_slice %arg14[%dma_wait3A_85, %dma_wait3A_86] : memref<5104x128xf32, #tpu.memory_space<vmem_shared>> -> memref<296x128xf32, #tpu.memory_space<vmem_shared>>
        tpu.wait_dma2 semaphore(%run_scoped3A : memref<!tpu.dma_semaphore, #tpu.memory_space<semaphore_mem>>) src(%dma_wait3A_87 : memref<296x128xf32, #tpu.memory_space<vmem_shared>>) dst(%dma_wait3A_84 : memref<296x128xf32, #tpu.memory_space<hbm>>)
        tpu.yield
      }) : () -> ()
    } else {
    }
    return
  }
}

#map = affine_map<(d0, d1) -> (0)>
#map1 = affine_map<(d0, d1) -> (0, 0, 0)>
#map2 = affine_map<(d0, d1) -> (0, 0)>
module attributes {stable_mosaic.version = 14 : i64} {
  func.func @_compact_body(%arg0: i32, %arg1: i32, %arg2: memref<320000xi32, #tpu.memory_space<hbm>>, %arg3: memref<320000xi32, #tpu.memory_space<hbm>>, %arg4: memref<10160xi32, #tpu.memory_space<hbm>>, %arg5: memref<10160xi32, #tpu.memory_space<hbm>>, %arg6: memref<10240xf32, #tpu.memory_space<hbm>>, %arg7: memref<32x2x10160xi32, #tpu.memory_space<hbm>>, %arg8: memref<32x2x10160xi32, #tpu.memory_space<hbm>>, %arg9: memref<32x32xi32, #tpu.memory_space<hbm>>, %arg10: memref<32x10240xf32, #tpu.memory_space<hbm>>, %arg11: memref<10000xi32, #tpu.memory_space<vmem>>, %arg12: memref<10000xi32, #tpu.memory_space<vmem>>, %arg13: memref<10160xi32, #tpu.memory_space<vmem>>, %arg14: memref<10160xi32, #tpu.memory_space<vmem>>, %arg15: memref<10160xi32, #tpu.memory_space<vmem>>, %arg16: memref<10160xi32, #tpu.memory_space<vmem>>, %arg17: memref<32xi32, #tpu.memory_space<vmem>>, %arg18: memref<10240xf32, #tpu.memory_space<vmem>>) attributes {dimension_semantics = [#tpu.dimension_semantics<core_parallel>, #tpu.dimension_semantics<subcore_parallel>], iteration_bounds = array<i64: 2, 16>, scalar_prefetch = 0 : i64, scratch_operands = 8 : i64, tpu.core_type = #tpu.core_type<sc_vector_subcore>, window_params = [{transform_indices = #map}, {transform_indices = #map}, {transform_indices = #map}, {transform_indices = #map}, {transform_indices = #map}, {transform_indices = #map1}, {transform_indices = #map1}, {transform_indices = #map2}, {transform_indices = #map2}]} {
    %mul3A = arith.constant 16 : i32
    %mul3A_0 = arith.muli %arg0, %mul3A : i32
    %add3A = arith.addi %mul3A_0, %arg1 : i32
    %mul3A_1 = arith.constant 10000 : i32
    %mul3A_2 = arith.muli %add3A, %mul3A_1 : i32
    "tpu.region"() ({
      %run_scoped3A_19 = tpu.sem_alloc : memref<!tpu.dma_semaphore, #tpu.memory_space<semaphore_mem>>
      %dma_start3A = tpu.memref_slice %arg2[%mul3A_2] : memref<320000xi32, #tpu.memory_space<hbm>> -> memref<10000xi32, #tpu.memory_space<hbm>>
      %dma_start3A_20 = tpu.memref_slice %arg2[%mul3A_2] : memref<320000xi32, #tpu.memory_space<hbm>> -> memref<10000xi32, #tpu.memory_space<hbm>>
      tpu.enqueue_dma source(%dma_start3A_20 : memref<10000xi32, #tpu.memory_space<hbm>>) target(%arg11 : memref<10000xi32, #tpu.memory_space<vmem>>) target_semaphore(%run_scoped3A_19 : memref<!tpu.dma_semaphore, #tpu.memory_space<semaphore_mem>>)
      %dma_wait3A = tpu.memref_slice %arg2[%mul3A_2] : memref<320000xi32, #tpu.memory_space<hbm>> -> memref<10000xi32, #tpu.memory_space<hbm>>
      %dma_wait3A_21 = tpu.memref_slice %arg2[%mul3A_2] : memref<320000xi32, #tpu.memory_space<hbm>> -> memref<10000xi32, #tpu.memory_space<hbm>>
      tpu.wait_dma2 semaphore(%run_scoped3A_19 : memref<!tpu.dma_semaphore, #tpu.memory_space<semaphore_mem>>) src(%dma_wait3A_21 : memref<10000xi32, #tpu.memory_space<hbm>>) dst(%arg11 : memref<10000xi32, #tpu.memory_space<vmem>>)
      tpu.yield
    }) : () -> ()
    %mul3A_3 = arith.constant 10000 : i32
    %mul3A_4 = arith.muli %add3A, %mul3A_3 : i32
    "tpu.region"() ({
      %run_scoped3A_19 = tpu.sem_alloc : memref<!tpu.dma_semaphore, #tpu.memory_space<semaphore_mem>>
      %dma_start3A = tpu.memref_slice %arg3[%mul3A_4] : memref<320000xi32, #tpu.memory_space<hbm>> -> memref<10000xi32, #tpu.memory_space<hbm>>
      %dma_start3A_20 = tpu.memref_slice %arg3[%mul3A_4] : memref<320000xi32, #tpu.memory_space<hbm>> -> memref<10000xi32, #tpu.memory_space<hbm>>
      tpu.enqueue_dma source(%dma_start3A_20 : memref<10000xi32, #tpu.memory_space<hbm>>) target(%arg12 : memref<10000xi32, #tpu.memory_space<vmem>>) target_semaphore(%run_scoped3A_19 : memref<!tpu.dma_semaphore, #tpu.memory_space<semaphore_mem>>)
      %dma_wait3A = tpu.memref_slice %arg3[%mul3A_4] : memref<320000xi32, #tpu.memory_space<hbm>> -> memref<10000xi32, #tpu.memory_space<hbm>>
      %dma_wait3A_21 = tpu.memref_slice %arg3[%mul3A_4] : memref<320000xi32, #tpu.memory_space<hbm>> -> memref<10000xi32, #tpu.memory_space<hbm>>
      tpu.wait_dma2 semaphore(%run_scoped3A_19 : memref<!tpu.dma_semaphore, #tpu.memory_space<semaphore_mem>>) src(%dma_wait3A_21 : memref<10000xi32, #tpu.memory_space<hbm>>) dst(%arg12 : memref<10000xi32, #tpu.memory_space<vmem>>)
      tpu.yield
    }) : () -> ()
    "tpu.region"() ({
      %run_scoped3A_19 = tpu.sem_alloc : memref<!tpu.dma_semaphore, #tpu.memory_space<semaphore_mem>>
      tpu.enqueue_dma source(%arg4 : memref<10160xi32, #tpu.memory_space<hbm>>) target(%arg13 : memref<10160xi32, #tpu.memory_space<vmem>>) target_semaphore(%run_scoped3A_19 : memref<!tpu.dma_semaphore, #tpu.memory_space<semaphore_mem>>)
      tpu.wait_dma2 semaphore(%run_scoped3A_19 : memref<!tpu.dma_semaphore, #tpu.memory_space<semaphore_mem>>) src(%arg4 : memref<10160xi32, #tpu.memory_space<hbm>>) dst(%arg13 : memref<10160xi32, #tpu.memory_space<vmem>>)
      tpu.yield
    }) : () -> ()
    "tpu.region"() ({
      %run_scoped3A_19 = tpu.sem_alloc : memref<!tpu.dma_semaphore, #tpu.memory_space<semaphore_mem>>
      tpu.enqueue_dma source(%arg4 : memref<10160xi32, #tpu.memory_space<hbm>>) target(%arg15 : memref<10160xi32, #tpu.memory_space<vmem>>) target_semaphore(%run_scoped3A_19 : memref<!tpu.dma_semaphore, #tpu.memory_space<semaphore_mem>>)
      tpu.wait_dma2 semaphore(%run_scoped3A_19 : memref<!tpu.dma_semaphore, #tpu.memory_space<semaphore_mem>>) src(%arg4 : memref<10160xi32, #tpu.memory_space<hbm>>) dst(%arg15 : memref<10160xi32, #tpu.memory_space<vmem>>)
      tpu.yield
    }) : () -> ()
    "tpu.region"() ({
      %run_scoped3A_19 = tpu.sem_alloc : memref<!tpu.dma_semaphore, #tpu.memory_space<semaphore_mem>>
      tpu.enqueue_dma source(%arg5 : memref<10160xi32, #tpu.memory_space<hbm>>) target(%arg14 : memref<10160xi32, #tpu.memory_space<vmem>>) target_semaphore(%run_scoped3A_19 : memref<!tpu.dma_semaphore, #tpu.memory_space<semaphore_mem>>)
      tpu.wait_dma2 semaphore(%run_scoped3A_19 : memref<!tpu.dma_semaphore, #tpu.memory_space<semaphore_mem>>) src(%arg5 : memref<10160xi32, #tpu.memory_space<hbm>>) dst(%arg14 : memref<10160xi32, #tpu.memory_space<vmem>>)
      tpu.yield
    }) : () -> ()
    "tpu.region"() ({
      %run_scoped3A_19 = tpu.sem_alloc : memref<!tpu.dma_semaphore, #tpu.memory_space<semaphore_mem>>
      tpu.enqueue_dma source(%arg5 : memref<10160xi32, #tpu.memory_space<hbm>>) target(%arg16 : memref<10160xi32, #tpu.memory_space<vmem>>) target_semaphore(%run_scoped3A_19 : memref<!tpu.dma_semaphore, #tpu.memory_space<semaphore_mem>>)
      tpu.wait_dma2 semaphore(%run_scoped3A_19 : memref<!tpu.dma_semaphore, #tpu.memory_space<semaphore_mem>>) src(%arg5 : memref<10160xi32, #tpu.memory_space<hbm>>) dst(%arg16 : memref<10160xi32, #tpu.memory_space<vmem>>)
      tpu.yield
    }) : () -> ()
    "tpu.region"() ({
      %run_scoped3A_19 = tpu.sem_alloc : memref<!tpu.dma_semaphore, #tpu.memory_space<semaphore_mem>>
      tpu.enqueue_dma source(%arg6 : memref<10240xf32, #tpu.memory_space<hbm>>) target(%arg18 : memref<10240xf32, #tpu.memory_space<vmem>>) target_semaphore(%run_scoped3A_19 : memref<!tpu.dma_semaphore, #tpu.memory_space<semaphore_mem>>)
      tpu.wait_dma2 semaphore(%run_scoped3A_19 : memref<!tpu.dma_semaphore, #tpu.memory_space<semaphore_mem>>) src(%arg6 : memref<10240xf32, #tpu.memory_space<hbm>>) dst(%arg18 : memref<10240xf32, #tpu.memory_space<vmem>>)
      tpu.yield
    }) : () -> ()
    %iota3A = tpu.iota {dimensions = array<i32: 0>} : vector<16xi32>
    %broadcast_in_dim3A = arith.constant 0 : i32
    %broadcast_in_dim3A_5 = vector.broadcast %broadcast_in_dim3A : i32 to vector<16xi32>
    %broadcast_in_dim3A_6 = arith.constant 1.000000e+00 : f32
    %broadcast_in_dim3A_7 = vector.broadcast %broadcast_in_dim3A_6 : f32 to vector<16xf32>
    %scan3A = arith.constant 0 : i32
    %scan3A_8 = arith.constant 625 : i32
    %scan3A_9 = arith.addi %scan3A, %scan3A_8 : i32
    %scan3A_10 = arith.constant 1 : i32
    %scan3A_11:2 = scf.for %scan3A_19 = %scan3A to %scan3A_9 step %scan3A_10 iter_args(%scan3A_20 = %broadcast_in_dim3A_5, %scan3A_21 = %broadcast_in_dim3A_5) -> (vector<16xi32>, vector<16xi32>)  : i32 {
      %mul3A_22 = arith.constant 16 : i32
      %mul3A_23 = arith.muli %scan3A_19, %mul3A_22 : i32
      %get3A = arith.index_cast %mul3A_23 : i32 to index
      %get3A_24 = tpu.vector_load %arg11[%get3A] {strides = array<i32>} : memref<10000xi32, #tpu.memory_space<vmem>>, vector<16xi32>,
      %mul3A_25 = arith.constant 16 : i32
      %mul3A_26 = arith.muli %scan3A_19, %mul3A_25 : i32
      %get3A_27 = arith.index_cast %mul3A_26 : i32 to index
      %get3A_28 = tpu.vector_load %arg12[%get3A_27] {strides = array<i32>} : memref<10000xi32, #tpu.memory_space<vmem>>, vector<16xi32>,
      %lt3A = arith.constant 5096 : i32
      %lt3A_29 = vector.broadcast %lt3A : i32 to vector<16xi32>
      %lt3A_30 = arith.cmpi slt, %get3A_28, %lt3A_29 : vector<16xi32>
      %convert_element_type3A = arith.extui %lt3A_30 : vector<16xi1> to vector<16xi32>
      %broadcast_in_dim3A_31 = arith.constant true
      %broadcast_in_dim3A_32 = vector.broadcast %broadcast_in_dim3A_31 : i1 to vector<16xi1>
      %masked_cumsum3A = tpu.scan <sum>, %convert_element_type3A masked %broadcast_in_dim3A_32 : vector<16xi32>, vector<16xi1> -> vector<16xi32>
      %all_reduce_population_count3A = tpu.all_reduce %lt3A_30 {dim = 0 : i64, kind = #tpu.reduction_kind<sum>} : vector<16xi1> -> vector<16xi32>
      %add3A_33 = arith.addi %scan3A_20, %masked_cumsum3A : vector<16xi32>
      %sub3A = arith.constant 1 : i32
      %sub3A_34 = vector.broadcast %sub3A : i32 to vector<16xi32>
      %sub3A_35 = arith.subi %add3A_33, %sub3A_34 : vector<16xi32>
      %add3A_36 = arith.constant 10144 : i32
      %add3A_37 = vector.broadcast %add3A_36 : i32 to vector<16xi32>
      %add3A_38 = arith.addi %add3A_37, %iota3A : vector<16xi32>
      %select_n3A = arith.select %lt3A_30, %sub3A_35, %add3A_38 : vector<16xi1>, vector<16xi32>
      %add3A_39 = arith.constant 10144 : i32
      %add3A_40 = vector.broadcast %add3A_39 : i32 to vector<16xi32>
      %add3A_41 = arith.addi %add3A_40, %iota3A : vector<16xi32>
      %add3A_42 = arith.constant 1 : i32
      %add3A_43 = vector.broadcast %add3A_42 : i32 to vector<16xi32>
      %add3A_44 = arith.addi %iota3A, %add3A_43 : vector<16xi32>
      %sub3A_45 = arith.subi %add3A_44, %masked_cumsum3A : vector<16xi32>
      %add3A_46 = arith.addi %scan3A_21, %sub3A_45 : vector<16xi32>
      %sub3A_47 = arith.constant 1 : i32
      %sub3A_48 = vector.broadcast %sub3A_47 : i32 to vector<16xi32>
      %sub3A_49 = arith.subi %add3A_46, %sub3A_48 : vector<16xi32>
      %select_n3A_50 = arith.select %lt3A_30, %add3A_41, %sub3A_49 : vector<16xi1>, vector<16xi32>
      tpu.vector_store_idx %arg13[%select_n3A], %get3A_24 : memref<10160xi32, #tpu.memory_space<vmem>>[vector<16xi32>], vector<16xi32>,
      tpu.vector_store_idx %arg14[%select_n3A], %get3A_28 : memref<10160xi32, #tpu.memory_space<vmem>>[vector<16xi32>], vector<16xi32>,
      tpu.vector_store_idx %arg15[%select_n3A_50], %get3A_24 : memref<10160xi32, #tpu.memory_space<vmem>>[vector<16xi32>], vector<16xi32>,
      %sub3A_51 = arith.constant 5096 : i32
      %sub3A_52 = vector.broadcast %sub3A_51 : i32 to vector<16xi32>
      %sub3A_53 = arith.subi %get3A_28, %sub3A_52 : vector<16xi32>
      tpu.vector_store_idx %arg16[%select_n3A_50], %sub3A_53 : memref<10160xi32, #tpu.memory_space<vmem>>[vector<16xi32>], vector<16xi32>,
      tpu.vector_store_idx %arg18[%get3A_28], %broadcast_in_dim3A_7 {add = true} : memref<10240xf32, #tpu.memory_space<vmem>>[vector<16xi32>], vector<16xf32>,
      %add3A_54 = arith.addi %scan3A_20, %all_reduce_population_count3A : vector<16xi32>
      %sub3A_55 = arith.constant 16 : i32
      %sub3A_56 = vector.broadcast %sub3A_55 : i32 to vector<16xi32>
      %sub3A_57 = arith.subi %sub3A_56, %all_reduce_population_count3A : vector<16xi32>
      %add3A_58 = arith.addi %scan3A_21, %sub3A_57 : vector<16xi32>
      scf.yield %add3A_54, %add3A_58 : vector<16xi32>, vector<16xi32>
    }
    %scan3A_12 = arith.constant 625 : i32
    %run_scoped3A = arith.constant 0 : i32
    "tpu.region"() ({
      %run_scoped3A_19 = tpu.sem_alloc : memref<!tpu.dma_semaphore, #tpu.memory_space<semaphore_mem>>
      %dma_start3A = arith.constant 0 : i32
      %dma_start3A_20 = tpu.memref_slice %arg7[%add3A, %run_scoped3A, %dma_start3A] : memref<32x2x10160xi32, #tpu.memory_space<hbm>> -> memref<1x1x10160xi32, #tpu.memory_space<hbm>>
      %dma_start3A_21 = tpu.memref_squeeze %dma_start3A_20 : memref<1x1x10160xi32, #tpu.memory_space<hbm>> -> memref<10160xi32, #tpu.memory_space<hbm>>
      %dma_start3A_22 = arith.constant 0 : i32
      %dma_start3A_23 = tpu.memref_slice %arg7[%add3A, %run_scoped3A, %dma_start3A_22] : memref<32x2x10160xi32, #tpu.memory_space<hbm>> -> memref<1x1x10160xi32, #tpu.memory_space<hbm>>
      %dma_start3A_24 = tpu.memref_squeeze %dma_start3A_23 : memref<1x1x10160xi32, #tpu.memory_space<hbm>> -> memref<10160xi32, #tpu.memory_space<hbm>>
      tpu.enqueue_dma source(%arg13 : memref<10160xi32, #tpu.memory_space<vmem>>) target(%dma_start3A_24 : memref<10160xi32, #tpu.memory_space<hbm>>) target_semaphore(%run_scoped3A_19 : memref<!tpu.dma_semaphore, #tpu.memory_space<semaphore_mem>>)
      %dma_wait3A = arith.constant 0 : i32
      %dma_wait3A_25 = tpu.memref_slice %arg7[%add3A, %run_scoped3A, %dma_wait3A] : memref<32x2x10160xi32, #tpu.memory_space<hbm>> -> memref<1x1x10160xi32, #tpu.memory_space<hbm>>
      %dma_wait3A_26 = tpu.memref_squeeze %dma_wait3A_25 : memref<1x1x10160xi32, #tpu.memory_space<hbm>> -> memref<10160xi32, #tpu.memory_space<hbm>>
      %dma_wait3A_27 = arith.constant 0 : i32
      %dma_wait3A_28 = tpu.memref_slice %arg7[%add3A, %run_scoped3A, %dma_wait3A_27] : memref<32x2x10160xi32, #tpu.memory_space<hbm>> -> memref<1x1x10160xi32, #tpu.memory_space<hbm>>
      %dma_wait3A_29 = tpu.memref_squeeze %dma_wait3A_28 : memref<1x1x10160xi32, #tpu.memory_space<hbm>> -> memref<10160xi32, #tpu.memory_space<hbm>>
      tpu.wait_dma2 semaphore(%run_scoped3A_19 : memref<!tpu.dma_semaphore, #tpu.memory_space<semaphore_mem>>) src(%arg13 : memref<10160xi32, #tpu.memory_space<vmem>>) dst(%dma_wait3A_29 : memref<10160xi32, #tpu.memory_space<hbm>>)
      tpu.yield
    }) : () -> ()
    %run_scoped3A_13 = arith.constant 0 : i32
    "tpu.region"() ({
      %run_scoped3A_19 = tpu.sem_alloc : memref<!tpu.dma_semaphore, #tpu.memory_space<semaphore_mem>>
      %dma_start3A = arith.constant 0 : i32
      %dma_start3A_20 = tpu.memref_slice %arg8[%add3A, %run_scoped3A_13, %dma_start3A] : memref<32x2x10160xi32, #tpu.memory_space<hbm>> -> memref<1x1x10160xi32, #tpu.memory_space<hbm>>
      %dma_start3A_21 = tpu.memref_squeeze %dma_start3A_20 : memref<1x1x10160xi32, #tpu.memory_space<hbm>> -> memref<10160xi32, #tpu.memory_space<hbm>>
      %dma_start3A_22 = arith.constant 0 : i32
      %dma_start3A_23 = tpu.memref_slice %arg8[%add3A, %run_scoped3A_13, %dma_start3A_22] : memref<32x2x10160xi32, #tpu.memory_space<hbm>> -> memref<1x1x10160xi32, #tpu.memory_space<hbm>>
      %dma_start3A_24 = tpu.memref_squeeze %dma_start3A_23 : memref<1x1x10160xi32, #tpu.memory_space<hbm>> -> memref<10160xi32, #tpu.memory_space<hbm>>
      tpu.enqueue_dma source(%arg14 : memref<10160xi32, #tpu.memory_space<vmem>>) target(%dma_start3A_24 : memref<10160xi32, #tpu.memory_space<hbm>>) target_semaphore(%run_scoped3A_19 : memref<!tpu.dma_semaphore, #tpu.memory_space<semaphore_mem>>)
      %dma_wait3A = arith.constant 0 : i32
      %dma_wait3A_25 = tpu.memref_slice %arg8[%add3A, %run_scoped3A_13, %dma_wait3A] : memref<32x2x10160xi32, #tpu.memory_space<hbm>> -> memref<1x1x10160xi32, #tpu.memory_space<hbm>>
      %dma_wait3A_26 = tpu.memref_squeeze %dma_wait3A_25 : memref<1x1x10160xi32, #tpu.memory_space<hbm>> -> memref<10160xi32, #tpu.memory_space<hbm>>
      %dma_wait3A_27 = arith.constant 0 : i32
      %dma_wait3A_28 = tpu.memref_slice %arg8[%add3A, %run_scoped3A_13, %dma_wait3A_27] : memref<32x2x10160xi32, #tpu.memory_space<hbm>> -> memref<1x1x10160xi32, #tpu.memory_space<hbm>>
      %dma_wait3A_29 = tpu.memref_squeeze %dma_wait3A_28 : memref<1x1x10160xi32, #tpu.memory_space<hbm>> -> memref<10160xi32, #tpu.memory_space<hbm>>
      tpu.wait_dma2 semaphore(%run_scoped3A_19 : memref<!tpu.dma_semaphore, #tpu.memory_space<semaphore_mem>>) src(%arg14 : memref<10160xi32, #tpu.memory_space<vmem>>) dst(%dma_wait3A_29 : memref<10160xi32, #tpu.memory_space<hbm>>)
      tpu.yield
    }) : () -> ()
    %run_scoped3A_14 = arith.constant 1 : i32
    "tpu.region"() ({
      %run_scoped3A_19 = tpu.sem_alloc : memref<!tpu.dma_semaphore, #tpu.memory_space<semaphore_mem>>
      %dma_start3A = arith.constant 0 : i32
      %dma_start3A_20 = tpu.memref_slice %arg7[%add3A, %run_scoped3A_14, %dma_start3A] : memref<32x2x10160xi32, #tpu.memory_space<hbm>> -> memref<1x1x10160xi32, #tpu.memory_space<hbm>>
      %dma_start3A_21 = tpu.memref_squeeze %dma_start3A_20 : memref<1x1x10160xi32, #tpu.memory_space<hbm>> -> memref<10160xi32, #tpu.memory_space<hbm>>
      %dma_start3A_22 = arith.constant 0 : i32
      %dma_start3A_23 = tpu.memref_slice %arg7[%add3A, %run_scoped3A_14, %dma_start3A_22] : memref<32x2x10160xi32, #tpu.memory_space<hbm>> -> memref<1x1x10160xi32, #tpu.memory_space<hbm>>
      %dma_start3A_24 = tpu.memref_squeeze %dma_start3A_23 : memref<1x1x10160xi32, #tpu.memory_space<hbm>> -> memref<10160xi32, #tpu.memory_space<hbm>>
      tpu.enqueue_dma source(%arg15 : memref<10160xi32, #tpu.memory_space<vmem>>) target(%dma_start3A_24 : memref<10160xi32, #tpu.memory_space<hbm>>) target_semaphore(%run_scoped3A_19 : memref<!tpu.dma_semaphore, #tpu.memory_space<semaphore_mem>>)
      %dma_wait3A = arith.constant 0 : i32
      %dma_wait3A_25 = tpu.memref_slice %arg7[%add3A, %run_scoped3A_14, %dma_wait3A] : memref<32x2x10160xi32, #tpu.memory_space<hbm>> -> memref<1x1x10160xi32, #tpu.memory_space<hbm>>
      %dma_wait3A_26 = tpu.memref_squeeze %dma_wait3A_25 : memref<1x1x10160xi32, #tpu.memory_space<hbm>> -> memref<10160xi32, #tpu.memory_space<hbm>>
      %dma_wait3A_27 = arith.constant 0 : i32
      %dma_wait3A_28 = tpu.memref_slice %arg7[%add3A, %run_scoped3A_14, %dma_wait3A_27] : memref<32x2x10160xi32, #tpu.memory_space<hbm>> -> memref<1x1x10160xi32, #tpu.memory_space<hbm>>
      %dma_wait3A_29 = tpu.memref_squeeze %dma_wait3A_28 : memref<1x1x10160xi32, #tpu.memory_space<hbm>> -> memref<10160xi32, #tpu.memory_space<hbm>>
      tpu.wait_dma2 semaphore(%run_scoped3A_19 : memref<!tpu.dma_semaphore, #tpu.memory_space<semaphore_mem>>) src(%arg15 : memref<10160xi32, #tpu.memory_space<vmem>>) dst(%dma_wait3A_29 : memref<10160xi32, #tpu.memory_space<hbm>>)
      tpu.yield
    }) : () -> ()
    %run_scoped3A_15 = arith.constant 1 : i32
    "tpu.region"() ({
      %run_scoped3A_19 = tpu.sem_alloc : memref<!tpu.dma_semaphore, #tpu.memory_space<semaphore_mem>>
      %dma_start3A = arith.constant 0 : i32
      %dma_start3A_20 = tpu.memref_slice %arg8[%add3A, %run_scoped3A_15, %dma_start3A] : memref<32x2x10160xi32, #tpu.memory_space<hbm>> -> memref<1x1x10160xi32, #tpu.memory_space<hbm>>
      %dma_start3A_21 = tpu.memref_squeeze %dma_start3A_20 : memref<1x1x10160xi32, #tpu.memory_space<hbm>> -> memref<10160xi32, #tpu.memory_space<hbm>>
      %dma_start3A_22 = arith.constant 0 : i32
      %dma_start3A_23 = tpu.memref_slice %arg8[%add3A, %run_scoped3A_15, %dma_start3A_22] : memref<32x2x10160xi32, #tpu.memory_space<hbm>> -> memref<1x1x10160xi32, #tpu.memory_space<hbm>>
      %dma_start3A_24 = tpu.memref_squeeze %dma_start3A_23 : memref<1x1x10160xi32, #tpu.memory_space<hbm>> -> memref<10160xi32, #tpu.memory_space<hbm>>
      tpu.enqueue_dma source(%arg16 : memref<10160xi32, #tpu.memory_space<vmem>>) target(%dma_start3A_24 : memref<10160xi32, #tpu.memory_space<hbm>>) target_semaphore(%run_scoped3A_19 : memref<!tpu.dma_semaphore, #tpu.memory_space<semaphore_mem>>)
      %dma_wait3A = arith.constant 0 : i32
      %dma_wait3A_25 = tpu.memref_slice %arg8[%add3A, %run_scoped3A_15, %dma_wait3A] : memref<32x2x10160xi32, #tpu.memory_space<hbm>> -> memref<1x1x10160xi32, #tpu.memory_space<hbm>>
      %dma_wait3A_26 = tpu.memref_squeeze %dma_wait3A_25 : memref<1x1x10160xi32, #tpu.memory_space<hbm>> -> memref<10160xi32, #tpu.memory_space<hbm>>
      %dma_wait3A_27 = arith.constant 0 : i32
      %dma_wait3A_28 = tpu.memref_slice %arg8[%add3A, %run_scoped3A_15, %dma_wait3A_27] : memref<32x2x10160xi32, #tpu.memory_space<hbm>> -> memref<1x1x10160xi32, #tpu.memory_space<hbm>>
      %dma_wait3A_29 = tpu.memref_squeeze %dma_wait3A_28 : memref<1x1x10160xi32, #tpu.memory_space<hbm>> -> memref<10160xi32, #tpu.memory_space<hbm>>
      tpu.wait_dma2 semaphore(%run_scoped3A_19 : memref<!tpu.dma_semaphore, #tpu.memory_space<semaphore_mem>>) src(%arg16 : memref<10160xi32, #tpu.memory_space<vmem>>) dst(%dma_wait3A_29 : memref<10160xi32, #tpu.memory_space<hbm>>)
      tpu.yield
    }) : () -> ()
    "tpu.region"() ({
      %run_scoped3A_19 = tpu.sem_alloc : memref<!tpu.dma_semaphore, #tpu.memory_space<semaphore_mem>>
      %dma_start3A = arith.constant 0 : i32
      %dma_start3A_20 = tpu.memref_slice %arg10[%add3A, %dma_start3A] : memref<32x10240xf32, #tpu.memory_space<hbm>> -> memref<1x10240xf32, #tpu.memory_space<hbm>>
      %dma_start3A_21 = tpu.memref_squeeze %dma_start3A_20 : memref<1x10240xf32, #tpu.memory_space<hbm>> -> memref<10240xf32, #tpu.memory_space<hbm>>
      %dma_start3A_22 = arith.constant 0 : i32
      %dma_start3A_23 = tpu.memref_slice %arg10[%add3A, %dma_start3A_22] : memref<32x10240xf32, #tpu.memory_space<hbm>> -> memref<1x10240xf32, #tpu.memory_space<hbm>>
      %dma_start3A_24 = tpu.memref_squeeze %dma_start3A_23 : memref<1x10240xf32, #tpu.memory_space<hbm>> -> memref<10240xf32, #tpu.memory_space<hbm>>
      tpu.enqueue_dma source(%arg18 : memref<10240xf32, #tpu.memory_space<vmem>>) target(%dma_start3A_24 : memref<10240xf32, #tpu.memory_space<hbm>>) target_semaphore(%run_scoped3A_19 : memref<!tpu.dma_semaphore, #tpu.memory_space<semaphore_mem>>)
      %dma_wait3A = arith.constant 0 : i32
      %dma_wait3A_25 = tpu.memref_slice %arg10[%add3A, %dma_wait3A] : memref<32x10240xf32, #tpu.memory_space<hbm>> -> memref<1x10240xf32, #tpu.memory_space<hbm>>
      %dma_wait3A_26 = tpu.memref_squeeze %dma_wait3A_25 : memref<1x10240xf32, #tpu.memory_space<hbm>> -> memref<10240xf32, #tpu.memory_space<hbm>>
      %dma_wait3A_27 = arith.constant 0 : i32
      %dma_wait3A_28 = tpu.memref_slice %arg10[%add3A, %dma_wait3A_27] : memref<32x10240xf32, #tpu.memory_space<hbm>> -> memref<1x10240xf32, #tpu.memory_space<hbm>>
      %dma_wait3A_29 = tpu.memref_squeeze %dma_wait3A_28 : memref<1x10240xf32, #tpu.memory_space<hbm>> -> memref<10240xf32, #tpu.memory_space<hbm>>
      tpu.wait_dma2 semaphore(%run_scoped3A_19 : memref<!tpu.dma_semaphore, #tpu.memory_space<semaphore_mem>>) src(%arg18 : memref<10240xf32, #tpu.memory_space<vmem>>) dst(%dma_wait3A_29 : memref<10240xf32, #tpu.memory_space<hbm>>)
      tpu.yield
    }) : () -> ()
    %swap3A = arith.constant 0 : index
    %swap3A_16 = tpu.vector_load %arg17[%swap3A] {strides = array<i32>} : memref<32xi32, #tpu.memory_space<vmem>>, vector<16xi32>,
    tpu.vector_store %arg17[%swap3A], %scan3A_11#0 {strides = array<i32>} : memref<32xi32, #tpu.memory_space<vmem>>, vector<16xi32>,
    %swap3A_17 = arith.constant 16 : index
    %swap3A_18 = tpu.vector_load %arg17[%swap3A_17] {strides = array<i32>} : memref<32xi32, #tpu.memory_space<vmem>>, vector<16xi32>,
    tpu.vector_store %arg17[%swap3A_17], %scan3A_11#1 {strides = array<i32>} : memref<32xi32, #tpu.memory_space<vmem>>, vector<16xi32>,
    "tpu.region"() ({
      %run_scoped3A_19 = tpu.sem_alloc : memref<!tpu.dma_semaphore, #tpu.memory_space<semaphore_mem>>
      %dma_start3A = arith.constant 0 : i32
      %dma_start3A_20 = tpu.memref_slice %arg9[%add3A, %dma_start3A] : memref<32x32xi32, #tpu.memory_space<hbm>> -> memref<1x32xi32, #tpu.memory_space<hbm>>
      %dma_start3A_21 = tpu.memref_squeeze %dma_start3A_20 : memref<1x32xi32, #tpu.memory_space<hbm>> -> memref<32xi32, #tpu.memory_space<hbm>>
      %dma_start3A_22 = arith.constant 0 : i32
      %dma_start3A_23 = tpu.memref_slice %arg9[%add3A, %dma_start3A_22] : memref<32x32xi32, #tpu.memory_space<hbm>> -> memref<1x32xi32, #tpu.memory_space<hbm>>
      %dma_start3A_24 = tpu.memref_squeeze %dma_start3A_23 : memref<1x32xi32, #tpu.memory_space<hbm>> -> memref<32xi32, #tpu.memory_space<hbm>>
      tpu.enqueue_dma source(%arg17 : memref<32xi32, #tpu.memory_space<vmem>>) target(%dma_start3A_24 : memref<32xi32, #tpu.memory_space<hbm>>) target_semaphore(%run_scoped3A_19 : memref<!tpu.dma_semaphore, #tpu.memory_space<semaphore_mem>>)
      %dma_wait3A = arith.constant 0 : i32
      %dma_wait3A_25 = tpu.memref_slice %arg9[%add3A, %dma_wait3A] : memref<32x32xi32, #tpu.memory_space<hbm>> -> memref<1x32xi32, #tpu.memory_space<hbm>>
      %dma_wait3A_26 = tpu.memref_squeeze %dma_wait3A_25 : memref<1x32xi32, #tpu.memory_space<hbm>> -> memref<32xi32, #tpu.memory_space<hbm>>
      %dma_wait3A_27 = arith.constant 0 : i32
      %dma_wait3A_28 = tpu.memref_slice %arg9[%add3A, %dma_wait3A_27] : memref<32x32xi32, #tpu.memory_space<hbm>> -> memref<1x32xi32, #tpu.memory_space<hbm>>
      %dma_wait3A_29 = tpu.memref_squeeze %dma_wait3A_28 : memref<1x32xi32, #tpu.memory_space<hbm>> -> memref<32xi32, #tpu.memory_space<hbm>>
      tpu.wait_dma2 semaphore(%run_scoped3A_19 : memref<!tpu.dma_semaphore, #tpu.memory_space<semaphore_mem>>) src(%arg17 : memref<32xi32, #tpu.memory_space<vmem>>) dst(%dma_wait3A_29 : memref<32xi32, #tpu.memory_space<hbm>>)
      tpu.yield
    }) : () -> ()
    return
  }
}

#map = affine_map<(d0, d1) -> (0, 0)>
#map1 = affine_map<(d0, d1) -> (0, 0, 0, 0)>
#map2 = affine_map<(d0, d1) -> (0, 0, 0)>
module attributes {stable_mosaic.version = 14 : i64} {
  func.func @_segsum_body(%arg0: i32, %arg1: i32, %arg2: memref<10000x128xf32, #tpu.memory_space<hbm>>, %arg3: memref<32x2x80x125xi32, #tpu.memory_space<hbm>>, %arg4: memref<32x2x80x125xi32, #tpu.memory_space<hbm>>, %arg5: memref<32x32xi32, #tpu.memory_space<hbm>>, %arg6: memref<320x128xf32, #tpu.memory_space<hbm>>, %arg7: memref<2x5096x128xf32, #tpu.memory_space<hbm>>, %arg8: memref<160x125xi32, #tpu.memory_space<vmem>>, %arg9: memref<160x125xi32, #tpu.memory_space<vmem>>, %arg10: memref<125x128xf32, #tpu.memory_space<vmem>>, %arg11: memref<125x128xf32, #tpu.memory_space<vmem>>, %arg12: memref<125x128xf32, #tpu.memory_space<vmem>>, %arg13: memref<32xi32, #tpu.memory_space<vmem>>, %arg14: memref<5104x128xf32, #tpu.memory_space<vmem_shared>>, %arg15: memref<!tpu.dma_semaphore, #tpu.memory_space<semaphore_mem>>, %arg16: memref<!tpu.dma_semaphore, #tpu.memory_space<semaphore_mem>>, %arg17: memref<!tpu.dma_semaphore, #tpu.memory_space<semaphore_mem>>, %arg18: memref<!tpu.dma_semaphore, #tpu.memory_space<semaphore_mem>>) attributes {dimension_semantics = [#tpu.dimension_semantics<core_parallel>, #tpu.dimension_semantics<subcore_parallel>], iteration_bounds = array<i64: 2, 16>, scalar_prefetch = 0 : i64, scratch_operands = 11 : i64, tpu.core_type = #tpu.core_type<sc_vector_subcore>, window_params = [{transform_indices = #map}, {transform_indices = #map1}, {transform_indices = #map1}, {transform_indices = #map}, {transform_indices = #map}, {transform_indices = #map2}]} {
    %lt3A = arith.constant 15 : i32
    %lt3A_0 = arith.cmpi slt, %arg1, %lt3A : i32
    %convert_element_type3A = arith.extui %lt3A_0 : i1 to i32
    %cond3A = arith.constant 0 : i32
    %cond3A_1 = arith.cmpi ne, %convert_element_type3A, %cond3A : i32
    scf.if %cond3A_1 {
      %mul3A_76 = arith.constant 320 : i32
      %mul3A_77 = arith.muli %arg1, %mul3A_76 : i32
      %dma_start3A = arith.constant 0 : i32
      %dma_start3A_78 = tpu.memref_slice %arg14[%mul3A_77, %dma_start3A] : memref<5104x128xf32, #tpu.memory_space<vmem_shared>> -> memref<320x128xf32, #tpu.memory_space<vmem_shared>>
      tpu.enqueue_dma source(%arg6 : memref<320x128xf32, #tpu.memory_space<hbm>>) target(%dma_start3A_78 : memref<320x128xf32, #tpu.memory_space<vmem_shared>>) target_semaphore(%arg18 : memref<!tpu.dma_semaphore, #tpu.memory_space<semaphore_mem>>)
    } else {
    }
    %eq3A = arith.constant 15 : i32
    %eq3A_2 = arith.cmpi eq, %arg1, %eq3A : i32
    %convert_element_type3A_3 = arith.extui %eq3A_2 : i1 to i32
    %cond3A_4 = arith.constant 0 : i32
    %cond3A_5 = arith.cmpi ne, %convert_element_type3A_3, %cond3A_4 : i32
    scf.if %cond3A_5 {
      %dma_start3A = arith.constant 4800 : i32
      %dma_start3A_76 = arith.constant 0 : i32
      %dma_start3A_77 = tpu.memref_slice %arg14[%dma_start3A, %dma_start3A_76] : memref<5104x128xf32, #tpu.memory_space<vmem_shared>> -> memref<296x128xf32, #tpu.memory_space<vmem_shared>>
      %dma_start3A_78 = arith.constant 0 : i32
      %dma_start3A_79 = arith.constant 0 : i32
      %dma_start3A_80 = tpu.memref_slice %arg6[%dma_start3A_78, %dma_start3A_79] : memref<320x128xf32, #tpu.memory_space<hbm>> -> memref<296x128xf32, #tpu.memory_space<hbm>>
      tpu.enqueue_dma source(%dma_start3A_80 : memref<296x128xf32, #tpu.memory_space<hbm>>) target(%dma_start3A_77 : memref<296x128xf32, #tpu.memory_space<vmem_shared>>) target_semaphore(%arg18 : memref<!tpu.dma_semaphore, #tpu.memory_space<semaphore_mem>>)
    } else {
    }
    %mul3A = arith.constant 2 : i32
    %mul3A_6 = arith.muli %mul3A, %arg1 : i32
    "tpu.region"() ({
      %run_scoped3A = tpu.sem_alloc : memref<!tpu.dma_semaphore, #tpu.memory_space<semaphore_mem>>
      %dma_start3A = arith.constant 0 : i32
      %dma_start3A_76 = arith.constant 0 : i32
      %dma_start3A_77 = tpu.memref_slice %arg8[%dma_start3A, %dma_start3A_76] : memref<160x125xi32, #tpu.memory_space<vmem>> -> memref<80x125xi32, #tpu.memory_space<vmem>>
      %dma_start3A_78 = arith.constant 0 : i32
      %dma_start3A_79 = arith.constant 0 : i32
      %dma_start3A_80 = tpu.memref_slice %arg3[%mul3A_6, %arg0, %dma_start3A_78, %dma_start3A_79] : memref<32x2x80x125xi32, #tpu.memory_space<hbm>> -> memref<1x1x80x125xi32, #tpu.memory_space<hbm>>
      %dma_start3A_81 = tpu.memref_squeeze %dma_start3A_80 : memref<1x1x80x125xi32, #tpu.memory_space<hbm>> -> memref<80x125xi32, #tpu.memory_space<hbm>>
      %dma_start3A_82 = arith.constant 0 : i32
      %dma_start3A_83 = arith.constant 0 : i32
      %dma_start3A_84 = tpu.memref_slice %arg8[%dma_start3A_82, %dma_start3A_83] : memref<160x125xi32, #tpu.memory_space<vmem>> -> memref<80x125xi32, #tpu.memory_space<vmem>>
      %dma_start3A_85 = arith.constant 0 : i32
      %dma_start3A_86 = arith.constant 0 : i32
      %dma_start3A_87 = tpu.memref_slice %arg3[%mul3A_6, %arg0, %dma_start3A_85, %dma_start3A_86] : memref<32x2x80x125xi32, #tpu.memory_space<hbm>> -> memref<1x1x80x125xi32, #tpu.memory_space<hbm>>
      %dma_start3A_88 = tpu.memref_squeeze %dma_start3A_87 : memref<1x1x80x125xi32, #tpu.memory_space<hbm>> -> memref<80x125xi32, #tpu.memory_space<hbm>>
      tpu.enqueue_dma source(%dma_start3A_88 : memref<80x125xi32, #tpu.memory_space<hbm>>) target(%dma_start3A_84 : memref<80x125xi32, #tpu.memory_space<vmem>>) target_semaphore(%run_scoped3A : memref<!tpu.dma_semaphore, #tpu.memory_space<semaphore_mem>>)
      %dma_wait3A = arith.constant 0 : i32
      %dma_wait3A_89 = arith.constant 0 : i32
      %dma_wait3A_90 = tpu.memref_slice %arg8[%dma_wait3A, %dma_wait3A_89] : memref<160x125xi32, #tpu.memory_space<vmem>> -> memref<80x125xi32, #tpu.memory_space<vmem>>
      %dma_wait3A_91 = arith.constant 0 : i32
      %dma_wait3A_92 = arith.constant 0 : i32
      %dma_wait3A_93 = tpu.memref_slice %arg3[%mul3A_6, %arg0, %dma_wait3A_91, %dma_wait3A_92] : memref<32x2x80x125xi32, #tpu.memory_space<hbm>> -> memref<1x1x80x125xi32, #tpu.memory_space<hbm>>
      %dma_wait3A_94 = tpu.memref_squeeze %dma_wait3A_93 : memref<1x1x80x125xi32, #tpu.memory_space<hbm>> -> memref<80x125xi32, #tpu.memory_space<hbm>>
      %dma_wait3A_95 = arith.constant 0 : i32
      %dma_wait3A_96 = arith.constant 0 : i32
      %dma_wait3A_97 = tpu.memref_slice %arg8[%dma_wait3A_95, %dma_wait3A_96] : memref<160x125xi32, #tpu.memory_space<vmem>> -> memref<80x125xi32, #tpu.memory_space<vmem>>
      %dma_wait3A_98 = arith.constant 0 : i32
      %dma_wait3A_99 = arith.constant 0 : i32
      %dma_wait3A_100 = tpu.memref_slice %arg3[%mul3A_6, %arg0, %dma_wait3A_98, %dma_wait3A_99] : memref<32x2x80x125xi32, #tpu.memory_space<hbm>> -> memref<1x1x80x125xi32, #tpu.memory_space<hbm>>
      %dma_wait3A_101 = tpu.memref_squeeze %dma_wait3A_100 : memref<1x1x80x125xi32, #tpu.memory_space<hbm>> -> memref<80x125xi32, #tpu.memory_space<hbm>>
      tpu.wait_dma2 semaphore(%run_scoped3A : memref<!tpu.dma_semaphore, #tpu.memory_space<semaphore_mem>>) src(%dma_wait3A_101 : memref<80x125xi32, #tpu.memory_space<hbm>>) dst(%dma_wait3A_97 : memref<80x125xi32, #tpu.memory_space<vmem>>)
      tpu.yield
    }) : () -> ()
    %mul3A_7 = arith.constant 2 : i32
    %mul3A_8 = arith.muli %mul3A_7, %arg1 : i32
    %add3A = arith.constant 1 : i32
    %add3A_9 = arith.addi %mul3A_8, %add3A : i32
    "tpu.region"() ({
      %run_scoped3A = tpu.sem_alloc : memref<!tpu.dma_semaphore, #tpu.memory_space<semaphore_mem>>
      %dma_start3A = arith.constant 80 : i32
      %dma_start3A_76 = arith.constant 0 : i32
      %dma_start3A_77 = tpu.memref_slice %arg8[%dma_start3A, %dma_start3A_76] : memref<160x125xi32, #tpu.memory_space<vmem>> -> memref<80x125xi32, #tpu.memory_space<vmem>>
      %dma_start3A_78 = arith.constant 0 : i32
      %dma_start3A_79 = arith.constant 0 : i32
      %dma_start3A_80 = tpu.memref_slice %arg3[%add3A_9, %arg0, %dma_start3A_78, %dma_start3A_79] : memref<32x2x80x125xi32, #tpu.memory_space<hbm>> -> memref<1x1x80x125xi32, #tpu.memory_space<hbm>>
      %dma_start3A_81 = tpu.memref_squeeze %dma_start3A_80 : memref<1x1x80x125xi32, #tpu.memory_space<hbm>> -> memref<80x125xi32, #tpu.memory_space<hbm>>
      %dma_start3A_82 = arith.constant 80 : i32
      %dma_start3A_83 = arith.constant 0 : i32
      %dma_start3A_84 = tpu.memref_slice %arg8[%dma_start3A_82, %dma_start3A_83] : memref<160x125xi32, #tpu.memory_space<vmem>> -> memref<80x125xi32, #tpu.memory_space<vmem>>
      %dma_start3A_85 = arith.constant 0 : i32
      %dma_start3A_86 = arith.constant 0 : i32
      %dma_start3A_87 = tpu.memref_slice %arg3[%add3A_9, %arg0, %dma_start3A_85, %dma_start3A_86] : memref<32x2x80x125xi32, #tpu.memory_space<hbm>> -> memref<1x1x80x125xi32, #tpu.memory_space<hbm>>
      %dma_start3A_88 = tpu.memref_squeeze %dma_start3A_87 : memref<1x1x80x125xi32, #tpu.memory_space<hbm>> -> memref<80x125xi32, #tpu.memory_space<hbm>>
      tpu.enqueue_dma source(%dma_start3A_88 : memref<80x125xi32, #tpu.memory_space<hbm>>) target(%dma_start3A_84 : memref<80x125xi32, #tpu.memory_space<vmem>>) target_semaphore(%run_scoped3A : memref<!tpu.dma_semaphore, #tpu.memory_space<semaphore_mem>>)
      %dma_wait3A = arith.constant 80 : i32
      %dma_wait3A_89 = arith.constant 0 : i32
      %dma_wait3A_90 = tpu.memref_slice %arg8[%dma_wait3A, %dma_wait3A_89] : memref<160x125xi32, #tpu.memory_space<vmem>> -> memref<80x125xi32, #tpu.memory_space<vmem>>
      %dma_wait3A_91 = arith.constant 0 : i32
      %dma_wait3A_92 = arith.constant 0 : i32
      %dma_wait3A_93 = tpu.memref_slice %arg3[%add3A_9, %arg0, %dma_wait3A_91, %dma_wait3A_92] : memref<32x2x80x125xi32, #tpu.memory_space<hbm>> -> memref<1x1x80x125xi32, #tpu.memory_space<hbm>>
      %dma_wait3A_94 = tpu.memref_squeeze %dma_wait3A_93 : memref<1x1x80x125xi32, #tpu.memory_space<hbm>> -> memref<80x125xi32, #tpu.memory_space<hbm>>
      %dma_wait3A_95 = arith.constant 80 : i32
      %dma_wait3A_96 = arith.constant 0 : i32
      %dma_wait3A_97 = tpu.memref_slice %arg8[%dma_wait3A_95, %dma_wait3A_96] : memref<160x125xi32, #tpu.memory_space<vmem>> -> memref<80x125xi32, #tpu.memory_space<vmem>>
      %dma_wait3A_98 = arith.constant 0 : i32
      %dma_wait3A_99 = arith.constant 0 : i32
      %dma_wait3A_100 = tpu.memref_slice %arg3[%add3A_9, %arg0, %dma_wait3A_98, %dma_wait3A_99] : memref<32x2x80x125xi32, #tpu.memory_space<hbm>> -> memref<1x1x80x125xi32, #tpu.memory_space<hbm>>
      %dma_wait3A_101 = tpu.memref_squeeze %dma_wait3A_100 : memref<1x1x80x125xi32, #tpu.memory_space<hbm>> -> memref<80x125xi32, #tpu.memory_space<hbm>>
      tpu.wait_dma2 semaphore(%run_scoped3A : memref<!tpu.dma_semaphore, #tpu.memory_space<semaphore_mem>>) src(%dma_wait3A_101 : memref<80x125xi32, #tpu.memory_space<hbm>>) dst(%dma_wait3A_97 : memref<80x125xi32, #tpu.memory_space<vmem>>)
      tpu.yield
    }) : () -> ()
    %mul3A_10 = arith.constant 2 : i32
    %mul3A_11 = arith.muli %mul3A_10, %arg1 : i32
    "tpu.region"() ({
      %run_scoped3A = tpu.sem_alloc : memref<!tpu.dma_semaphore, #tpu.memory_space<semaphore_mem>>
      %dma_start3A = arith.constant 0 : i32
      %dma_start3A_76 = arith.constant 0 : i32
      %dma_start3A_77 = tpu.memref_slice %arg9[%dma_start3A, %dma_start3A_76] : memref<160x125xi32, #tpu.memory_space<vmem>> -> memref<80x125xi32, #tpu.memory_space<vmem>>
      %dma_start3A_78 = arith.constant 0 : i32
      %dma_start3A_79 = arith.constant 0 : i32
      %dma_start3A_80 = tpu.memref_slice %arg4[%mul3A_11, %arg0, %dma_start3A_78, %dma_start3A_79] : memref<32x2x80x125xi32, #tpu.memory_space<hbm>> -> memref<1x1x80x125xi32, #tpu.memory_space<hbm>>
      %dma_start3A_81 = tpu.memref_squeeze %dma_start3A_80 : memref<1x1x80x125xi32, #tpu.memory_space<hbm>> -> memref<80x125xi32, #tpu.memory_space<hbm>>
      %dma_start3A_82 = arith.constant 0 : i32
      %dma_start3A_83 = arith.constant 0 : i32
      %dma_start3A_84 = tpu.memref_slice %arg9[%dma_start3A_82, %dma_start3A_83] : memref<160x125xi32, #tpu.memory_space<vmem>> -> memref<80x125xi32, #tpu.memory_space<vmem>>
      %dma_start3A_85 = arith.constant 0 : i32
      %dma_start3A_86 = arith.constant 0 : i32
      %dma_start3A_87 = tpu.memref_slice %arg4[%mul3A_11, %arg0, %dma_start3A_85, %dma_start3A_86] : memref<32x2x80x125xi32, #tpu.memory_space<hbm>> -> memref<1x1x80x125xi32, #tpu.memory_space<hbm>>
      %dma_start3A_88 = tpu.memref_squeeze %dma_start3A_87 : memref<1x1x80x125xi32, #tpu.memory_space<hbm>> -> memref<80x125xi32, #tpu.memory_space<hbm>>
      tpu.enqueue_dma source(%dma_start3A_88 : memref<80x125xi32, #tpu.memory_space<hbm>>) target(%dma_start3A_84 : memref<80x125xi32, #tpu.memory_space<vmem>>) target_semaphore(%run_scoped3A : memref<!tpu.dma_semaphore, #tpu.memory_space<semaphore_mem>>)
      %dma_wait3A = arith.constant 0 : i32
      %dma_wait3A_89 = arith.constant 0 : i32
      %dma_wait3A_90 = tpu.memref_slice %arg9[%dma_wait3A, %dma_wait3A_89] : memref<160x125xi32, #tpu.memory_space<vmem>> -> memref<80x125xi32, #tpu.memory_space<vmem>>
      %dma_wait3A_91 = arith.constant 0 : i32
      %dma_wait3A_92 = arith.constant 0 : i32
      %dma_wait3A_93 = tpu.memref_slice %arg4[%mul3A_11, %arg0, %dma_wait3A_91, %dma_wait3A_92] : memref<32x2x80x125xi32, #tpu.memory_space<hbm>> -> memref<1x1x80x125xi32, #tpu.memory_space<hbm>>
      %dma_wait3A_94 = tpu.memref_squeeze %dma_wait3A_93 : memref<1x1x80x125xi32, #tpu.memory_space<hbm>> -> memref<80x125xi32, #tpu.memory_space<hbm>>
      %dma_wait3A_95 = arith.constant 0 : i32
      %dma_wait3A_96 = arith.constant 0 : i32
      %dma_wait3A_97 = tpu.memref_slice %arg9[%dma_wait3A_95, %dma_wait3A_96] : memref<160x125xi32, #tpu.memory_space<vmem>> -> memref<80x125xi32, #tpu.memory_space<vmem>>
      %dma_wait3A_98 = arith.constant 0 : i32
      %dma_wait3A_99 = arith.constant 0 : i32
      %dma_wait3A_100 = tpu.memref_slice %arg4[%mul3A_11, %arg0, %dma_wait3A_98, %dma_wait3A_99] : memref<32x2x80x125xi32, #tpu.memory_space<hbm>> -> memref<1x1x80x125xi32, #tpu.memory_space<hbm>>
      %dma_wait3A_101 = tpu.memref_squeeze %dma_wait3A_100 : memref<1x1x80x125xi32, #tpu.memory_space<hbm>> -> memref<80x125xi32, #tpu.memory_space<hbm>>
      tpu.wait_dma2 semaphore(%run_scoped3A : memref<!tpu.dma_semaphore, #tpu.memory_space<semaphore_mem>>) src(%dma_wait3A_101 : memref<80x125xi32, #tpu.memory_space<hbm>>) dst(%dma_wait3A_97 : memref<80x125xi32, #tpu.memory_space<vmem>>)
      tpu.yield
    }) : () -> ()
    %mul3A_12 = arith.constant 2 : i32
    %mul3A_13 = arith.muli %mul3A_12, %arg1 : i32
    %add3A_14 = arith.constant 1 : i32
    %add3A_15 = arith.addi %mul3A_13, %add3A_14 : i32
    "tpu.region"() ({
      %run_scoped3A = tpu.sem_alloc : memref<!tpu.dma_semaphore, #tpu.memory_space<semaphore_mem>>
      %dma_start3A = arith.constant 80 : i32
      %dma_start3A_76 = arith.constant 0 : i32
      %dma_start3A_77 = tpu.memref_slice %arg9[%dma_start3A, %dma_start3A_76] : memref<160x125xi32, #tpu.memory_space<vmem>> -> memref<80x125xi32, #tpu.memory_space<vmem>>
      %dma_start3A_78 = arith.constant 0 : i32
      %dma_start3A_79 = arith.constant 0 : i32
      %dma_start3A_80 = tpu.memref_slice %arg4[%add3A_15, %arg0, %dma_start3A_78, %dma_start3A_79] : memref<32x2x80x125xi32, #tpu.memory_space<hbm>> -> memref<1x1x80x125xi32, #tpu.memory_space<hbm>>
      %dma_start3A_81 = tpu.memref_squeeze %dma_start3A_80 : memref<1x1x80x125xi32, #tpu.memory_space<hbm>> -> memref<80x125xi32, #tpu.memory_space<hbm>>
      %dma_start3A_82 = arith.constant 80 : i32
      %dma_start3A_83 = arith.constant 0 : i32
      %dma_start3A_84 = tpu.memref_slice %arg9[%dma_start3A_82, %dma_start3A_83] : memref<160x125xi32, #tpu.memory_space<vmem>> -> memref<80x125xi32, #tpu.memory_space<vmem>>
      %dma_start3A_85 = arith.constant 0 : i32
      %dma_start3A_86 = arith.constant 0 : i32
      %dma_start3A_87 = tpu.memref_slice %arg4[%add3A_15, %arg0, %dma_start3A_85, %dma_start3A_86] : memref<32x2x80x125xi32, #tpu.memory_space<hbm>> -> memref<1x1x80x125xi32, #tpu.memory_space<hbm>>
      %dma_start3A_88 = tpu.memref_squeeze %dma_start3A_87 : memref<1x1x80x125xi32, #tpu.memory_space<hbm>> -> memref<80x125xi32, #tpu.memory_space<hbm>>
      tpu.enqueue_dma source(%dma_start3A_88 : memref<80x125xi32, #tpu.memory_space<hbm>>) target(%dma_start3A_84 : memref<80x125xi32, #tpu.memory_space<vmem>>) target_semaphore(%run_scoped3A : memref<!tpu.dma_semaphore, #tpu.memory_space<semaphore_mem>>)
      %dma_wait3A = arith.constant 80 : i32
      %dma_wait3A_89 = arith.constant 0 : i32
      %dma_wait3A_90 = tpu.memref_slice %arg9[%dma_wait3A, %dma_wait3A_89] : memref<160x125xi32, #tpu.memory_space<vmem>> -> memref<80x125xi32, #tpu.memory_space<vmem>>
      %dma_wait3A_91 = arith.constant 0 : i32
      %dma_wait3A_92 = arith.constant 0 : i32
      %dma_wait3A_93 = tpu.memref_slice %arg4[%add3A_15, %arg0, %dma_wait3A_91, %dma_wait3A_92] : memref<32x2x80x125xi32, #tpu.memory_space<hbm>> -> memref<1x1x80x125xi32, #tpu.memory_space<hbm>>
      %dma_wait3A_94 = tpu.memref_squeeze %dma_wait3A_93 : memref<1x1x80x125xi32, #tpu.memory_space<hbm>> -> memref<80x125xi32, #tpu.memory_space<hbm>>
      %dma_wait3A_95 = arith.constant 80 : i32
      %dma_wait3A_96 = arith.constant 0 : i32
      %dma_wait3A_97 = tpu.memref_slice %arg9[%dma_wait3A_95, %dma_wait3A_96] : memref<160x125xi32, #tpu.memory_space<vmem>> -> memref<80x125xi32, #tpu.memory_space<vmem>>
      %dma_wait3A_98 = arith.constant 0 : i32
      %dma_wait3A_99 = arith.constant 0 : i32
      %dma_wait3A_100 = tpu.memref_slice %arg4[%add3A_15, %arg0, %dma_wait3A_98, %dma_wait3A_99] : memref<32x2x80x125xi32, #tpu.memory_space<hbm>> -> memref<1x1x80x125xi32, #tpu.memory_space<hbm>>
      %dma_wait3A_101 = tpu.memref_squeeze %dma_wait3A_100 : memref<1x1x80x125xi32, #tpu.memory_space<hbm>> -> memref<80x125xi32, #tpu.memory_space<hbm>>
      tpu.wait_dma2 semaphore(%run_scoped3A : memref<!tpu.dma_semaphore, #tpu.memory_space<semaphore_mem>>) src(%dma_wait3A_101 : memref<80x125xi32, #tpu.memory_space<hbm>>) dst(%dma_wait3A_97 : memref<80x125xi32, #tpu.memory_space<vmem>>)
      tpu.yield
    }) : () -> ()
    %mul3A_16 = arith.constant 2 : i32
    %mul3A_17 = arith.muli %mul3A_16, %arg1 : i32
    %mul3A_18 = arith.constant 16 : i32
    %mul3A_19 = arith.muli %arg0, %mul3A_18 : i32
    "tpu.region"() ({
      %run_scoped3A = tpu.sem_alloc : memref<!tpu.dma_semaphore, #tpu.memory_space<semaphore_mem>>
      %dma_start3A = arith.constant 0 : i32
      %dma_start3A_76 = tpu.memref_slice %arg13[%dma_start3A] : memref<32xi32, #tpu.memory_space<vmem>> -> memref<16xi32, #tpu.memory_space<vmem>>
      %dma_start3A_77 = tpu.memref_slice %arg5[%mul3A_17, %mul3A_19] : memref<32x32xi32, #tpu.memory_space<hbm>> -> memref<1x16xi32, #tpu.memory_space<hbm>>
      %dma_start3A_78 = tpu.memref_squeeze %dma_start3A_77 : memref<1x16xi32, #tpu.memory_space<hbm>> -> memref<16xi32, #tpu.memory_space<hbm>>
      %dma_start3A_79 = arith.constant 0 : i32
      %dma_start3A_80 = tpu.memref_slice %arg13[%dma_start3A_79] : memref<32xi32, #tpu.memory_space<vmem>> -> memref<16xi32, #tpu.memory_space<vmem>>
      %dma_start3A_81 = tpu.memref_slice %arg5[%mul3A_17, %mul3A_19] : memref<32x32xi32, #tpu.memory_space<hbm>> -> memref<1x16xi32, #tpu.memory_space<hbm>>
      %dma_start3A_82 = tpu.memref_squeeze %dma_start3A_81 : memref<1x16xi32, #tpu.memory_space<hbm>> -> memref<16xi32, #tpu.memory_space<hbm>>
      tpu.enqueue_dma source(%dma_start3A_82 : memref<16xi32, #tpu.memory_space<hbm>>) target(%dma_start3A_80 : memref<16xi32, #tpu.memory_space<vmem>>) target_semaphore(%run_scoped3A : memref<!tpu.dma_semaphore, #tpu.memory_space<semaphore_mem>>)
      %dma_wait3A = arith.constant 0 : i32
      %dma_wait3A_83 = tpu.memref_slice %arg13[%dma_wait3A] : memref<32xi32, #tpu.memory_space<vmem>> -> memref<16xi32, #tpu.memory_space<vmem>>
      %dma_wait3A_84 = tpu.memref_slice %arg5[%mul3A_17, %mul3A_19] : memref<32x32xi32, #tpu.memory_space<hbm>> -> memref<1x16xi32, #tpu.memory_space<hbm>>
      %dma_wait3A_85 = tpu.memref_squeeze %dma_wait3A_84 : memref<1x16xi32, #tpu.memory_space<hbm>> -> memref<16xi32, #tpu.memory_space<hbm>>
      %dma_wait3A_86 = arith.constant 0 : i32
      %dma_wait3A_87 = tpu.memref_slice %arg13[%dma_wait3A_86] : memref<32xi32, #tpu.memory_space<vmem>> -> memref<16xi32, #tpu.memory_space<vmem>>
      %dma_wait3A_88 = tpu.memref_slice %arg5[%mul3A_17, %mul3A_19] : memref<32x32xi32, #tpu.memory_space<hbm>> -> memref<1x16xi32, #tpu.memory_space<hbm>>
      %dma_wait3A_89 = tpu.memref_squeeze %dma_wait3A_88 : memref<1x16xi32, #tpu.memory_space<hbm>> -> memref<16xi32, #tpu.memory_space<hbm>>
      tpu.wait_dma2 semaphore(%run_scoped3A : memref<!tpu.dma_semaphore, #tpu.memory_space<semaphore_mem>>) src(%dma_wait3A_89 : memref<16xi32, #tpu.memory_space<hbm>>) dst(%dma_wait3A_87 : memref<16xi32, #tpu.memory_space<vmem>>)
      tpu.yield
    }) : () -> ()
    %mul3A_20 = arith.constant 2 : i32
    %mul3A_21 = arith.muli %mul3A_20, %arg1 : i32
    %add3A_22 = arith.constant 1 : i32
    %add3A_23 = arith.addi %mul3A_21, %add3A_22 : i32
    %mul3A_24 = arith.constant 16 : i32
    %mul3A_25 = arith.muli %arg0, %mul3A_24 : i32
    "tpu.region"() ({
      %run_scoped3A = tpu.sem_alloc : memref<!tpu.dma_semaphore, #tpu.memory_space<semaphore_mem>>
      %dma_start3A = arith.constant 16 : i32
      %dma_start3A_76 = tpu.memref_slice %arg13[%dma_start3A] : memref<32xi32, #tpu.memory_space<vmem>> -> memref<16xi32, #tpu.memory_space<vmem>>
      %dma_start3A_77 = tpu.memref_slice %arg5[%add3A_23, %mul3A_25] : memref<32x32xi32, #tpu.memory_space<hbm>> -> memref<1x16xi32, #tpu.memory_space<hbm>>
      %dma_start3A_78 = tpu.memref_squeeze %dma_start3A_77 : memref<1x16xi32, #tpu.memory_space<hbm>> -> memref<16xi32, #tpu.memory_space<hbm>>
      %dma_start3A_79 = arith.constant 16 : i32
      %dma_start3A_80 = tpu.memref_slice %arg13[%dma_start3A_79] : memref<32xi32, #tpu.memory_space<vmem>> -> memref<16xi32, #tpu.memory_space<vmem>>
      %dma_start3A_81 = tpu.memref_slice %arg5[%add3A_23, %mul3A_25] : memref<32x32xi32, #tpu.memory_space<hbm>> -> memref<1x16xi32, #tpu.memory_space<hbm>>
      %dma_start3A_82 = tpu.memref_squeeze %dma_start3A_81 : memref<1x16xi32, #tpu.memory_space<hbm>> -> memref<16xi32, #tpu.memory_space<hbm>>
      tpu.enqueue_dma source(%dma_start3A_82 : memref<16xi32, #tpu.memory_space<hbm>>) target(%dma_start3A_80 : memref<16xi32, #tpu.memory_space<vmem>>) target_semaphore(%run_scoped3A : memref<!tpu.dma_semaphore, #tpu.memory_space<semaphore_mem>>)
      %dma_wait3A = arith.constant 16 : i32
      %dma_wait3A_83 = tpu.memref_slice %arg13[%dma_wait3A] : memref<32xi32, #tpu.memory_space<vmem>> -> memref<16xi32, #tpu.memory_space<vmem>>
      %dma_wait3A_84 = tpu.memref_slice %arg5[%add3A_23, %mul3A_25] : memref<32x32xi32, #tpu.memory_space<hbm>> -> memref<1x16xi32, #tpu.memory_space<hbm>>
      %dma_wait3A_85 = tpu.memref_squeeze %dma_wait3A_84 : memref<1x16xi32, #tpu.memory_space<hbm>> -> memref<16xi32, #tpu.memory_space<hbm>>
      %dma_wait3A_86 = arith.constant 16 : i32
      %dma_wait3A_87 = tpu.memref_slice %arg13[%dma_wait3A_86] : memref<32xi32, #tpu.memory_space<vmem>> -> memref<16xi32, #tpu.memory_space<vmem>>
      %dma_wait3A_88 = tpu.memref_slice %arg5[%add3A_23, %mul3A_25] : memref<32x32xi32, #tpu.memory_space<hbm>> -> memref<1x16xi32, #tpu.memory_space<hbm>>
      %dma_wait3A_89 = tpu.memref_squeeze %dma_wait3A_88 : memref<1x16xi32, #tpu.memory_space<hbm>> -> memref<16xi32, #tpu.memory_space<hbm>>
      tpu.wait_dma2 semaphore(%run_scoped3A : memref<!tpu.dma_semaphore, #tpu.memory_space<semaphore_mem>>) src(%dma_wait3A_89 : memref<16xi32, #tpu.memory_space<hbm>>) dst(%dma_wait3A_87 : memref<16xi32, #tpu.memory_space<vmem>>)
      tpu.yield
    }) : () -> ()
    %lt3A_26 = arith.constant 15 : i32
    %lt3A_27 = arith.cmpi slt, %arg1, %lt3A_26 : i32
    %convert_element_type3A_28 = arith.extui %lt3A_27 : i1 to i32
    %cond3A_29 = arith.constant 0 : i32
    %cond3A_30 = arith.cmpi ne, %convert_element_type3A_28, %cond3A_29 : i32
    scf.if %cond3A_30 {
      %dma_wait3A = arith.constant 0 : i32
      %dma_wait3A_76 = arith.constant 0 : i32
      %dma_wait3A_77 = tpu.memref_slice %arg14[%dma_wait3A, %dma_wait3A_76] : memref<5104x128xf32, #tpu.memory_space<vmem_shared>> -> memref<320x128xf32, #tpu.memory_space<vmem_shared>>
      tpu.wait_dma2 semaphore(%arg18 : memref<!tpu.dma_semaphore, #tpu.memory_space<semaphore_mem>>) src(%arg6 : memref<320x128xf32, #tpu.memory_space<hbm>>) dst(%dma_wait3A_77 : memref<320x128xf32, #tpu.memory_space<vmem_shared>>)
    } else {
    }
    %eq3A_31 = arith.constant 15 : i32
    %eq3A_32 = arith.cmpi eq, %arg1, %eq3A_31 : i32
    %convert_element_type3A_33 = arith.extui %eq3A_32 : i1 to i32
    %cond3A_34 = arith.constant 0 : i32
    %cond3A_35 = arith.cmpi ne, %convert_element_type3A_33, %cond3A_34 : i32
    scf.if %cond3A_35 {
      %dma_wait3A = arith.constant 0 : i32
      %dma_wait3A_76 = arith.constant 0 : i32
      %dma_wait3A_77 = tpu.memref_slice %arg14[%dma_wait3A, %dma_wait3A_76] : memref<5104x128xf32, #tpu.memory_space<vmem_shared>> -> memref<296x128xf32, #tpu.memory_space<vmem_shared>>
      %dma_wait3A_78 = arith.constant 0 : i32
      %dma_wait3A_79 = arith.constant 0 : i32
      %dma_wait3A_80 = tpu.memref_slice %arg6[%dma_wait3A_78, %dma_wait3A_79] : memref<320x128xf32, #tpu.memory_space<hbm>> -> memref<296x128xf32, #tpu.memory_space<hbm>>
      tpu.wait_dma2 semaphore(%arg18 : memref<!tpu.dma_semaphore, #tpu.memory_space<semaphore_mem>>) src(%dma_wait3A_80 : memref<296x128xf32, #tpu.memory_space<hbm>>) dst(%dma_wait3A_77 : memref<296x128xf32, #tpu.memory_space<vmem_shared>>)
    } else {
    }
    %barrier3A = arith.constant 0 : index
    tpu.barrier barrier_id(%barrier3A)
    %get3A = arith.constant 0 : index
    %get3A_36 = tpu.vector_load %arg13[%get3A] {strides = array<i32>} : memref<32xi32, #tpu.memory_space<vmem>>, vector<16xi32>,
    %get3A_37 = vector.shape_cast %get3A_36 : vector<16xi32> to vector<16xi32>
    %slice3A = vector.extract_strided_slice %get3A_37 {offsets = [0], sizes = [1], strides = [1]} : vector<16xi32> to vector<1xi32>
    %squeeze3A = vector.extract %slice3A[0] : i32 from vector<1xi32>
    %get3A_38 = arith.constant 16 : index
    %get3A_39 = tpu.vector_load %arg13[%get3A_38] {strides = array<i32>} : memref<32xi32, #tpu.memory_space<vmem>>, vector<16xi32>,
    %get3A_40 = vector.shape_cast %get3A_39 : vector<16xi32> to vector<16xi32>
    %slice3A_41 = vector.extract_strided_slice %get3A_40 {offsets = [0], sizes = [1], strides = [1]} : vector<16xi32> to vector<1xi32>
    %squeeze3A_42 = vector.extract %slice3A_41[0] : i32 from vector<1xi32>
    %gt3A = arith.constant 0 : i32
    %gt3A_43 = arith.cmpi sgt, %squeeze3A, %gt3A : i32
    %gt3A_44 = arith.constant -10000 : i32
    %gt3A_45 = arith.cmpi sgt, %squeeze3A_42, %gt3A_44 : i32
    %select_n3A = arith.constant true
    %select_n3A_46 = arith.select %select_n3A, %gt3A_43, %gt3A_45 : i1
    %convert_element_type3A_47 = arith.extui %select_n3A_46 : i1 to i32
    %cond3A_48 = arith.constant 0 : i32
    %cond3A_49 = arith.cmpi ne, %convert_element_type3A_47, %cond3A_48 : i32
    scf.if %cond3A_49 {
      %dma_start3A = arith.constant 0 : i32
      %dma_start3A_76 = arith.constant 0 : i32
      %dma_start3A_77 = tpu.memref_slice %arg8[%dma_start3A, %dma_start3A_76] : memref<160x125xi32, #tpu.memory_space<vmem>> -> memref<1x125xi32, #tpu.memory_space<vmem>>
      %dma_start3A_78 = tpu.memref_squeeze %dma_start3A_77 : memref<1x125xi32, #tpu.memory_space<vmem>> -> memref<125xi32, #tpu.memory_space<vmem>>
      %dma_start3A_79 = arith.constant 0 : i32
      %dma_start3A_80 = arith.constant 0 : i32
      %dma_start3A_81 = tpu.memref_slice %arg2[%dma_start3A_79, %dma_start3A_80] : memref<10000x128xf32, #tpu.memory_space<hbm>> -> memref<10000x128xf32, #tpu.memory_space<hbm>>
      tpu.enqueue_indirect_dma source(%dma_start3A_81 : memref<10000x128xf32, #tpu.memory_space<hbm>>) target(%arg10 : memref<125x128xf32, #tpu.memory_space<vmem>>) offsets(%dma_start3A_78 : memref<125xi32, #tpu.memory_space<vmem>>) semaphore(%arg15 : memref<!tpu.dma_semaphore, #tpu.memory_space<semaphore_mem>>)
    } else {
    }
    %gt3A_50 = arith.constant 125 : i32
    %gt3A_51 = arith.cmpi sgt, %squeeze3A, %gt3A_50 : i32
    %gt3A_52 = arith.constant -9875 : i32
    %gt3A_53 = arith.cmpi sgt, %squeeze3A_42, %gt3A_52 : i32
    %select_n3A_54 = arith.constant true
    %select_n3A_55 = arith.select %select_n3A_54, %gt3A_51, %gt3A_53 : i1
    %convert_element_type3A_56 = arith.extui %select_n3A_55 : i1 to i32
    %cond3A_57 = arith.constant 0 : i32
    %cond3A_58 = arith.cmpi ne, %convert_element_type3A_56, %cond3A_57 : i32
    scf.if %cond3A_58 {
      %dma_start3A = arith.constant 1 : i32
      %dma_start3A_76 = arith.constant 0 : i32
      %dma_start3A_77 = tpu.memref_slice %arg8[%dma_start3A, %dma_start3A_76] : memref<160x125xi32, #tpu.memory_space<vmem>> -> memref<1x125xi32, #tpu.memory_space<vmem>>
      %dma_start3A_78 = tpu.memref_squeeze %dma_start3A_77 : memref<1x125xi32, #tpu.memory_space<vmem>> -> memref<125xi32, #tpu.memory_space<vmem>>
      %dma_start3A_79 = arith.constant 0 : i32
      %dma_start3A_80 = arith.constant 0 : i32
      %dma_start3A_81 = tpu.memref_slice %arg2[%dma_start3A_79, %dma_start3A_80] : memref<10000x128xf32, #tpu.memory_space<hbm>> -> memref<10000x128xf32, #tpu.memory_space<hbm>>
      tpu.enqueue_indirect_dma source(%dma_start3A_81 : memref<10000x128xf32, #tpu.memory_space<hbm>>) target(%arg11 : memref<125x128xf32, #tpu.memory_space<vmem>>) offsets(%dma_start3A_78 : memref<125xi32, #tpu.memory_space<vmem>>) semaphore(%arg16 : memref<!tpu.dma_semaphore, #tpu.memory_space<semaphore_mem>>)
    } else {
    }
    %scan3A = arith.constant 0 : i32
    %scan3A_59 = arith.constant 0 : i32
    %scan3A_60 = arith.constant 54 : i32
    %scan3A_61 = arith.addi %scan3A_59, %scan3A_60 : i32
    %scan3A_62 = arith.constant 1 : i32
    %scan3A_63 = scf.for %scan3A_76 = %scan3A_59 to %scan3A_61 step %scan3A_62 iter_args(%scan3A_77 = %scan3A) -> (i32)  : i32 {
      %mul3A_78 = arith.constant 3 : i32
      %mul3A_79 = arith.muli %mul3A_78, %scan3A_76 : i32
      %add3A_80 = arith.constant 0 : i32
      %add3A_81 = arith.addi %mul3A_79, %add3A_80 : i32
      %lt3A_82 = arith.constant 80 : i32
      %lt3A_83 = arith.cmpi slt, %add3A_81, %lt3A_82 : i32
      %mul3A_84 = arith.constant 125 : i32
      %mul3A_85 = arith.muli %add3A_81, %mul3A_84 : i32
      %lt3A_86 = arith.cmpi slt, %mul3A_85, %squeeze3A : i32
      %sub3A = arith.constant 80 : i32
      %sub3A_87 = arith.subi %add3A_81, %sub3A : i32
      %mul3A_88 = arith.constant 125 : i32
      %mul3A_89 = arith.muli %sub3A_87, %mul3A_88 : i32
      %lt3A_90 = arith.cmpi slt, %mul3A_89, %squeeze3A_42 : i32
      %select_n3A_91 = arith.select %lt3A_83, %lt3A_86, %lt3A_90 : i1
      %add3A_92 = arith.constant 2 : i32
      %add3A_93 = arith.addi %add3A_81, %add3A_92 : i32
      %lt3A_94 = arith.constant 80 : i32
      %lt3A_95 = arith.cmpi slt, %add3A_93, %lt3A_94 : i32
      %mul3A_96 = arith.constant 125 : i32
      %mul3A_97 = arith.muli %add3A_93, %mul3A_96 : i32
      %lt3A_98 = arith.cmpi slt, %mul3A_97, %squeeze3A : i32
      %sub3A_99 = arith.constant 80 : i32
      %sub3A_100 = arith.subi %add3A_93, %sub3A_99 : i32
      %mul3A_101 = arith.constant 125 : i32
      %mul3A_102 = arith.muli %sub3A_100, %mul3A_101 : i32
      %lt3A_103 = arith.cmpi slt, %mul3A_102, %squeeze3A_42 : i32
      %select_n3A_104 = arith.select %lt3A_95, %lt3A_98, %lt3A_103 : i1
      %convert_element_type3A_105 = arith.extui %select_n3A_91 : i1 to i32
      %cond3A_106 = arith.constant 0 : i32
      %cond3A_107 = arith.cmpi ne, %convert_element_type3A_105, %cond3A_106 : i32
      scf.if %cond3A_107 {
        %dma_wait3A = arith.constant 0 : i32
        %dma_wait3A_185 = tpu.memref_slice %arg8[%add3A_81, %dma_wait3A] : memref<160x125xi32, #tpu.memory_space<vmem>> -> memref<1x125xi32, #tpu.memory_space<vmem>>
        %dma_wait3A_186 = tpu.memref_squeeze %dma_wait3A_185 : memref<1x125xi32, #tpu.memory_space<vmem>> -> memref<125xi32, #tpu.memory_space<vmem>>
        %dma_wait3A_187 = arith.constant 0 : i32
        %dma_wait3A_188 = arith.constant 0 : i32
        %dma_wait3A_189 = tpu.memref_slice %arg2[%dma_wait3A_187, %dma_wait3A_188] : memref<10000x128xf32, #tpu.memory_space<hbm>> -> memref<10000x128xf32, #tpu.memory_space<hbm>>
        tpu.wait_indirect_dma semaphore(%arg15 : memref<!tpu.dma_semaphore, #tpu.memory_space<semaphore_mem>>) src(%dma_wait3A_189 : memref<10000x128xf32, #tpu.memory_space<hbm>>) dst(%arg10 : memref<125x128xf32, #tpu.memory_space<vmem>>)
      } else {
      }
      %convert_element_type3A_108 = arith.extui %select_n3A_104 : i1 to i32
      %cond3A_109 = arith.constant 0 : i32
      %cond3A_110 = arith.cmpi ne, %convert_element_type3A_108, %cond3A_109 : i32
      scf.if %cond3A_110 {
        %add3A_185 = arith.constant 2 : i32
        %add3A_186 = arith.addi %add3A_81, %add3A_185 : i32
        %dma_start3A = arith.constant 0 : i32
        %dma_start3A_187 = tpu.memref_slice %arg8[%add3A_186, %dma_start3A] : memref<160x125xi32, #tpu.memory_space<vmem>> -> memref<1x125xi32, #tpu.memory_space<vmem>>
        %dma_start3A_188 = tpu.memref_squeeze %dma_start3A_187 : memref<1x125xi32, #tpu.memory_space<vmem>> -> memref<125xi32, #tpu.memory_space<vmem>>
        %dma_start3A_189 = arith.constant 0 : i32
        %dma_start3A_190 = arith.constant 0 : i32
        %dma_start3A_191 = tpu.memref_slice %arg2[%dma_start3A_189, %dma_start3A_190] : memref<10000x128xf32, #tpu.memory_space<hbm>> -> memref<10000x128xf32, #tpu.memory_space<hbm>>
        tpu.enqueue_indirect_dma source(%dma_start3A_191 : memref<10000x128xf32, #tpu.memory_space<hbm>>) target(%arg12 : memref<125x128xf32, #tpu.memory_space<vmem>>) offsets(%dma_start3A_188 : memref<125xi32, #tpu.memory_space<vmem>>) semaphore(%arg17 : memref<!tpu.dma_semaphore, #tpu.memory_space<semaphore_mem>>)
      } else {
      }
      %convert_element_type3A_111 = arith.extui %select_n3A_91 : i1 to i32
      %cond3A_112 = arith.constant 0 : i32
      %cond3A_113 = arith.cmpi ne, %convert_element_type3A_111, %cond3A_112 : i32
      scf.if %cond3A_113 {
        "tpu.region"() ({
          %run_scoped3A = tpu.sem_alloc : memref<!tpu.dma_semaphore, #tpu.memory_space<semaphore_mem>>
          %dma_start3A = arith.constant 0 : i32
          %dma_start3A_185 = tpu.memref_slice %arg9[%add3A_81, %dma_start3A] : memref<160x125xi32, #tpu.memory_space<vmem>> -> memref<1x125xi32, #tpu.memory_space<vmem>>
          %dma_start3A_186 = tpu.memref_squeeze %dma_start3A_185 : memref<1x125xi32, #tpu.memory_space<vmem>> -> memref<125xi32, #tpu.memory_space<vmem>>
          %dma_start3A_187 = arith.constant 0 : i32
          %dma_start3A_188 = arith.constant 0 : i32
          %dma_start3A_189 = tpu.memref_slice %arg14[%dma_start3A_187, %dma_start3A_188] : memref<5104x128xf32, #tpu.memory_space<vmem_shared>> -> memref<5104x128xf32, #tpu.memory_space<vmem_shared>>
          tpu.enqueue_indirect_dma source(%arg10 : memref<125x128xf32, #tpu.memory_space<vmem>>) target(%dma_start3A_189 : memref<5104x128xf32, #tpu.memory_space<vmem_shared>>) offsets(%dma_start3A_186 : memref<125xi32, #tpu.memory_space<vmem>>) semaphore(%run_scoped3A : memref<!tpu.dma_semaphore, #tpu.memory_space<semaphore_mem>>) {add = true}
          %dma_wait3A = arith.constant 0 : i32
          %dma_wait3A_190 = tpu.memref_slice %arg9[%add3A_81, %dma_wait3A] : memref<160x125xi32, #tpu.memory_space<vmem>> -> memref<1x125xi32, #tpu.memory_space<vmem>>
          %dma_wait3A_191 = tpu.memref_squeeze %dma_wait3A_190 : memref<1x125xi32, #tpu.memory_space<vmem>> -> memref<125xi32, #tpu.memory_space<vmem>>
          %dma_wait3A_192 = arith.constant 0 : i32
          %dma_wait3A_193 = arith.constant 0 : i32
          %dma_wait3A_194 = tpu.memref_slice %arg14[%dma_wait3A_192, %dma_wait3A_193] : memref<5104x128xf32, #tpu.memory_space<vmem_shared>> -> memref<5104x128xf32, #tpu.memory_space<vmem_shared>>
          tpu.wait_indirect_dma semaphore(%run_scoped3A : memref<!tpu.dma_semaphore, #tpu.memory_space<semaphore_mem>>) src(%arg10 : memref<125x128xf32, #tpu.memory_space<vmem>>) dst(%dma_wait3A_194 : memref<5104x128xf32, #tpu.memory_space<vmem_shared>>)
          tpu.yield
        }) : () -> ()
      } else {
      }
      %add3A_114 = arith.constant 1 : i32
      %add3A_115 = arith.addi %mul3A_79, %add3A_114 : i32
      %lt3A_116 = arith.constant 80 : i32
      %lt3A_117 = arith.cmpi slt, %add3A_115, %lt3A_116 : i32
      %mul3A_118 = arith.constant 125 : i32
      %mul3A_119 = arith.muli %add3A_115, %mul3A_118 : i32
      %lt3A_120 = arith.cmpi slt, %mul3A_119, %squeeze3A : i32
      %sub3A_121 = arith.constant 80 : i32
      %sub3A_122 = arith.subi %add3A_115, %sub3A_121 : i32
      %mul3A_123 = arith.constant 125 : i32
      %mul3A_124 = arith.muli %sub3A_122, %mul3A_123 : i32
      %lt3A_125 = arith.cmpi slt, %mul3A_124, %squeeze3A_42 : i32
      %select_n3A_126 = arith.select %lt3A_117, %lt3A_120, %lt3A_125 : i1
      %add3A_127 = arith.constant 2 : i32
      %add3A_128 = arith.addi %add3A_115, %add3A_127 : i32
      %lt3A_129 = arith.constant 80 : i32
      %lt3A_130 = arith.cmpi slt, %add3A_128, %lt3A_129 : i32
      %mul3A_131 = arith.constant 125 : i32
      %mul3A_132 = arith.muli %add3A_128, %mul3A_131 : i32
      %lt3A_133 = arith.cmpi slt, %mul3A_132, %squeeze3A : i32
      %sub3A_134 = arith.constant 80 : i32
      %sub3A_135 = arith.subi %add3A_128, %sub3A_134 : i32
      %mul3A_136 = arith.constant 125 : i32
      %mul3A_137 = arith.muli %sub3A_135, %mul3A_136 : i32
      %lt3A_138 = arith.cmpi slt, %mul3A_137, %squeeze3A_42 : i32
      %select_n3A_139 = arith.select %lt3A_130, %lt3A_133, %lt3A_138 : i1
      %convert_element_type3A_140 = arith.extui %select_n3A_126 : i1 to i32
      %cond3A_141 = arith.constant 0 : i32
      %cond3A_142 = arith.cmpi ne, %convert_element_type3A_140, %cond3A_141 : i32
      scf.if %cond3A_142 {
        %dma_wait3A = arith.constant 0 : i32
        %dma_wait3A_185 = tpu.memref_slice %arg8[%add3A_115, %dma_wait3A] : memref<160x125xi32, #tpu.memory_space<vmem>> -> memref<1x125xi32, #tpu.memory_space<vmem>>
        %dma_wait3A_186 = tpu.memref_squeeze %dma_wait3A_185 : memref<1x125xi32, #tpu.memory_space<vmem>> -> memref<125xi32, #tpu.memory_space<vmem>>
        %dma_wait3A_187 = arith.constant 0 : i32
        %dma_wait3A_188 = arith.constant 0 : i32
        %dma_wait3A_189 = tpu.memref_slice %arg2[%dma_wait3A_187, %dma_wait3A_188] : memref<10000x128xf32, #tpu.memory_space<hbm>> -> memref<10000x128xf32, #tpu.memory_space<hbm>>
        tpu.wait_indirect_dma semaphore(%arg16 : memref<!tpu.dma_semaphore, #tpu.memory_space<semaphore_mem>>) src(%dma_wait3A_189 : memref<10000x128xf32, #tpu.memory_space<hbm>>) dst(%arg11 : memref<125x128xf32, #tpu.memory_space<vmem>>)
      } else {
      }
      %convert_element_type3A_143 = arith.extui %select_n3A_139 : i1 to i32
      %cond3A_144 = arith.constant 0 : i32
      %cond3A_145 = arith.cmpi ne, %convert_element_type3A_143, %cond3A_144 : i32
      scf.if %cond3A_145 {
        %add3A_185 = arith.constant 2 : i32
        %add3A_186 = arith.addi %add3A_115, %add3A_185 : i32
        %dma_start3A = arith.constant 0 : i32
        %dma_start3A_187 = tpu.memref_slice %arg8[%add3A_186, %dma_start3A] : memref<160x125xi32, #tpu.memory_space<vmem>> -> memref<1x125xi32, #tpu.memory_space<vmem>>
        %dma_start3A_188 = tpu.memref_squeeze %dma_start3A_187 : memref<1x125xi32, #tpu.memory_space<vmem>> -> memref<125xi32, #tpu.memory_space<vmem>>
        %dma_start3A_189 = arith.constant 0 : i32
        %dma_start3A_190 = arith.constant 0 : i32
        %dma_start3A_191 = tpu.memref_slice %arg2[%dma_start3A_189, %dma_start3A_190] : memref<10000x128xf32, #tpu.memory_space<hbm>> -> memref<10000x128xf32, #tpu.memory_space<hbm>>
        tpu.enqueue_indirect_dma source(%dma_start3A_191 : memref<10000x128xf32, #tpu.memory_space<hbm>>) target(%arg10 : memref<125x128xf32, #tpu.memory_space<vmem>>) offsets(%dma_start3A_188 : memref<125xi32, #tpu.memory_space<vmem>>) semaphore(%arg15 : memref<!tpu.dma_semaphore, #tpu.memory_space<semaphore_mem>>)
      } else {
      }
      %convert_element_type3A_146 = arith.extui %select_n3A_126 : i1 to i32
      %cond3A_147 = arith.constant 0 : i32
      %cond3A_148 = arith.cmpi ne, %convert_element_type3A_146, %cond3A_147 : i32
      scf.if %cond3A_148 {
        "tpu.region"() ({
          %run_scoped3A = tpu.sem_alloc : memref<!tpu.dma_semaphore, #tpu.memory_space<semaphore_mem>>
          %dma_start3A = arith.constant 0 : i32
          %dma_start3A_185 = tpu.memref_slice %arg9[%add3A_115, %dma_start3A] : memref<160x125xi32, #tpu.memory_space<vmem>> -> memref<1x125xi32, #tpu.memory_space<vmem>>
          %dma_start3A_186 = tpu.memref_squeeze %dma_start3A_185 : memref<1x125xi32, #tpu.memory_space<vmem>> -> memref<125xi32, #tpu.memory_space<vmem>>
          %dma_start3A_187 = arith.constant 0 : i32
          %dma_start3A_188 = arith.constant 0 : i32
          %dma_start3A_189 = tpu.memref_slice %arg14[%dma_start3A_187, %dma_start3A_188] : memref<5104x128xf32, #tpu.memory_space<vmem_shared>> -> memref<5104x128xf32, #tpu.memory_space<vmem_shared>>
          tpu.enqueue_indirect_dma source(%arg11 : memref<125x128xf32, #tpu.memory_space<vmem>>) target(%dma_start3A_189 : memref<5104x128xf32, #tpu.memory_space<vmem_shared>>) offsets(%dma_start3A_186 : memref<125xi32, #tpu.memory_space<vmem>>) semaphore(%run_scoped3A : memref<!tpu.dma_semaphore, #tpu.memory_space<semaphore_mem>>) {add = true}
          %dma_wait3A = arith.constant 0 : i32
          %dma_wait3A_190 = tpu.memref_slice %arg9[%add3A_115, %dma_wait3A] : memref<160x125xi32, #tpu.memory_space<vmem>> -> memref<1x125xi32, #tpu.memory_space<vmem>>
          %dma_wait3A_191 = tpu.memref_squeeze %dma_wait3A_190 : memref<1x125xi32, #tpu.memory_space<vmem>> -> memref<125xi32, #tpu.memory_space<vmem>>
          %dma_wait3A_192 = arith.constant 0 : i32
          %dma_wait3A_193 = arith.constant 0 : i32
          %dma_wait3A_194 = tpu.memref_slice %arg14[%dma_wait3A_192, %dma_wait3A_193] : memref<5104x128xf32, #tpu.memory_space<vmem_shared>> -> memref<5104x128xf32, #tpu.memory_space<vmem_shared>>
          tpu.wait_indirect_dma semaphore(%run_scoped3A : memref<!tpu.dma_semaphore, #tpu.memory_space<semaphore_mem>>) src(%arg11 : memref<125x128xf32, #tpu.memory_space<vmem>>) dst(%dma_wait3A_194 : memref<5104x128xf32, #tpu.memory_space<vmem_shared>>)
          tpu.yield
        }) : () -> ()
      } else {
      }
      %add3A_149 = arith.constant 2 : i32
      %add3A_150 = arith.addi %mul3A_79, %add3A_149 : i32
      %lt3A_151 = arith.constant 80 : i32
      %lt3A_152 = arith.cmpi slt, %add3A_150, %lt3A_151 : i32
      %mul3A_153 = arith.constant 125 : i32
      %mul3A_154 = arith.muli %add3A_150, %mul3A_153 : i32
      %lt3A_155 = arith.cmpi slt, %mul3A_154, %squeeze3A : i32
      %sub3A_156 = arith.constant 80 : i32
      %sub3A_157 = arith.subi %add3A_150, %sub3A_156 : i32
      %mul3A_158 = arith.constant 125 : i32
      %mul3A_159 = arith.muli %sub3A_157, %mul3A_158 : i32
      %lt3A_160 = arith.cmpi slt, %mul3A_159, %squeeze3A_42 : i32
      %select_n3A_161 = arith.select %lt3A_152, %lt3A_155, %lt3A_160 : i1
      %add3A_162 = arith.constant 2 : i32
      %add3A_163 = arith.addi %add3A_150, %add3A_162 : i32
      %lt3A_164 = arith.constant 80 : i32
      %lt3A_165 = arith.cmpi slt, %add3A_163, %lt3A_164 : i32
      %mul3A_166 = arith.constant 125 : i32
      %mul3A_167 = arith.muli %add3A_163, %mul3A_166 : i32
      %lt3A_168 = arith.cmpi slt, %mul3A_167, %squeeze3A : i32
      %sub3A_169 = arith.constant 80 : i32
      %sub3A_170 = arith.subi %add3A_163, %sub3A_169 : i32
      %mul3A_171 = arith.constant 125 : i32
      %mul3A_172 = arith.muli %sub3A_170, %mul3A_171 : i32
      %lt3A_173 = arith.cmpi slt, %mul3A_172, %squeeze3A_42 : i32
      %select_n3A_174 = arith.select %lt3A_165, %lt3A_168, %lt3A_173 : i1
      %convert_element_type3A_175 = arith.extui %select_n3A_161 : i1 to i32
      %cond3A_176 = arith.constant 0 : i32
      %cond3A_177 = arith.cmpi ne, %convert_element_type3A_175, %cond3A_176 : i32
      scf.if %cond3A_177 {
        %dma_wait3A = arith.constant 0 : i32
        %dma_wait3A_185 = tpu.memref_slice %arg8[%add3A_150, %dma_wait3A] : memref<160x125xi32, #tpu.memory_space<vmem>> -> memref<1x125xi32, #tpu.memory_space<vmem>>
        %dma_wait3A_186 = tpu.memref_squeeze %dma_wait3A_185 : memref<1x125xi32, #tpu.memory_space<vmem>> -> memref<125xi32, #tpu.memory_space<vmem>>
        %dma_wait3A_187 = arith.constant 0 : i32
        %dma_wait3A_188 = arith.constant 0 : i32
        %dma_wait3A_189 = tpu.memref_slice %arg2[%dma_wait3A_187, %dma_wait3A_188] : memref<10000x128xf32, #tpu.memory_space<hbm>> -> memref<10000x128xf32, #tpu.memory_space<hbm>>
        tpu.wait_indirect_dma semaphore(%arg17 : memref<!tpu.dma_semaphore, #tpu.memory_space<semaphore_mem>>) src(%dma_wait3A_189 : memref<10000x128xf32, #tpu.memory_space<hbm>>) dst(%arg12 : memref<125x128xf32, #tpu.memory_space<vmem>>)
      } else {
      }
      %convert_element_type3A_178 = arith.extui %select_n3A_174 : i1 to i32
      %cond3A_179 = arith.constant 0 : i32
      %cond3A_180 = arith.cmpi ne, %convert_element_type3A_178, %cond3A_179 : i32
      scf.if %cond3A_180 {
        %add3A_185 = arith.constant 2 : i32
        %add3A_186 = arith.addi %add3A_150, %add3A_185 : i32
        %dma_start3A = arith.constant 0 : i32
        %dma_start3A_187 = tpu.memref_slice %arg8[%add3A_186, %dma_start3A] : memref<160x125xi32, #tpu.memory_space<vmem>> -> memref<1x125xi32, #tpu.memory_space<vmem>>
        %dma_start3A_188 = tpu.memref_squeeze %dma_start3A_187 : memref<1x125xi32, #tpu.memory_space<vmem>> -> memref<125xi32, #tpu.memory_space<vmem>>
        %dma_start3A_189 = arith.constant 0 : i32
        %dma_start3A_190 = arith.constant 0 : i32
        %dma_start3A_191 = tpu.memref_slice %arg2[%dma_start3A_189, %dma_start3A_190] : memref<10000x128xf32, #tpu.memory_space<hbm>> -> memref<10000x128xf32, #tpu.memory_space<hbm>>
        tpu.enqueue_indirect_dma source(%dma_start3A_191 : memref<10000x128xf32, #tpu.memory_space<hbm>>) target(%arg11 : memref<125x128xf32, #tpu.memory_space<vmem>>) offsets(%dma_start3A_188 : memref<125xi32, #tpu.memory_space<vmem>>) semaphore(%arg16 : memref<!tpu.dma_semaphore, #tpu.memory_space<semaphore_mem>>)
      } else {
      }
      %convert_element_type3A_181 = arith.extui %select_n3A_161 : i1 to i32
      %cond3A_182 = arith.constant 0 : i32
      %cond3A_183 = arith.cmpi ne, %convert_element_type3A_181, %cond3A_182 : i32
      scf.if %cond3A_183 {
        "tpu.region"() ({
          %run_scoped3A = tpu.sem_alloc : memref<!tpu.dma_semaphore, #tpu.memory_space<semaphore_mem>>
          %dma_start3A = arith.constant 0 : i32
          %dma_start3A_185 = tpu.memref_slice %arg9[%add3A_150, %dma_start3A] : memref<160x125xi32, #tpu.memory_space<vmem>> -> memref<1x125xi32, #tpu.memory_space<vmem>>
          %dma_start3A_186 = tpu.memref_squeeze %dma_start3A_185 : memref<1x125xi32, #tpu.memory_space<vmem>> -> memref<125xi32, #tpu.memory_space<vmem>>
          %dma_start3A_187 = arith.constant 0 : i32
          %dma_start3A_188 = arith.constant 0 : i32
          %dma_start3A_189 = tpu.memref_slice %arg14[%dma_start3A_187, %dma_start3A_188] : memref<5104x128xf32, #tpu.memory_space<vmem_shared>> -> memref<5104x128xf32, #tpu.memory_space<vmem_shared>>
          tpu.enqueue_indirect_dma source(%arg12 : memref<125x128xf32, #tpu.memory_space<vmem>>) target(%dma_start3A_189 : memref<5104x128xf32, #tpu.memory_space<vmem_shared>>) offsets(%dma_start3A_186 : memref<125xi32, #tpu.memory_space<vmem>>) semaphore(%run_scoped3A : memref<!tpu.dma_semaphore, #tpu.memory_space<semaphore_mem>>) {add = true}
          %dma_wait3A = arith.constant 0 : i32
          %dma_wait3A_190 = tpu.memref_slice %arg9[%add3A_150, %dma_wait3A] : memref<160x125xi32, #tpu.memory_space<vmem>> -> memref<1x125xi32, #tpu.memory_space<vmem>>
          %dma_wait3A_191 = tpu.memref_squeeze %dma_wait3A_190 : memref<1x125xi32, #tpu.memory_space<vmem>> -> memref<125xi32, #tpu.memory_space<vmem>>
          %dma_wait3A_192 = arith.constant 0 : i32
          %dma_wait3A_193 = arith.constant 0 : i32
          %dma_wait3A_194 = tpu.memref_slice %arg14[%dma_wait3A_192, %dma_wait3A_193] : memref<5104x128xf32, #tpu.memory_space<vmem_shared>> -> memref<5104x128xf32, #tpu.memory_space<vmem_shared>>
          tpu.wait_indirect_dma semaphore(%run_scoped3A : memref<!tpu.dma_semaphore, #tpu.memory_space<semaphore_mem>>) src(%arg12 : memref<125x128xf32, #tpu.memory_space<vmem>>) dst(%dma_wait3A_194 : memref<5104x128xf32, #tpu.memory_space<vmem_shared>>)
          tpu.yield
        }) : () -> ()
      } else {
      }
      %scan3A_184 = arith.constant 0 : i32
      scf.yield %scan3A_184 : i32
    }
    %scan3A_64 = arith.constant 54 : i32
    %barrier3A_65 = arith.constant 0 : index
    tpu.barrier barrier_id(%barrier3A_65)
    %lt3A_66 = arith.constant 15 : i32
    %lt3A_67 = arith.cmpi slt, %arg1, %lt3A_66 : i32
    %convert_element_type3A_68 = arith.extui %lt3A_67 : i1 to i32
    %cond3A_69 = arith.constant 0 : i32
    %cond3A_70 = arith.cmpi ne, %convert_element_type3A_68, %cond3A_69 : i32
    scf.if %cond3A_70 {
      %mul3A_76 = arith.constant 320 : i32
      %mul3A_77 = arith.muli %arg1, %mul3A_76 : i32
      %mul3A_78 = arith.constant 320 : i32
      %mul3A_79 = arith.muli %arg1, %mul3A_78 : i32
      "tpu.region"() ({
        %run_scoped3A = tpu.sem_alloc : memref<!tpu.dma_semaphore, #tpu.memory_space<semaphore_mem>>
        %dma_start3A = arith.constant 0 : i32
        %dma_start3A_80 = tpu.memref_slice %arg7[%arg0, %mul3A_79, %dma_start3A] : memref<2x5096x128xf32, #tpu.memory_space<hbm>> -> memref<1x320x128xf32, #tpu.memory_space<hbm>>
        %dma_start3A_81 = tpu.memref_squeeze %dma_start3A_80 : memref<1x320x128xf32, #tpu.memory_space<hbm>> -> memref<320x128xf32, #tpu.memory_space<hbm>>
        %dma_start3A_82 = arith.constant 0 : i32
        %dma_start3A_83 = tpu.memref_slice %arg14[%mul3A_77, %dma_start3A_82] : memref<5104x128xf32, #tpu.memory_space<vmem_shared>> -> memref<320x128xf32, #tpu.memory_space<vmem_shared>>
        tpu.enqueue_dma source(%dma_start3A_83 : memref<320x128xf32, #tpu.memory_space<vmem_shared>>) target(%dma_start3A_81 : memref<320x128xf32, #tpu.memory_space<hbm>>) target_semaphore(%run_scoped3A : memref<!tpu.dma_semaphore, #tpu.memory_space<semaphore_mem>>)
        %dma_wait3A = arith.constant 0 : i32
        %dma_wait3A_84 = tpu.memref_slice %arg7[%arg0, %mul3A_79, %dma_wait3A] : memref<2x5096x128xf32, #tpu.memory_space<hbm>> -> memref<1x320x128xf32, #tpu.memory_space<hbm>>
        %dma_wait3A_85 = tpu.memref_squeeze %dma_wait3A_84 : memref<1x320x128xf32, #tpu.memory_space<hbm>> -> memref<320x128xf32, #tpu.memory_space<hbm>>
        %dma_wait3A_86 = arith.constant 0 : i32
        %dma_wait3A_87 = tpu.memref_slice %arg14[%mul3A_77, %dma_wait3A_86] : memref<5104x128xf32, #tpu.memory_space<vmem_shared>> -> memref<320x128xf32, #tpu.memory_space<vmem_shared>>
        tpu.wait_dma2 semaphore(%run_scoped3A : memref<!tpu.dma_semaphore, #tpu.memory_space<semaphore_mem>>) src(%dma_wait3A_87 : memref<320x128xf32, #tpu.memory_space<vmem_shared>>) dst(%dma_wait3A_85 : memref<320x128xf32, #tpu.memory_space<hbm>>)
        tpu.yield
      }) : () -> ()
    } else {
    }
    %eq3A_71 = arith.constant 15 : i32
    %eq3A_72 = arith.cmpi eq, %arg1, %eq3A_71 : i32
    %convert_element_type3A_73 = arith.extui %eq3A_72 : i1 to i32
    %cond3A_74 = arith.constant 0 : i32
    %cond3A_75 = arith.cmpi ne, %convert_element_type3A_73, %cond3A_74 : i32
    scf.if %cond3A_75 {
      "tpu.region"() ({
        %run_scoped3A = tpu.sem_alloc : memref<!tpu.dma_semaphore, #tpu.memory_space<semaphore_mem>>
        %dma_start3A = arith.constant 4800 : i32
        %dma_start3A_76 = arith.constant 0 : i32
        %dma_start3A_77 = tpu.memref_slice %arg7[%arg0, %dma_start3A, %dma_start3A_76] : memref<2x5096x128xf32, #tpu.memory_space<hbm>> -> memref<1x296x128xf32, #tpu.memory_space<hbm>>
        %dma_start3A_78 = tpu.memref_squeeze %dma_start3A_77 : memref<1x296x128xf32, #tpu.memory_space<hbm>> -> memref<296x128xf32, #tpu.memory_space<hbm>>
        %dma_start3A_79 = arith.constant 4800 : i32
        %dma_start3A_80 = arith.constant 0 : i32
        %dma_start3A_81 = tpu.memref_slice %arg14[%dma_start3A_79, %dma_start3A_80] : memref<5104x128xf32, #tpu.memory_space<vmem_shared>> -> memref<296x128xf32, #tpu.memory_space<vmem_shared>>
        tpu.enqueue_dma source(%dma_start3A_81 : memref<296x128xf32, #tpu.memory_space<vmem_shared>>) target(%dma_start3A_78 : memref<296x128xf32, #tpu.memory_space<hbm>>) target_semaphore(%run_scoped3A : memref<!tpu.dma_semaphore, #tpu.memory_space<semaphore_mem>>)
        %dma_wait3A = arith.constant 4800 : i32
        %dma_wait3A_82 = arith.constant 0 : i32
        %dma_wait3A_83 = tpu.memref_slice %arg7[%arg0, %dma_wait3A, %dma_wait3A_82] : memref<2x5096x128xf32, #tpu.memory_space<hbm>> -> memref<1x296x128xf32, #tpu.memory_space<hbm>>
        %dma_wait3A_84 = tpu.memref_squeeze %dma_wait3A_83 : memref<1x296x128xf32, #tpu.memory_space<hbm>> -> memref<296x128xf32, #tpu.memory_space<hbm>>
        %dma_wait3A_85 = arith.constant 4800 : i32
        %dma_wait3A_86 = arith.constant 0 : i32
        %dma_wait3A_87 = tpu.memref_slice %arg14[%dma_wait3A_85, %dma_wait3A_86] : memref<5104x128xf32, #tpu.memory_space<vmem_shared>> -> memref<296x128xf32, #tpu.memory_space<vmem_shared>>
        tpu.wait_dma2 semaphore(%run_scoped3A : memref<!tpu.dma_semaphore, #tpu.memory_space<semaphore_mem>>) src(%dma_wait3A_87 : memref<296x128xf32, #tpu.memory_space<vmem_shared>>) dst(%dma_wait3A_84 : memref<296x128xf32, #tpu.memory_space<hbm>>)
        tpu.yield
      }) : () -> ()
    } else {
    }
    return
  }
}

module attributes {stable_mosaic.version = 14 : i64} {
  func.func @_degsum_body(%arg0: i32, %arg1: memref<32x1280xf32, #tpu.memory_space<vmem>>, %arg2: memref<1280x1xf32, #tpu.memory_space<vmem>>) attributes {dimension_semantics = [#tpu.dimension_semantics<arbitrary>], iteration_bounds = array<i64: 8>, scalar_prefetch = 0 : i64, scratch_operands = 0 : i64, tpu.core_type = #tpu.core_type<tc>, window_params = [{transform_indices = @transform_0, window_bounds = array<i64: 32, 1280>}, {transform_indices = @transform_1, window_bounds = array<i64: 1280, 1>}]} {
    %get3A = arith.constant 0 : index
    %get3A_0 = arith.constant 0 : index
    %get3A_1 = vector.load %arg1[%get3A, %get3A_0] : memref<32x1280xf32, #tpu.memory_space<vmem>>, vector<32x1280xf32>
    %reduce_sum3A = arith.constant dense<0.000000e+00> : vector<1280xf32>
    %reduce_sum3A_2 = vector.multi_reduction <add>, %get3A_1, %reduce_sum3A [0] : vector<32x1280xf32> to vector<1280xf32>
    %broadcast_in_dim3A = vector.shape_cast %reduce_sum3A_2 : vector<1280xf32> to vector<1280x1xf32>
    %swap3A = arith.constant 0 : index
    %swap3A_3 = arith.constant 0 : index
    %swap3A_4 = vector.load %arg2[%swap3A, %swap3A_3] : memref<1280x1xf32, #tpu.memory_space<vmem>>, vector<1280x1xf32>
    tpu.vector_store %arg2[%swap3A, %swap3A_3], %broadcast_in_dim3A {strides = array<i32>} : memref<1280x1xf32, #tpu.memory_space<vmem>>, vector<1280x1xf32>,
    return
  }
  func.func @transform_0(%arg0: i32) -> (i32, i32) {
    %c0_i32 = arith.constant 0 : i32
    %c0_i32_0 = arith.constant 0 : i32
    return %c0_i32, %arg0 : i32, i32
  }
  func.func @transform_1(%arg0: i32) -> (i32, i32) {
    %c0_i32 = arith.constant 0 : i32
    %c0_i32_0 = arith.constant 0 : i32
    return %arg0, %c0_i32 : i32, i32
  }
}

module attributes {stable_mosaic.version = 14 : i64} {
  func.func @_y1_body(%arg0: i32, %arg1: memref<1000x128xf32, #tpu.memory_space<vmem>>, %arg2: memref<128x128xf32, #tpu.memory_space<vmem>>, %arg3: memref<1000x1xf32, #tpu.memory_space<vmem>>, %arg4: memref<1000x128xf32, #tpu.memory_space<vmem>>) attributes {dimension_semantics = [#tpu.dimension_semantics<arbitrary>], iteration_bounds = array<i64: 10>, scalar_prefetch = 0 : i64, scratch_operands = 0 : i64, tpu.core_type = #tpu.core_type<tc>, window_params = [{transform_indices = @transform_0, window_bounds = array<i64: 1000, 128>}, {pipeline_mode = #tpu.pipeline_mode<synchronous>, transform_indices = @transform_1, window_bounds = array<i64: 128, 128>}, {transform_indices = @transform_2, window_bounds = array<i64: 1000, 1>}, {transform_indices = @transform_3, window_bounds = array<i64: 1000, 128>}]} {
    %get3A = arith.constant 0 : index
    %get3A_0 = arith.constant 0 : index
    %get3A_1 = vector.load %arg3[%get3A, %get3A_0] : memref<1000x1xf32, #tpu.memory_space<vmem>>, vector<1000x1xf32>
    %add3A = arith.constant 1.000000e+00 : f32
    %add3A_2 = vector.broadcast %add3A : f32 to vector<1000x1xf32>
    %add3A_3 = arith.addf %get3A_1, %add3A_2 : vector<1000x1xf32>
    %rsqrt3A = math.rsqrt %add3A_3 : vector<1000x1xf32>
    %get3A_4 = arith.constant 0 : index
    %get3A_5 = arith.constant 0 : index
    %get3A_6 = vector.load %arg1[%get3A_4, %get3A_5] : memref<1000x128xf32, #tpu.memory_space<vmem>>, vector<1000x128xf32>
    %get3A_7 = arith.constant 0 : index
    %get3A_8 = arith.constant 0 : index
    %get3A_9 = vector.load %arg2[%get3A_7, %get3A_8] : memref<128x128xf32, #tpu.memory_space<vmem>>, vector<128x128xf32>
    %dot_general3A = arith.constant dense<0.000000e+00> : vector<1000x128xf32>
    %dot_general3A_10 = tpu.matmul %get3A_6, %get3A_9, %dot_general3A {dimension_numbers = #tpu.dot_dimension_numbers<[1], [0], [0], [1], [0, 0, 1, 1], [], []>, transpose_lhs_hint = false} : vector<1000x128xf32>, vector<128x128xf32>, vector<1000x128xf32> -> vector<1000x128xf32>
    %mul3A = vector.broadcast %rsqrt3A : vector<1000x1xf32> to vector<1000x128xf32>
    %mul3A_11 = arith.mulf %mul3A, %dot_general3A_10 : vector<1000x128xf32>
    %swap3A = arith.constant 0 : index
    %swap3A_12 = arith.constant 0 : index
    %swap3A_13 = vector.load %arg4[%swap3A, %swap3A_12] : memref<1000x128xf32, #tpu.memory_space<vmem>>, vector<1000x128xf32>
    tpu.vector_store %arg4[%swap3A, %swap3A_12], %mul3A_11 {strides = array<i32>} : memref<1000x128xf32, #tpu.memory_space<vmem>>, vector<1000x128xf32>,
    return
  }
  func.func @transform_0(%arg0: i32) -> (i32, i32) {
    %c0_i32 = arith.constant 0 : i32
    %c0_i32_0 = arith.constant 0 : i32
    return %arg0, %c0_i32 : i32, i32
  }
  func.func @transform_1(%arg0: i32) -> (i32, i32) {
    %c0_i32 = arith.constant 0 : i32
    %c0_i32_0 = arith.constant 0 : i32
    %c0_i32_1 = arith.constant 0 : i32
    return %c0_i32, %c0_i32_0 : i32, i32
  }
  func.func @transform_2(%arg0: i32) -> (i32, i32) {
    %c0_i32 = arith.constant 0 : i32
    %c0_i32_0 = arith.constant 0 : i32
    return %arg0, %c0_i32 : i32, i32
  }
  func.func @transform_3(%arg0: i32) -> (i32, i32) {
    %c0_i32 = arith.constant 0 : i32
    %c0_i32_0 = arith.constant 0 : i32
    return %arg0, %c0_i32 : i32, i32
  }
}

module attributes {stable_mosaic.version = 14 : i64} {
  func.func @_mid_body(%arg0: i32, %arg1: memref<1000x128xf32, #tpu.memory_space<vmem>>, %arg2: memref<1000x128xf32, #tpu.memory_space<vmem>>, %arg3: memref<1000x1xf32, #tpu.memory_space<vmem>>, %arg4: memref<1x128xf32, #tpu.memory_space<vmem>>, %arg5: memref<128x128xf32, #tpu.memory_space<vmem>>, %arg6: memref<1000x128xf32, #tpu.memory_space<vmem>>) attributes {dimension_semantics = [#tpu.dimension_semantics<arbitrary>], iteration_bounds = array<i64: 10>, scalar_prefetch = 0 : i64, scratch_operands = 0 : i64, tpu.core_type = #tpu.core_type<tc>, window_params = [{transform_indices = @transform_0, window_bounds = array<i64: 1000, 128>}, {transform_indices = @transform_1, window_bounds = array<i64: 1000, 128>}, {transform_indices = @transform_2, window_bounds = array<i64: 1000, 1>}, {pipeline_mode = #tpu.pipeline_mode<synchronous>, transform_indices = @transform_3, window_bounds = array<i64: 1, 128>}, {pipeline_mode = #tpu.pipeline_mode<synchronous>, transform_indices = @transform_4, window_bounds = array<i64: 128, 128>}, {transform_indices = @transform_5, window_bounds = array<i64: 1000, 128>}]} {
    %get3A = arith.constant 0 : index
    %get3A_0 = arith.constant 0 : index
    %get3A_1 = vector.load %arg3[%get3A, %get3A_0] : memref<1000x1xf32, #tpu.memory_space<vmem>>, vector<1000x1xf32>
    %add3A = arith.constant 1.000000e+00 : f32
    %add3A_2 = vector.broadcast %add3A : f32 to vector<1000x1xf32>
    %add3A_3 = arith.addf %get3A_1, %add3A_2 : vector<1000x1xf32>
    %rsqrt3A = math.rsqrt %add3A_3 : vector<1000x1xf32>
    %get3A_4 = arith.constant 0 : index
    %get3A_5 = arith.constant 0 : index
    %get3A_6 = vector.load %arg1[%get3A_4, %get3A_5] : memref<1000x128xf32, #tpu.memory_space<vmem>>, vector<1000x128xf32>
    %get3A_7 = arith.constant 0 : index
    %get3A_8 = arith.constant 0 : index
    %get3A_9 = vector.load %arg2[%get3A_7, %get3A_8] : memref<1000x128xf32, #tpu.memory_space<vmem>>, vector<1000x128xf32>
    %add3A_10 = arith.addf %get3A_6, %get3A_9 : vector<1000x128xf32>
    %mul3A = vector.broadcast %rsqrt3A : vector<1000x1xf32> to vector<1000x128xf32>
    %mul3A_11 = arith.mulf %mul3A, %add3A_10 : vector<1000x128xf32>
    %get3A_12 = arith.constant 0 : index
    %get3A_13 = arith.constant 0 : index
    %get3A_14 = vector.load %arg4[%get3A_12, %get3A_13] : memref<1x128xf32, #tpu.memory_space<vmem>>, vector<1x128xf32>
    %add3A_15 = vector.broadcast %get3A_14 : vector<1x128xf32> to vector<1000x128xf32>
    %add3A_16 = arith.addf %mul3A_11, %add3A_15 : vector<1000x128xf32>
    %max3A = arith.constant 0.000000e+00 : f32
    %max3A_17 = vector.broadcast %max3A : f32 to vector<1000x128xf32>
    %max3A_18 = arith.maximumf %add3A_16, %max3A_17 : vector<1000x128xf32>
    %get3A_19 = arith.constant 0 : index
    %get3A_20 = arith.constant 0 : index
    %get3A_21 = vector.load %arg5[%get3A_19, %get3A_20] : memref<128x128xf32, #tpu.memory_space<vmem>>, vector<128x128xf32>
    %dot_general3A = arith.constant dense<0.000000e+00> : vector<1000x128xf32>
    %dot_general3A_22 = tpu.matmul %max3A_18, %get3A_21, %dot_general3A {dimension_numbers = #tpu.dot_dimension_numbers<[1], [0], [0], [1], [0, 0, 1, 1], [], []>, transpose_lhs_hint = false} : vector<1000x128xf32>, vector<128x128xf32>, vector<1000x128xf32> -> vector<1000x128xf32>
    %mul3A_23 = vector.broadcast %rsqrt3A : vector<1000x1xf32> to vector<1000x128xf32>
    %mul3A_24 = arith.mulf %mul3A_23, %dot_general3A_22 : vector<1000x128xf32>
    %swap3A = arith.constant 0 : index
    %swap3A_25 = arith.constant 0 : index
    %swap3A_26 = vector.load %arg6[%swap3A, %swap3A_25] : memref<1000x128xf32, #tpu.memory_space<vmem>>, vector<1000x128xf32>
    tpu.vector_store %arg6[%swap3A, %swap3A_25], %mul3A_24 {strides = array<i32>} : memref<1000x128xf32, #tpu.memory_space<vmem>>, vector<1000x128xf32>,
    return
  }
  func.func @transform_0(%arg0: i32) -> (i32, i32) {
    %c0_i32 = arith.constant 0 : i32
    %c0_i32_0 = arith.constant 0 : i32
    return %arg0, %c0_i32 : i32, i32
  }
  func.func @transform_1(%arg0: i32) -> (i32, i32) {
    %c0_i32 = arith.constant 0 : i32
    %c0_i32_0 = arith.constant 0 : i32
    return %arg0, %c0_i32 : i32, i32
  }
  func.func @transform_2(%arg0: i32) -> (i32, i32) {
    %c0_i32 = arith.constant 0 : i32
    %c0_i32_0 = arith.constant 0 : i32
    return %arg0, %c0_i32 : i32, i32
  }
  func.func @transform_3(%arg0: i32) -> (i32, i32) {
    %c0_i32 = arith.constant 0 : i32
    %c0_i32_0 = arith.constant 0 : i32
    %c0_i32_1 = arith.constant 0 : i32
    return %c0_i32, %c0_i32_0 : i32, i32
  }
  func.func @transform_4(%arg0: i32) -> (i32, i32) {
    %c0_i32 = arith.constant 0 : i32
    %c0_i32_0 = arith.constant 0 : i32
    %c0_i32_1 = arith.constant 0 : i32
    return %c0_i32, %c0_i32_0 : i32, i32
  }
  func.func @transform_5(%arg0: i32) -> (i32, i32) {
    %c0_i32 = arith.constant 0 : i32
    %c0_i32_0 = arith.constant 0 : i32
    return %arg0, %c0_i32 : i32, i32
  }
}

module attributes {stable_mosaic.version = 14 : i64} {
  func.func @_out_body(%arg0: i32, %arg1: memref<1000x128xf32, #tpu.memory_space<vmem>>, %arg2: memref<1000x128xf32, #tpu.memory_space<vmem>>, %arg3: memref<1000x1xf32, #tpu.memory_space<vmem>>, %arg4: memref<1x128xf32, #tpu.memory_space<vmem>>, %arg5: memref<1000x128xf32, #tpu.memory_space<vmem>>) attributes {dimension_semantics = [#tpu.dimension_semantics<arbitrary>], iteration_bounds = array<i64: 10>, scalar_prefetch = 0 : i64, scratch_operands = 0 : i64, tpu.core_type = #tpu.core_type<tc>, window_params = [{transform_indices = @transform_0, window_bounds = array<i64: 1000, 128>}, {transform_indices = @transform_1, window_bounds = array<i64: 1000, 128>}, {transform_indices = @transform_2, window_bounds = array<i64: 1000, 1>}, {pipeline_mode = #tpu.pipeline_mode<synchronous>, transform_indices = @transform_3, window_bounds = array<i64: 1, 128>}, {transform_indices = @transform_4, window_bounds = array<i64: 1000, 128>}]} {
    %get3A = arith.constant 0 : index
    %get3A_0 = arith.constant 0 : index
    %get3A_1 = vector.load %arg3[%get3A, %get3A_0] : memref<1000x1xf32, #tpu.memory_space<vmem>>, vector<1000x1xf32>
    %add3A = arith.constant 1.000000e+00 : f32
    %add3A_2 = vector.broadcast %add3A : f32 to vector<1000x1xf32>
    %add3A_3 = arith.addf %get3A_1, %add3A_2 : vector<1000x1xf32>
    %rsqrt3A = math.rsqrt %add3A_3 : vector<1000x1xf32>
    %get3A_4 = arith.constant 0 : index
    %get3A_5 = arith.constant 0 : index
    %get3A_6 = vector.load %arg1[%get3A_4, %get3A_5] : memref<1000x128xf32, #tpu.memory_space<vmem>>, vector<1000x128xf32>
    %get3A_7 = arith.constant 0 : index
    %get3A_8 = arith.constant 0 : index
    %get3A_9 = vector.load %arg2[%get3A_7, %get3A_8] : memref<1000x128xf32, #tpu.memory_space<vmem>>, vector<1000x128xf32>
    %add3A_10 = arith.addf %get3A_6, %get3A_9 : vector<1000x128xf32>
    %mul3A = vector.broadcast %rsqrt3A : vector<1000x1xf32> to vector<1000x128xf32>
    %mul3A_11 = arith.mulf %mul3A, %add3A_10 : vector<1000x128xf32>
    %get3A_12 = arith.constant 0 : index
    %get3A_13 = arith.constant 0 : index
    %get3A_14 = vector.load %arg4[%get3A_12, %get3A_13] : memref<1x128xf32, #tpu.memory_space<vmem>>, vector<1x128xf32>
    %add3A_15 = vector.broadcast %get3A_14 : vector<1x128xf32> to vector<1000x128xf32>
    %add3A_16 = arith.addf %mul3A_11, %add3A_15 : vector<1000x128xf32>
    %swap3A = arith.constant 0 : index
    %swap3A_17 = arith.constant 0 : index
    %swap3A_18 = vector.load %arg5[%swap3A, %swap3A_17] : memref<1000x128xf32, #tpu.memory_space<vmem>>, vector<1000x128xf32>
    tpu.vector_store %arg5[%swap3A, %swap3A_17], %add3A_16 {strides = array<i32>} : memref<1000x128xf32, #tpu.memory_space<vmem>>, vector<1000x128xf32>,
    return
  }
  func.func @transform_0(%arg0: i32) -> (i32, i32) {
    %c0_i32 = arith.constant 0 : i32
    %c0_i32_0 = arith.constant 0 : i32
    return %arg0, %c0_i32 : i32, i32
  }
  func.func @transform_1(%arg0: i32) -> (i32, i32) {
    %c0_i32 = arith.constant 0 : i32
    %c0_i32_0 = arith.constant 0 : i32
    return %arg0, %c0_i32 : i32, i32
  }
  func.func @transform_2(%arg0: i32) -> (i32, i32) {
    %c0_i32 = arith.constant 0 : i32
    %c0_i32_0 = arith.constant 0 : i32
    return %arg0, %c0_i32 : i32, i32
  }
  func.func @transform_3(%arg0: i32) -> (i32, i32) {
    %c0_i32 = arith.constant 0 : i32
    %c0_i32_0 = arith.constant 0 : i32
    %c0_i32_1 = arith.constant 0 : i32
    return %c0_i32, %c0_i32_0 : i32, i32
  }
  func.func @transform_4(%arg0: i32) -> (i32, i32) {
    %c0_i32 = arith.constant 0 : i32
    %c0_i32_0 = arith.constant 0 : i32
    return %arg0, %c0_i32 : i32, i32
  }
}

</mosaic_0001>

<sc_bundles>
// kernel: kernel.12.cloned.1.call-start
scs
__scs_entry_jumppad:
0x0: {  	(pc) =	sbr.rel $0x88, $3  }
0x1: {  	(tag) =	ssettag $0x0;
	lr =	simm.s32 $0x1  }
0x2: {  	[smem:$0x3F9B] =	sst lr;
	_ =	strace $0xD0000000  }
0x3: {  	_ = 	snop  }
0x4: {  	_ = 	snop  }
0x5: {  	_ = 	snop  }
0x6: {  	_ = 	snop  }
0x7: {  	_ = 	snop  }
__scs_overlays_trampoline_lowered:
0x8: {  	[smem:$0x3FAA] =	sst s0  }
0x9: {  	[smem:$0x3FAB] =	sst s1  }
0xa: {  	[smem:$0x3FAC] =	sst s2  }
0xb: {  	[smem:$0x3FAD] =	sst s3  }
0xc: {  	[smem:$0x3FAE] =	sst s4  }
0xd: {  	[smem:$0x3FAF] =	sst s5  }
0xe: {  	[smem:$0x3FB0] =	sst s6  }
0xf: {  	[smem:$0x3FB1] =	sst s7  }
0x10: {  	[smem:$0x3FB2] =	sst s8  }
0x11: {  	[smem:$0x3FB3] =	sst s9;
	s0 =	simm.s32 @!p0 $0x0  }
0x12: {  	s1 =	sld [smem:$0x3F99];
	s0 =	simm.s32 @p0 $0x1  }
0x13: {  	[smem:$0x3FB4] =	sst s0;
	s0 =	simm.s32 @!p1 $0x0  }
0x14: {  	s2 =	sld [smem:$0x3F98];
	s0 =	simm.s32 @p1 $0x1  }
0x15: {  	[smem:$0x3FB5] =	sst s0;
	s0 =	simm.s32 @!p2 $0x0  }
0x16: {  	s3 =	sld [smem:$0x3FDB];
	s0 =	simm.s32 @p2 $0x1  }
0x17: {  	s4 =	simm.s32 $0x1BF5;
	[smem:$0x3FB7] =	sst s0  }
0x18: {  	s0 =	sld [smem:$0x3F9A];
	_ =	swait.ge [sflag:s4], $0x0  }
0x19: {  	s7 =	sld [smem:$0x3F9B]  }
0x1a: {  	s8 =	sadd.s32 $0xFFFFE003, lr  }
0x1b: {  	s9 =	sadd.s32 $0xFFFFFEF7, lr;
	s5 =	simm.s32 $0xFFFFFFFF;
	p2 =	slt.u32 s8, $0xFFFFF086  }
0x1c: {  	p1 =	slt.u32 s9, $0xF7A;
	s5 =	simm.s32 @!p2 $0x0  }
0x1d: {  	s5 =	simm.s32 @p1 $0x1;
	p0 =	seq.s32 s7, s2  }
0x1e: {  	s7 =	smul.u32 @!p0 $0xF7A, s2;
	p2 =	seq.s32 @!p0 s5, $0x0  }
0x1f: {  	s9 =	smul.u32 $0xF7A, s1;
	s8 =	simm.s32 @!p0 $0x1BF5;
	p2 =	por !p2, p0  }
0x20: {  	[sflag:s8] =	ssyncset.s32 @!p0 $0xFFFFF086;
	s6 =	sadd.s32 @!p0 s3, s7;
	s7 =	simm.s32 @!p0 $0x108  }
0x21: {  	s3 =	sadd.s32 s3, s9;
	s6 =	sadd.s32 @!p0 $0x88, s6;
	s7 =	simm.s32 @p2 $0x1082  }
0x22: {  	[simem:s7], [sflag:s8] =	dma.local @!p0 [hbm:s6], $0xF7A  }
0x23: {  	s9 =	sor.u32 $0xD0000000, s2;
	s6 =	simm.s32 $0x108;
	_ =	swait.ge @!p0 [sflag:s8], $0x0  }
0x24: {  	s3 =	sadd.s32 $0x88, s3;
	s6 =	simm.s32 @!p1 $0x1082;
	[sflag:s4] =	ssyncset.s32 $0xFFFFF086  }
0x25: {  	[simem:s6], [sflag:s4] =	dma.local [hbm:s3], $0xF7A  }
0x26: {  	[smem:$0x3F9B] =	sst s1;
	(tag) =	ssettag s2;
	_ =	strace s9  }
0x27: {  	s1 =	sld [smem:$0x3FAB]  }
0x28: {  	s2 =	sld [smem:$0x3FAC]  }
0x29: {  	s4 =	sld [smem:$0x3FAE]  }
0x2a: {  	p0 =	seq.s32 s5, $0x0;
	s5 =	sld [smem:$0x3FAF]  }
0x2b: {  	s6 =	sld [smem:$0x3FB0]  }
0x2c: {  	s7 =	sld [smem:$0x3FB1]  }
0x2d: {  	s3 =	simm.s32 $0x108;
	s8 =	sld [smem:$0x3FB2]  }
0x2e: {  	s3 =	simm.s32 @!p0 $0x1082;
	s9 =	sld [smem:$0x3FB3]  }
0x2f: {  	lr =	sadd.s32 s0, s3;
	s0 =	sld [smem:$0x3FAA]  }
0x30: {  	s3 =	sld [smem:$0x3FAD]  }
0x31: {  	[smem:$0x3FB6] =	sst s10  }
0x32: {  	s10 =	sld [smem:$0x3FB4];
	_ =	sdelay $0x3  }
0x33: {  	p0 =	seq.s32 s10, $0x1;
	s10 =	sld [smem:$0x3FB6];
	_ =	sdelay $0x3  }
0x34: {  	[smem:$0x3FB6] =	sst s10  }
0x35: {  	s10 =	sld [smem:$0x3FB5];
	_ =	sdelay $0x3  }
0x36: {  	p1 =	seq.s32 s10, $0x1;
	s10 =	sld [smem:$0x3FB6];
	_ =	sdelay $0x3  }
0x37: {  	[smem:$0x3FB6] =	sst s10  }
0x38: {  	s10 =	sld [smem:$0x3FB7]  }
0x39: {  	_ = 	snop;
	(pc) =	sbr.ind lr, $3  }
0x3a: {  	_ = 	snop  }
0x3b: {  	_ = 	snop  }
0x3c: {  	p2 =	seq.s32 s10, $0x1;
	s10 =	sld [smem:$0x3FB6]  }
0x3d: {  	_ =	shalt  }
0x3e: {  	_ =	shalt  }
0x3f: {  	_ =	shalt  }
0x40: {  	_ =	shalt  }
0x41: {  	_ =	shalt  }
0x42: {  	_ =	shalt  }
0x43: {  	_ =	shalt  }
0x44: {  	_ =	shalt  }
0x45: {  	_ =	shalt  }
0x46: {  	_ =	shalt  }
0x47: {  	_ =	shalt  }
0x48: {  	_ =	shalt  }
0x49: {  	_ =	shalt  }
0x4a: {  	_ =	shalt  }
0x4b: {  	_ =	shalt  }
0x4c: {  	_ =	shalt  }
0x4d: {  	_ =	shalt  }
0x4e: {  	_ =	shalt  }
0x4f: {  	_ =	shalt  }
0x50: {  	_ =	shalt  }
0x51: {  	_ =	shalt  }
0x52: {  	_ =	shalt  }
0x53: {  	_ =	shalt  }
0x54: {  	_ =	shalt  }
0x55: {  	_ =	shalt  }
0x56: {  	_ =	shalt  }
0x57: {  	_ =	shalt  }
0x58: {  	_ =	shalt  }
0x59: {  	_ =	shalt  }
0x5a: {  	_ =	shalt  }
0x5b: {  	_ =	shalt  }
0x5c: {  	_ =	shalt  }
0x5d: {  	_ =	shalt  }
0x5e: {  	_ =	shalt  }
0x5f: {  	_ =	shalt  }
0x60: {  	_ =	shalt  }
0x61: {  	_ =	shalt  }
0x62: {  	_ =	shalt  }
0x63: {  	_ =	shalt  }
0x64: {  	_ =	shalt  }
0x65: {  	_ =	shalt  }
0x66: {  	_ =	shalt  }
0x67: {  	_ =	shalt  }
0x68: {  	_ =	shalt  }
0x69: {  	_ =	shalt  }
0x6a: {  	_ =	shalt  }
0x6b: {  	_ =	shalt  }
0x6c: {  	_ =	shalt  }
0x6d: {  	_ =	shalt  }
0x6e: {  	_ =	shalt  }
0x6f: {  	_ =	shalt  }
0x70: {  	_ =	shalt  }
0x71: {  	_ =	shalt  }
0x72: {  	_ =	shalt  }
0x73: {  	_ =	shalt  }
0x74: {  	_ =	shalt  }
0x75: {  	_ =	shalt  }
0x76: {  	_ =	shalt  }
0x77: {  	_ =	shalt  }
0x78: {  	_ =	shalt  }
0x79: {  	_ =	shalt  }
0x7a: {  	_ =	shalt  }
0x7b: {  	_ =	shalt  }
0x7c: {  	_ =	shalt  }
0x7d: {  	_ =	shalt  }
0x7e: {  	_ =	shalt  }
0x7f: {  	_ =	shalt  }
0x80: {  	_ =	shalt  }
0x81: {  	_ =	shalt  }
0x82: {  	_ =	shalt  }
0x83: {  	_ =	shalt  }
0x84: {  	_ =	shalt  }
0x85: {  	_ =	shalt  }
0x86: {  	_ =	shalt  }
0x87: {  	_ =	shalt  }
.Lfunc_end0:
.L_simem_size_0:
called_computation.1_lowered:
.L_overlay_start_0:
0x88: {  	s2 =	sld [smem:$0x3FD9]  }
0x89: {  	s3 =	sld [smem:$0x3FFE];
	_ =	sdelay $0x1  }
0x8a: {  	s1 =	srdreg.scid  }
0x8b: {  	s0 =	sand.u32 $0x1, s1  }
0x8c: {  	s17 =	sshll.u32 s0, $0xA;
	s2 =	sadd.s32 s3, s2  }
0x8d: {  	s2 =	sadd.s32 s2, s17  }
0x8e: {  	[smem:$0x3FC2] =	sst s2  }
0x8f: {  	_ = 	snop  }
0x90: {  	s2 =	sld [smem:$0x3FD0];
	(tm) =	ssettm $0x1  }
0x91: {  	s18 =	sld [smem:$0x3FFB];
	_ =	sdelay $0x3  }
0x92: {  	_ =	strace s18  }
0x93: {  	s3 =	sld [smem:$0x3FFC];
	_ =	sdelay $0x3  }
0x94: {  	_ =	strace s3  }
0x95: {  	s3 =	sld [smem:$0x3FFD];
	_ =	sdelay $0x3  }
0x96: {  	_ =	strace s3  }
0x97: {  	_ =	strace $0x8FFFFFFF  }
0x98: {  	s19 =	sld [smem:$0x3FDB];
	_ =	sdelay $0x1  }
0x99: {  	s4 =	simm.s32 $_scs_section_size  }
0x9a: {  	s5 =	simm.s32 $_size__tile_overlayer_lowered;
	s6 =	simm.s32 $_tile_overlayer_lowered  }
0x9b: {  	s22 =	simm.s32 $0x1BFF;
	s21 =	sshll.u32 s6, $0x1;
	s3 =	sadd.s32 s4, s19  }
0x9c: {  	s7 =	simm.s32 $0x0;
	s20 =	sshll.u32 s5, $0x1;
	s5 =	sadd.s32 s21, s3  }
0x9d: {  	[timem:s7], [sflag:s22] =	dma.local [hbm:s5], s20  }
0x9e: {  	_ =	swait.ge [sflag:s22], s20  }
0x9f: {  	s4 =	ssub.s32 $0x0, s20;
	[sflag:s22] =	ssyncset.done $0x0  }
0xa0: {  	[sflag:s22] =	ssyncadd.s32 s4;
	_ =	sdelay $0x1  }
0xa1: {  	s23 =	simm.s32 $0x1B8B  }
0xa2: {  	_ =	swait.ge [sflag:s23], $0x1  }
0xa3: {  	[sflag:s23] =	ssyncset.done $0x0  }
0xa4: {  	s25 =	simm.s32 $0x1B8E;
	s24 =	sld [smem:$0x3FFE];
	[sflag:s23] =	ssyncadd.s32 $0xFFFFFFFF  }
0xa5: {  	s26 =	simm.s32 $execute0_lowered;
	[smem:$0x3FD2] =	sst s25  }
0xa6: {  	s5 =	sshll.u32 s26, $0x1;
	_ =	strace $0x80000049;
	[dreg:$0x1] =	wrdreg $0xFFFFFFFF  }
0xa7: {  	s28 =	simm.s32 $_size_execute0_lowered;
	s3 =	sadd.s32 s3, s5;
	[dreg:$0x0] =	wrdreg $0x0  }
0xa8: {  	s5 =	sshll.u32 s28, $0x1;
	[dreg:$0x2] =	wrdreg s3  }
0xa9: {  	[dreg:$0x3] =	wrdreg s5  }
0xaa: {  	[dreg:$0x4] =	wrdreg $0xC0  }
0xab: {  	_ =	task [dreg:s7], $0x5FFFF  }
0xac: {  	[dreg:$0x1] =	wrdreg $0xFFFFFFFF  }
0xad: {  	[dreg:$0x0] =	wrdreg $0x60  }
0xae: {  	[dreg:$0x2] =	wrdreg s2  }
0xaf: {  	[dreg:$0x3] =	wrdreg s24  }
0xb0: {  	[dreg:$0x4] =	wrdreg $0x160800  }
0xb1: {  	[dreg:$0x5] =	wrdreg $0x9  }
0xb2: {  	_ =	task.clear_ibuf [dreg:s7], $0x6FFFF;
	_ =	strace $0x90000049  }
0xb3: {  	s29 =	simm.s32 $0x9;
	_ =	strace $0x8000004B  }
0xb4: {  	_ =	swait.ge [sflag:s29], $0x1  }
0xb5: {  	[sflag:s29] =	ssyncadd.s32 $0xFFFFFFFF  }
0xb6: {  	_ =	strace $0x9000004B  }
0xb7: {  	_ =	sfence  }
0xb8: {  	s30 =	sld [smem:$0x0];
	_ =	sdelay $0x2  }
0xb9: {  	s31 =	sshll.u32 s1, $0xD;
	s1 =	sshrl.u32 s1, $0x2  }
0xba: {  	s3 =	sand.u32 $0x4000, s31;
	s1 =	sadd.s32 s1, s30  }
0xbb: {  	s0 =	sor.u32 s3, s0;
	s1 =	sshll.u32 s1, $0x11  }
0xbc: {  	s0 =	sor.u32 s1, s0  }
0xbd: {  	s0 =	sadd.s32 $0x8F2B, s0  }
0xbe: {  	[sflag:s0] =	ssyncadd.remote.s32 $0x1  }
0xbf: {  	_ =	sfence.sel $0xFFFF  }
0xc0: {  	[dreg:$0x0] =	wrdreg $0xFFFFFFFF;
	(pc) =	sbr.abs _section_cstart, $3  }
0xc1: {  	[dreg:$0x1] =	wrdreg $0xFFFFFFFF  }
0xc2: {  	_ =	task.clear_ibuf [dreg:s7], $0x2FFFF;
	_ =	strace $0x9FFFFFFF  }
0xc3: {  	(tm) =	ssettm $0x7FFFFFFF  }
tec
execute0_lowered:
.L_overlay_start_1:
0x0: {  	(tag) =	ssettag $0x1  }
0x1: {  	s1 =	rddreg [dreg:$0x0]  }
0x2: {  	s0 =	rddreg [dreg:$0x1]  }
0x3: {  	s2 =	rddreg [dreg:$0x2];
	s4 =	simm.s32 $0x0;
	s21 =	stileid.u32  }
0x4: {  	s5 =	srdreg.scid;
	[smem:$0x7FF] =	sst s4  }
0x5: {  	s3 =	sadd.s32 $0x3000, s0;
	s6 =	smul.u32 $0x28000, s21;
	s11 =	sadd.s32 $0x17000, s0  }
0x6: {  	s12 =	sand.u32 $0x1, s5;
	s13 =	smul.u32 $0xA000, s21;
	s14 =	sshllo.u32 s21, $0x1  }
0x7: {  	s15 =	sadd.s32 $0x35E00, s0;
	s5 =	sadd.s32 $0x2B000, s0;
	s0 =	sadd.s32 $0x36000, s0  }
0x8: {  	s23 =	sadd.s32 $0x96000, s2;
	s26 =	sshll.u32 s21, $0x8;
	p1 =	seq.s32 s21, $0xF  }
0x9: {  	_ =	strace $0x8000004A;
	s7 =	ssub.s32 $0x2, s12;
	s8 =	smul.u32 $0x2800, s12  }
0xa: {  	s10 =	smul.u32 $0x5000, s14;
	[dreg:$0x5] =	wrdreg s23;
	s18 =	sshll.u32 s12, $0x4  }
0xb: {  	s19 =	sand.u32 $0xC00, s26;
	s14 =	sshll.u32 s14, $0x7;
	s23 =	simm.s32 $0x0  }
0xc: {  	s9 =	sshrl.u32 s7, $0x1;
	s6 =	sshrl.u32 s6, $0x2;
	s14 =	sand.u32 $0x380, s14  }
0xd: {  	s16 =	ssub.s32 s7, s9;
	s20 =	sadd.s32 s8, s13;
	s6 =	sadd.s32 s6, s2  }
0xe: {  	s8 =	sadd.s32 s8, s10;
	s28 =	sor.u32 s14, s19;
	[dreg:$0x4] =	wrdreg s6  }
0xf: {  	s22 =	sshrl.u32 s20, $0x3;
	s17 =	sshrl.u32 s8, $0x3;
	s20 =	smul.u32 $0x9F400, s12  }
0x10: {  	s16 =	smax.u32 s16, $0x1;
	s24 =	sadd.s32 s3, s22;
	s3 =	sadd.s32 s3, s17  }
0x11: {  	s25 =	sadd.s32 s11, s22;
	s11 =	sadd.s32 s11, s17;
	[dreg:$0x6] =	wrdreg s24  }
0x12: {  	s17 =	simm.s32 $0x5;
	[dreg:$0x7] =	wrdreg s3;
	s3 =	sor.u32 s18, s26  }
0x13: {  	s13 =	sadd.s32 s13, s20;
	s29 =	sshrl.u32 s20, $0x3;
	s3 =	sshrl.u32 s3, $0x3  }
0x14: {  	s30 =	sshrl.u32 s13, $0x3;
	s31 =	sadd.s32 s0, s29;
	s12 =	sadd.s32 s15, s3  }
0x15: {  	s3 =	sor.u32 s18, s28;
	s14 =	sadd.s32 s0, s30;
	s0 =	simm.s32 @!p1 $0x0  }
0x16: {  	[dreg:$0x8] =	wrdreg s25;
	s3 =	sshrl.u32 s3, $0x3;
	s0 =	simm.s32 @p1 $0x1  }
0x17: {  	s13 =	sadd.s32 s15, s3;
	s15 =	sadd.s32 $0x12C00, s31;
	[smem:$0x7FD] =	sst s0  }
.LBB2_1:
0x18: {  	s0 =	rddreg [dreg:$0x5]  }
0x19: {  	s26 =	sshrl.u32 @p1 s0, $0x3;
	s0 =	simm.s32 @p1 $0x1FC4  }
0x1a: {  	[spmem:s26], [sflag:s0] =	dma.local @p1 [hbm:s5], $0x1280  }
0x1b: {  	s0 =	stileid.u32  }
0x1c: {  	s24 =	sshll.u32 @!p1 s0, $0x6;
	s3 =	rddreg [dreg:$0x4]  }
0x1d: {  	s0 =	sor.u32 @!p1 $0x1C04, s24;
	s25 =	sshrl.u32 @!p1 s3, $0x3  }
0x1e: {  	[spmem:s25], [sflag:s0] =	dma.local @!p1 [hbm:s5], $0x1400  }
0x1f: {  	s0 =	rddreg [dreg:$0x6]  }
0x20: {  	[tilespmem:s4], [sflag:$0x5] =	stream.linear.gather [hbm4b:s0+s4], $0x2800, $0x38;
	v63 =	vld [tilespmem:$0x0]  }
0x21: {  	_ =	swait.ge [sflag:s17], $0x2800  }
0x22: {  	[sflag:s17] =	ssyncset.done $0x0  }
0x23: {  	s10 =	simm.s32 $0x2800;
	s9 =	rddreg [dreg:$0x7];
	[sflag:s17] =	ssyncadd.s32 $0xFFFFD800  }
0x24: {  	[tilespmem:s10], [sflag:$0x5] =	stream.linear.gather [hbm4b:s9+s4], $0x2800, $0x38;
	v63 =	vld [tilespmem:$0x0]  }
0x25: {  	_ =	swait.ge [sflag:s17], $0x2800  }
0x26: {  	[sflag:s17] =	ssyncset.done $0x0  }
0x27: {  	s19 =	simm.s32 $0x5000;
	s18 =	rddreg [dreg:$0x8];
	[sflag:s17] =	ssyncadd.s32 $0xFFFFD800  }
0x28: {  	[tilespmem:s19], [sflag:$0x5] =	stream.linear.gather [hbm4b:s18+s4], $0x2800, $0x38;
	v63 =	vld [tilespmem:$0x0]  }
0x29: {  	_ =	swait.ge [sflag:s17], $0x2800  }
0x2a: {  	[sflag:s17] =	ssyncset.done $0x0  }
0x2b: {  	s20 =	simm.s32 $0x7800;
	[sflag:s17] =	ssyncadd.s32 $0xFFFFD800  }
0x2c: {  	[tilespmem:s20], [sflag:$0x5] =	stream.linear.gather [hbm4b:s11+s4], $0x2800, $0x38;
	v63 =	vld [tilespmem:$0x0]  }
0x2d: {  	_ =	swait.ge [sflag:s17], $0x2800  }
0x2e: {  	[sflag:s17] =	ssyncset.done $0x0  }
0x2f: {  	s21 =	simm.s32 $0x16000;
	[sflag:s17] =	ssyncadd.s32 $0xFFFFD800  }
0x30: {  	[tilespmem:s21], [sflag:$0x5] =	stream.linear.gather [hbm4b:s12+s4], $0x10, $0x38;
	v63 =	vld [tilespmem:$0x0]  }
0x31: {  	_ =	swait.ge [sflag:s17], $0x10  }
0x32: {  	[sflag:s17] =	ssyncset.done $0x0  }
0x33: {  	s22 =	simm.s32 $0x16010;
	[sflag:s17] =	ssyncadd.s32 $0xFFFFFFF0  }
0x34: {  	[tilespmem:s22], [sflag:$0x5] =	stream.linear.gather [hbm4b:s13+s4], $0x10, $0x38;
	v63 =	vld [tilespmem:$0x0]  }
0x35: {  	_ =	swait.ge [sflag:s17], $0x10  }
0x36: {  	[sflag:s17] =	ssyncset.done $0x0  }
0x37: {  	s0 =	simm.s32 @p1 $0x4;
	[sflag:s17] =	ssyncadd.s32 $0xFFFFFFF0  }
0x38: {  	_ =	swait.ge @p1 [sflag:s0], $0x1280  }
0x39: {  	[sflag:s0] =	ssyncset.done @p1 $0x0  }
0x3a: {  	[sflag:s0] =	ssyncadd.s32 @p1 $0xFFFFED80;
	s0 =	simm.s32 @!p1 $0x4  }
0x3b: {  	_ =	swait.ge @!p1 [sflag:s0], $0x1400  }
0x3c: {  	[sflag:s0] =	ssyncset.done @!p1 $0x0  }
0x3d: {  	[sflag:s0] =	ssyncadd.s32 @!p1 $0xFFFFEC00  }
0x3e: {  	[bflag:$0x0] =	sbarrier.arrive $0xFFFF  }
0x3f: {  	v0 =	vld [tilespmem:$0x16000];
	_ =	sdelay $0x4  }
0x40: {  	v62 =	vld [tilespmem:$0x16010];
	(v2sf) =	vpush v0, $0x0;
	_ =	sdelay $0x4  }
0x41: {  	(v2sf) =	vpush v62, $0x0;
	_ =	sdelay $0x9  }
0x42: {  	s28 =	spop (v2sf)  }
0x43: {  	p0 =	slt.s32 s28, $0x1  }
0x44: {  	s0 =	simm.s32 @!p0 $0x7D  }
0x45: {  	s3 =	simm.s32 @!p0 $0x0;
	s18 =	simm.s32 @!p0 $0xA000;
	p1 =	slt.u32 @!p0 s28, $0x7E  }
0x46: {  	[tilespmem:s18], [sflag:$0x1] =	stream.indirect.gather @!p0 [hbm4b:s1+s0], $0x80, s3, s0, $0xb8;
	v63 =	vld [tilespmem:$0x0]  }
0x47: {  	s29 =	spop (v2sf);
	p0 =	por p1, p0  }
0x48: {  	s0 =	simm.s32 @!p0 $0x7D;
	s3 =	simm.s32 @!p0 $0x80;
	s18 =	simm.s32 @!p0 $0xE000  }
0x49: {  	[tilespmem:s18], [sflag:$0x2] =	stream.indirect.gather @!p0 [hbm4b:s1+s0], $0x80, s3, s0, $0xb8;
	v63 =	vld [tilespmem:$0x0]  }
0x4a: {  	p3 =	por $0x1, $0x1;
	p2 =	sgt.s32 s28, $0x0;
	p0 =	sgt.s32 s29, $0xFFFFD8F0  }
0x4b: {  	p4 =	sgt.s32 s29, $0xFFFFD9EA;
	p2 =	por @!p3 p0, p0  }
0x4c: {  	p1 =	por $0x1, $0x1;
	p0 =	sgt.s32 s28, $0xFA;
	s0 =	simm.s32 @p2 $0x1  }
0x4d: {  	p0 =	por @!p1 p4, p4;
	_ =	swait.ge @p2 [sflag:s0], $0x3E80  }
0x4e: {  	s18 =	simm.s32 @p2 $0x5000;
	s3 =	simm.s32 @p0 $0x100;
	[sflag:s0] =	ssyncset.done @p2 $0x0  }
0x4f: {  	s30 =	simm.s32 @p0 $0x7D;
	s31 =	simm.s32 @p0 $0x12000;
	[sflag:s0] =	ssyncadd.s32 @p2 $0xFFFFC180  }
0x50: {  	[tilespmem:s31], [sflag:$0x3] =	stream.indirect.gather @p0 [hbm4b:s1+s30], $0x80, s3, s30, $0xb8;
	v63 =	vld [tilespmem:$0x0]  }
0x51: {  	s19 =	simm.s32 @p2 $0x6;
	s0 =	simm.s32 @p2 $0xA000;
	s3 =	simm.s32 @p2 $0x7D  }
0x52: {  	[spmem:s2] =	stream.indirect.scatter.add.f32 @p2 [tilespmem:s0], [sflag:$0x6], $0x80, s18, s3, $0xb8;
	v63 =	vld [tilespmem:$0x0]  }
0x53: {  	p5 =	sgt.s32 s29, $0xFFFFD96D;
	p4 =	sgt.s32 s28, $0x7D;
	_ =	swait.ge @p2 [sflag:s19], $0x3E80  }
0x54: {  	p4 =	por @!p3 p5, p5;
	p3 =	sgt.s32 s29, $0xFFFFDA67;
	[sflag:s19] =	ssyncset.done @p2 $0x0  }
0x55: {  	s0 =	simm.s32 @p4 $0x2;
	[sflag:s19] =	ssyncadd.s32 @p2 $0xFFFFC180;
	p2 =	sgt.s32 s28, $0x177  }
0x56: {  	p2 =	por @!p1 p3, p3;
	_ =	swait.ge @p4 [sflag:s0], $0x3E80  }
0x57: {  	s18 =	simm.s32 @p4 $0x5080;
	s3 =	simm.s32 @p2 $0x180;
	[sflag:s0] =	ssyncset.done @p4 $0x0  }
0x58: {  	s19 =	simm.s32 @p2 $0x7D;
	s20 =	simm.s32 @p2 $0xA000;
	[sflag:s0] =	ssyncadd.s32 @p4 $0xFFFFC180  }
0x59: {  	[tilespmem:s20], [sflag:$0x1] =	stream.indirect.gather @p2 [hbm4b:s1+s19], $0x80, s3, s19, $0xb8;
	v63 =	vld [tilespmem:$0x0]  }
0x5a: {  	p3 =	sgt.s32 s28, $0x1F4;
	s0 =	simm.s32 @p4 $0x7D;
	p2 =	sgt.s32 s29, $0xFFFFDAE4  }
0x5b: {  	s3 =	simm.s32 @p4 $0xE000;
	s19 =	simm.s32 @p4 $0x6;
	p3 =	por @!p1 p2, p2  }
0x5c: {  	[spmem:s2] =	stream.indirect.scatter.add.f32 @p4 [tilespmem:s3], [sflag:$0x6], $0x80, s18, s0, $0xb8;
	v63 =	vld [tilespmem:$0x0]  }
0x5d: {  	p2 =	por p0, p0;
	s0 =	simm.s32 $0xFFFFDAE4;
	_ =	swait.ge @p4 [sflag:s19], $0x3E80  }
0x5e: {  	s3 =	simm.s32 @p0 $0x5100;
	s18 =	simm.s32 $0x600;
	[sflag:s19] =	ssyncset.done @p4 $0x0  }
0x5f: {  	s21 =	simm.s32 @p2 $0x3;
	s22 =	simm.s32 @p3 $0x0;
	[sflag:s19] =	ssyncadd.s32 @p4 $0xFFFFC180  }
0x60: {  	s20 =	simm.s32 @p3 $0x7D;
	s19 =	simm.s32 $0x1;
	_ =	swait.ge @p2 [sflag:s21], $0x3E80  }
.LBB2_2:
0x61: {  	s6 =	sadd.s32 $0x2710, s0;
	p0 =	slt.u32 s19, $0x1A  }
0x62: {  	s10 =	sadd.s32 $0xFFFFFF83, s0;
	[smem:$0x7F8] =	sst s1;
	s1 =	simm.s32 @!p0 $0x0  }
0x63: {  	s9 =	sadd.s32 $0x2693, s0;
	p1 =	slt.s32 s10, s29;
	s1 =	simm.s32 @p0 $0x1  }
0x64: {  	p5 =	slt.s32 s9, s28;
	s9 =	simm.s32 @!p1 $0x0;
	[smem:$0x7FB] =	sst s1  }
0x65: {  	s7 =	sadd.s32 $0xFA, s0;
	s9 =	simm.s32 @p1 $0x1;
	s1 =	sld [smem:$0x7F8]  }
0x66: {  	s8 =	simm.s32 @p3 $0xE000;
	p1 =	slt.u32 s19, $0x1B;
	[smem:$0x7F9] =	sst s9  }
0x67: {  	s9 =	sadd.s32 $0x7D, s0;
	s10 =	simm.s32 @!p1 $0x0;
	[sflag:s21] =	ssyncset.done @p2 $0x0  }
0x68: {  	s10 =	simm.s32 @p1 $0x1;
	p4 =	slt.s32 s9, s29;
	[sflag:s21] =	ssyncadd.s32 @p2 $0xFFFFC180  }
0x69: {  	s9 =	sadd.s32 @p3 $0x200, s22;
	[smem:$0x7FA] =	sst s10;
	s10 =	sadd.s32 $0x278D, s0  }
0x6a: {  	s21 =	smov.u32 s0;
	s0 =	sadd.s32 $0x177, s0;
	p6 =	slt.s32 s10, s28  }
0x6b: {  	[tilespmem:s8], [sflag:$0x2] =	stream.indirect.gather @p3 [hbm4b:s1+s20], $0x80, s9, s20, $0xb8;
	v63 =	vld [tilespmem:$0x0]  }
0x6c: {  	p6 =	por @!p0 p4, p4;
	p0 =	sne.s32 s0, $0x2887  }
0x6d: {  	s10 =	sld [smem:$0x7F9];
	s8 =	simm.s32 @!p0 $0x0  }
0x6e: {  	[spmem:s2] =	stream.indirect.scatter.add.f32 @p2 [tilespmem:s31], [sflag:$0x5], $0x80, s3, s30, $0xb8;
	v63 =	vld [tilespmem:$0x0]  }
0x6f: {  	s22 =	sadd.s32 $0x280A, s21;
	s9 =	simm.s32 @p2 $0x5;
	s8 =	simm.s32 @p0 $0x1  }
0x70: {  	p3 =	slt.s32 s22, s28;
	p4 =	slt.s32 s6, s28;
	[smem:$0x7FC] =	sst s8  }
0x71: {  	s30 =	simm.s32 @p6 $0x7D;
	p0 =	seq.s32 s10, $0x1;
	_ =	swait.ge @p2 [sflag:s9], $0x3E80  }
0x72: {  	s31 =	simm.s32 @p6 $0x12000;
	p5 =	por @!p1 p0, p0;
	[sflag:s9] =	ssyncset.done @p2 $0x0  }
0x73: {  	s8 =	sshra.s32 @p6 s18, $0x2;
	s10 =	simm.s32 @p5 $0x1;
	[sflag:s9] =	ssyncadd.s32 @p2 $0xFFFFC180  }
0x74: {  	p0 =	slt.s32 s7, s29;
	s6 =	sadd.s32 @p6 $0x100, s8;
	_ =	swait.ge @p5 [sflag:s10], $0x3E80  }
0x75: {  	s7 =	sshra.s32 @p5 s18, $0x2;
	s3 =	sadd.s32 @p6 $0x5100, s8;
	[sflag:s10] =	ssyncset.done @p5 $0x0  }
0x76: {  	s8 =	simm.s32 @p5 $0x6;
	s7 =	sadd.s32 @p5 $0x5000, s7;
	[sflag:s10] =	ssyncadd.s32 @p5 $0xFFFFC180  }
0x77: {  	[tilespmem:s31], [sflag:$0x3] =	stream.indirect.gather @p6 [hbm4b:s1+s30], $0x80, s6, s30, $0xb8;
	v63 =	vld [tilespmem:$0x0]  }
0x78: {  	s9 =	simm.s32 @p5 $0xA000;
	s22 =	sld [smem:$0x7FB];
	s6 =	simm.s32 @p5 $0x7D  }
0x79: {  	[spmem:s2] =	stream.indirect.scatter.add.f32 @p5 [tilespmem:s9], [sflag:$0x6], $0x80, s7, s6, $0xb8;
	v63 =	vld [tilespmem:$0x0]  }
0x7a: {  	_ =	swait.ge @p5 [sflag:s8], $0x3E80  }
0x7b: {  	p1 =	seq.s32 s22, $0x1;
	s22 =	sld [smem:$0x7FA];
	_ =	sdelay $0x2  }
0x7c: {  	p3 =	por @!p1 p0, p0;
	p0 =	slt.s32 s21, s29;
	p1 =	seq.s32 s22, $0x1  }
0x7d: {  	[sflag:s8] =	ssyncset.done @p5 $0x0;
	p4 =	por @!p1 p0, p0  }
0x7e: {  	[sflag:s8] =	ssyncadd.s32 @p5 $0xFFFFC180;
	s7 =	simm.s32 @p4 $0x2  }
0x7f: {  	s6 =	sshra.s32 @p3 s18, $0x2;
	s9 =	simm.s32 @p3 $0x7D;
	_ =	swait.ge @p4 [sflag:s7], $0x3E80  }
0x80: {  	s10 =	simm.s32 @p3 $0xA000;
	s8 =	sshra.s32 @p4 s18, $0x2;
	[sflag:s7] =	ssyncset.done @p4 $0x0  }
0x81: {  	s6 =	sadd.s32 @p3 $0x180, s6;
	s8 =	sadd.s32 @p4 $0x5080, s8;
	[sflag:s7] =	ssyncadd.s32 @p4 $0xFFFFC180  }
0x82: {  	[tilespmem:s10], [sflag:$0x1] =	stream.indirect.gather @p3 [hbm4b:s1+s9], $0x80, s6, s9, $0xb8;
	v63 =	vld [tilespmem:$0x0]  }
0x83: {  	s7 =	simm.s32 @p4 $0xE000;
	s6 =	simm.s32 @p4 $0x7D;
	s9 =	simm.s32 @p4 $0x6  }
0x84: {  	[spmem:s2] =	stream.indirect.scatter.add.f32 @p4 [tilespmem:s7], [sflag:$0x6], $0x80, s8, s6, $0xb8;
	v63 =	vld [tilespmem:$0x0]  }
0x85: {  	_ =	swait.ge @p4 [sflag:s9], $0x3E80  }
0x86: {  	p2 =	por p6, p6;
	[sflag:s9] =	ssyncset.done @p4 $0x0  }
0x87: {  	s8 =	sadd.s32 $0x2887, s21;
	s21 =	simm.s32 @p2 $0x3;
	[sflag:s9] =	ssyncadd.s32 @p4 $0xFFFFC180  }
0x88: {  	s9 =	sld [smem:$0x7FB];
	_ =	swait.ge @p2 [sflag:s21], $0x3E80  }
0x89: {  	s10 =	sld [smem:$0x7FC];
	_ =	sdelay $0x1  }
0x8a: {  	p0 =	slt.s32 s0, s29;
	p3 =	slt.s32 s8, s28;
	p1 =	seq.s32 s9, $0x1  }
0x8b: {  	p3 =	por @!p1 p0, p0;
	p0 =	seq.s32 s10, $0x1  }
.Ltmp0:
0x8c: {  	_ = 	snop;
	(pc) =	sbr.rel @p0 .LBB2_2-.Ltmp0, $3  }
0x8d: {  	_ =	sdelay $0x1  }
0x8e: {  	s19 =	sadd.s32 $0x1, s19;
	s20 =	smov.u32 s18  }
0x8f: {  	s18 =	sadd.s32 $0x600, s18;
	s22 =	sshra.s32 @p3 s20, $0x2;
	s20 =	simm.s32 @p3 $0x7D  }
0x90: {  	[sflag:s21] =	ssyncset.done @p2 $0x0  }
0x91: {  	s0 =	simm.s32 @p3 $0xE000;
	s6 =	sadd.s32 @p3 $0x200, s22;
	[sflag:s21] =	ssyncadd.s32 @p2 $0xFFFFC180  }
0x92: {  	[tilespmem:s0], [sflag:$0x2] =	stream.indirect.gather @p3 [hbm4b:s1+s20], $0x80, s6, s20, $0xb8;
	v63 =	vld [tilespmem:$0x0]  }
0x93: {  	s0 =	simm.s32 @p2 $0x5  }
0x94: {  	[spmem:s2] =	stream.indirect.scatter.add.f32 @p2 [tilespmem:s31], [sflag:$0x5], $0x80, s3, s30, $0xb8;
	v63 =	vld [tilespmem:$0x0]  }
0x95: {  	_ =	swait.ge @p2 [sflag:s0], $0x3E80  }
0x96: {  	[sflag:s0] =	ssyncset.done @p2 $0x0  }
0x97: {  	[sflag:s0] =	ssyncadd.s32 @p2 $0xFFFFC180  }
0x98: {  	[bflag:$0x0] =	sbarrier.arrive $0xFFFF  }
0x99: {  	s31 =	sld [smem:$0x7FD];
	_ =	sdelay $0x2  }
0x9a: {  	p1 =	seq.s32 s31, $0x1  }
0x9b: {  	s0 =	simm.s32 @p1 $0x1FC5  }
0x9c: {  	[hbm:s15], [sflag:s0] =	dma.local @p1 [spmem:s26], $0x1280  }
0x9d: {  	s0 =	simm.s32 @p1 $0x5  }
0x9e: {  	_ =	swait.ge @p1 [sflag:s0], $0x1280  }
0x9f: {  	s23 =	sadd.s32 $0x1, s23;
	[sflag:s0] =	ssyncset.done @p1 $0x0  }
0xa0: {  	p0 =	sne.s32 s23, s16;
	[sflag:s0] =	ssyncadd.s32 @p1 $0xFFFFED80;
	s0 =	sor.u32 @!p1 $0x1C05, s24  }
0xa1: {  	[hbm:s14], [sflag:s0] =	dma.local @!p1 [spmem:s25], $0x1400  }
.Ltmp1:
0xa2: {  	_ = 	snop;
	(pc) =	sbr.rel @p0 .LBB2_1-.Ltmp1, $4  }
0xa3: {  	s0 =	simm.s32 @!p1 $0x5  }
0xa4: {  	_ =	swait.ge @!p1 [sflag:s0], $0x1400  }
0xa5: {  	[sflag:s0] =	ssyncset.done @!p1 $0x0  }
0xa6: {  	[sflag:s0] =	ssyncadd.s32 @!p1 $0xFFFFEC00  }
0xa7: {  	_ =	sfence.sel $0x180000  }
0xa8: {  	[bflag:$0x0] =	sbarrier.arrive $0xFFFF  }
0xa9: {  	_ =	strace $0x9000004A  }
0xaa: {  	s0 =	stileid.u32;
	[bflag:$0x2] =	sbarrier.arrive $0xFFFF  }
0xab: {  	p0 =	sne.s32 s0, $0x0;
	s0 =	rddreg [dreg:$0x3]  }
0xac: {  	s0 =	sadd.s32 @!p0 $0x100000, s0  }
0xad: {  	[sflag:s0] =	ssyncadd.tile.s32 @!p0 $0x1;
	_ =	shalt  }
.Lfunc_end2:
_tile_overlayer_lowered:
.L_overlay_start_2:
0xae: {  	(tag) =	ssettag $0x2  }
0xaf: {  	s0 =	rddreg [dreg:$0x0];
	s2 =	stileid.u32  }
0xb0: {  	s1 =	rddreg [dreg:$0x1];
	p0 =	sne.s32 s2, $0x0  }
0xb1: {  	s3 =	rddreg [dreg:$0x2];
	[bflag:$0x3] =	sbarrier.arrive $0xFFFF;
	s2 =	simm.s32 @!p0 $0x1C05  }
0xb2: {  	[timem:s3], [sflag:s2] =	dma.local @!p0 [hbm:s0], s1  }
0xb3: {  	s0 =	simm.s32 @!p0 $0x5  }
0xb4: {  	_ =	swait.ge @!p0 [sflag:s0], s1  }
0xb5: {  	s1 =	ssub.s32 @!p0 $0x0, s1;
	[sflag:s0] =	ssyncset.done @!p0 $0x0  }
0xb6: {  	[sflag:s0] =	ssyncadd.s32 @!p0 s1  }
0xb7: {  	[bflag:$0x3] =	sbarrier.arrive $0xFFFF  }
0xb8: {  	_ =	shalt  }

// kernel: kernel.15.cloned.1.call-start
scs
__scs_entry_jumppad:
0x0: {  	(pc) =	sbr.rel $0x88, $3  }
0x1: {  	(tag) =	ssettag $0x0;
	lr =	simm.s32 $0x1  }
0x2: {  	[smem:$0x3F9B] =	sst lr;
	_ =	strace $0xD0000000  }
0x3: {  	_ = 	snop  }
0x4: {  	_ = 	snop  }
0x5: {  	_ = 	snop  }
0x6: {  	_ = 	snop  }
0x7: {  	_ = 	snop  }
__scs_overlays_trampoline_lowered:
0x8: {  	[smem:$0x3FAA] =	sst s0  }
0x9: {  	[smem:$0x3FAB] =	sst s1  }
0xa: {  	[smem:$0x3FAC] =	sst s2  }
0xb: {  	[smem:$0x3FAD] =	sst s3  }
0xc: {  	[smem:$0x3FAE] =	sst s4  }
0xd: {  	[smem:$0x3FAF] =	sst s5  }
0xe: {  	[smem:$0x3FB0] =	sst s6  }
0xf: {  	[smem:$0x3FB1] =	sst s7  }
0x10: {  	[smem:$0x3FB2] =	sst s8  }
0x11: {  	[smem:$0x3FB3] =	sst s9;
	s0 =	simm.s32 @!p0 $0x0  }
0x12: {  	s1 =	sld [smem:$0x3F99];
	s0 =	simm.s32 @p0 $0x1  }
0x13: {  	[smem:$0x3FB4] =	sst s0;
	s0 =	simm.s32 @!p1 $0x0  }
0x14: {  	s2 =	sld [smem:$0x3F98];
	s0 =	simm.s32 @p1 $0x1  }
0x15: {  	[smem:$0x3FB5] =	sst s0;
	s0 =	simm.s32 @!p2 $0x0  }
0x16: {  	s3 =	sld [smem:$0x3FDB];
	s0 =	simm.s32 @p2 $0x1  }
0x17: {  	s4 =	simm.s32 $0x1BF5;
	[smem:$0x3FB7] =	sst s0  }
0x18: {  	s0 =	sld [smem:$0x3F9A];
	_ =	swait.ge [sflag:s4], $0x0  }
0x19: {  	s7 =	sld [smem:$0x3F9B]  }
0x1a: {  	s8 =	sadd.s32 $0xFFFFE003, lr  }
0x1b: {  	s9 =	sadd.s32 $0xFFFFFEF7, lr;
	s5 =	simm.s32 $0xFFFFFFFF;
	p2 =	slt.u32 s8, $0xFFFFF086  }
0x1c: {  	p1 =	slt.u32 s9, $0xF7A;
	s5 =	simm.s32 @!p2 $0x0  }
0x1d: {  	s5 =	simm.s32 @p1 $0x1;
	p0 =	seq.s32 s7, s2  }
0x1e: {  	s7 =	smul.u32 @!p0 $0xF7A, s2;
	p2 =	seq.s32 @!p0 s5, $0x0  }
0x1f: {  	s9 =	smul.u32 $0xF7A, s1;
	s8 =	simm.s32 @!p0 $0x1BF5;
	p2 =	por !p2, p0  }
0x20: {  	[sflag:s8] =	ssyncset.s32 @!p0 $0xFFFFF086;
	s6 =	sadd.s32 @!p0 s3, s7;
	s7 =	simm.s32 @!p0 $0x108  }
0x21: {  	s3 =	sadd.s32 s3, s9;
	s6 =	sadd.s32 @!p0 $0x88, s6;
	s7 =	simm.s32 @p2 $0x1082  }
0x22: {  	[simem:s7], [sflag:s8] =	dma.local @!p0 [hbm:s6], $0xF7A  }
0x23: {  	s9 =	sor.u32 $0xD0000000, s2;
	s6 =	simm.s32 $0x108;
	_ =	swait.ge @!p0 [sflag:s8], $0x0  }
0x24: {  	s3 =	sadd.s32 $0x88, s3;
	s6 =	simm.s32 @!p1 $0x1082;
	[sflag:s4] =	ssyncset.s32 $0xFFFFF086  }
0x25: {  	[simem:s6], [sflag:s4] =	dma.local [hbm:s3], $0xF7A  }
0x26: {  	[smem:$0x3F9B] =	sst s1;
	(tag) =	ssettag s2;
	_ =	strace s9  }
0x27: {  	s1 =	sld [smem:$0x3FAB]  }
0x28: {  	s2 =	sld [smem:$0x3FAC]  }
0x29: {  	s4 =	sld [smem:$0x3FAE]  }
0x2a: {  	p0 =	seq.s32 s5, $0x0;
	s5 =	sld [smem:$0x3FAF]  }
0x2b: {  	s6 =	sld [smem:$0x3FB0]  }
0x2c: {  	s7 =	sld [smem:$0x3FB1]  }
0x2d: {  	s3 =	simm.s32 $0x108;
	s8 =	sld [smem:$0x3FB2]  }
0x2e: {  	s3 =	simm.s32 @!p0 $0x1082;
	s9 =	sld [smem:$0x3FB3]  }
0x2f: {  	lr =	sadd.s32 s0, s3;
	s0 =	sld [smem:$0x3FAA]  }
0x30: {  	s3 =	sld [smem:$0x3FAD]  }
0x31: {  	[smem:$0x3FB6] =	sst s10  }
0x32: {  	s10 =	sld [smem:$0x3FB4];
	_ =	sdelay $0x3  }
0x33: {  	p0 =	seq.s32 s10, $0x1;
	s10 =	sld [smem:$0x3FB6];
	_ =	sdelay $0x3  }
0x34: {  	[smem:$0x3FB6] =	sst s10  }
0x35: {  	s10 =	sld [smem:$0x3FB5];
	_ =	sdelay $0x3  }
0x36: {  	p1 =	seq.s32 s10, $0x1;
	s10 =	sld [smem:$0x3FB6];
	_ =	sdelay $0x3  }
0x37: {  	[smem:$0x3FB6] =	sst s10  }
0x38: {  	s10 =	sld [smem:$0x3FB7]  }
0x39: {  	_ = 	snop;
	(pc) =	sbr.ind lr, $3  }
0x3a: {  	_ = 	snop  }
0x3b: {  	_ = 	snop  }
0x3c: {  	p2 =	seq.s32 s10, $0x1;
	s10 =	sld [smem:$0x3FB6]  }
0x3d: {  	_ =	shalt  }
0x3e: {  	_ =	shalt  }
0x3f: {  	_ =	shalt  }
0x40: {  	_ =	shalt  }
0x41: {  	_ =	shalt  }
0x42: {  	_ =	shalt  }
0x43: {  	_ =	shalt  }
0x44: {  	_ =	shalt  }
0x45: {  	_ =	shalt  }
0x46: {  	_ =	shalt  }
0x47: {  	_ =	shalt  }
0x48: {  	_ =	shalt  }
0x49: {  	_ =	shalt  }
0x4a: {  	_ =	shalt  }
0x4b: {  	_ =	shalt  }
0x4c: {  	_ =	shalt  }
0x4d: {  	_ =	shalt  }
0x4e: {  	_ =	shalt  }
0x4f: {  	_ =	shalt  }
0x50: {  	_ =	shalt  }
0x51: {  	_ =	shalt  }
0x52: {  	_ =	shalt  }
0x53: {  	_ =	shalt  }
0x54: {  	_ =	shalt  }
0x55: {  	_ =	shalt  }
0x56: {  	_ =	shalt  }
0x57: {  	_ =	shalt  }
0x58: {  	_ =	shalt  }
0x59: {  	_ =	shalt  }
0x5a: {  	_ =	shalt  }
0x5b: {  	_ =	shalt  }
0x5c: {  	_ =	shalt  }
0x5d: {  	_ =	shalt  }
0x5e: {  	_ =	shalt  }
0x5f: {  	_ =	shalt  }
0x60: {  	_ =	shalt  }
0x61: {  	_ =	shalt  }
0x62: {  	_ =	shalt  }
0x63: {  	_ =	shalt  }
0x64: {  	_ =	shalt  }
0x65: {  	_ =	shalt  }
0x66: {  	_ =	shalt  }
0x67: {  	_ =	shalt  }
0x68: {  	_ =	shalt  }
0x69: {  	_ =	shalt  }
0x6a: {  	_ =	shalt  }
0x6b: {  	_ =	shalt  }
0x6c: {  	_ =	shalt  }
0x6d: {  	_ =	shalt  }
0x6e: {  	_ =	shalt  }
0x6f: {  	_ =	shalt  }
0x70: {  	_ =	shalt  }
0x71: {  	_ =	shalt  }
0x72: {  	_ =	shalt  }
0x73: {  	_ =	shalt  }
0x74: {  	_ =	shalt  }
0x75: {  	_ =	shalt  }
0x76: {  	_ =	shalt  }
0x77: {  	_ =	shalt  }
0x78: {  	_ =	shalt  }
0x79: {  	_ =	shalt  }
0x7a: {  	_ =	shalt  }
0x7b: {  	_ =	shalt  }
0x7c: {  	_ =	shalt  }
0x7d: {  	_ =	shalt  }
0x7e: {  	_ =	shalt  }
0x7f: {  	_ =	shalt  }
0x80: {  	_ =	shalt  }
0x81: {  	_ =	shalt  }
0x82: {  	_ =	shalt  }
0x83: {  	_ =	shalt  }
0x84: {  	_ =	shalt  }
0x85: {  	_ =	shalt  }
0x86: {  	_ =	shalt  }
0x87: {  	_ =	shalt  }
.Lfunc_end0:
.L_simem_size_0:
called_computation.2_lowered:
.L_overlay_start_0:
0x88: {  	s2 =	sld [smem:$0x3FD9]  }
0x89: {  	s3 =	sld [smem:$0x3FFE];
	_ =	sdelay $0x1  }
0x8a: {  	s1 =	srdreg.scid  }
0x8b: {  	s0 =	sand.u32 $0x1, s1  }
0x8c: {  	s17 =	sshll.u32 s0, $0xA;
	s2 =	sadd.s32 s3, s2  }
0x8d: {  	s2 =	sadd.s32 s2, s17  }
0x8e: {  	[smem:$0x3FC2] =	sst s2  }
0x8f: {  	_ = 	snop  }
0x90: {  	s2 =	sld [smem:$0x3FD0];
	(tm) =	ssettm $0x1  }
0x91: {  	s18 =	sld [smem:$0x3FFB];
	_ =	sdelay $0x3  }
0x92: {  	_ =	strace s18  }
0x93: {  	s3 =	sld [smem:$0x3FFC];
	_ =	sdelay $0x3  }
0x94: {  	_ =	strace s3  }
0x95: {  	s3 =	sld [smem:$0x3FFD];
	_ =	sdelay $0x3  }
0x96: {  	_ =	strace s3  }
0x97: {  	_ =	strace $0x8FFFFFFF  }
0x98: {  	s19 =	sld [smem:$0x3FDB];
	_ =	sdelay $0x1  }
0x99: {  	s4 =	simm.s32 $_scs_section_size  }
0x9a: {  	s5 =	simm.s32 $_size__tile_overlayer_lowered;
	s6 =	simm.s32 $_tile_overlayer_lowered  }
0x9b: {  	s22 =	simm.s32 $0x1BFF;
	s21 =	sshll.u32 s6, $0x1;
	s3 =	sadd.s32 s4, s19  }
0x9c: {  	s7 =	simm.s32 $0x0;
	s20 =	sshll.u32 s5, $0x1;
	s5 =	sadd.s32 s21, s3  }
0x9d: {  	[timem:s7], [sflag:s22] =	dma.local [hbm:s5], s20  }
0x9e: {  	_ =	swait.ge [sflag:s22], s20  }
0x9f: {  	s4 =	ssub.s32 $0x0, s20;
	[sflag:s22] =	ssyncset.done $0x0  }
0xa0: {  	[sflag:s22] =	ssyncadd.s32 s4;
	_ =	sdelay $0x1  }
0xa1: {  	s23 =	simm.s32 $0x1B8B  }
0xa2: {  	_ =	swait.ge [sflag:s23], $0x1  }
0xa3: {  	[sflag:s23] =	ssyncset.done $0x0  }
0xa4: {  	s25 =	simm.s32 $0x1B8E;
	s24 =	sld [smem:$0x3FFE];
	[sflag:s23] =	ssyncadd.s32 $0xFFFFFFFF  }
0xa5: {  	s26 =	simm.s32 $execute0_lowered;
	[smem:$0x3FD2] =	sst s25  }
0xa6: {  	s5 =	sshll.u32 s26, $0x1;
	_ =	strace $0x8000004C;
	[dreg:$0x1] =	wrdreg $0xFFFFFFFF  }
0xa7: {  	s28 =	simm.s32 $_size_execute0_lowered;
	s3 =	sadd.s32 s3, s5;
	[dreg:$0x0] =	wrdreg $0x0  }
0xa8: {  	s5 =	sshll.u32 s28, $0x1;
	[dreg:$0x2] =	wrdreg s3  }
0xa9: {  	[dreg:$0x3] =	wrdreg s5  }
0xaa: {  	[dreg:$0x4] =	wrdreg $0xC0  }
0xab: {  	_ =	task [dreg:s7], $0x5FFFF  }
0xac: {  	[dreg:$0x1] =	wrdreg $0xFFFFFFFF  }
0xad: {  	[dreg:$0x0] =	wrdreg $0x60  }
0xae: {  	[dreg:$0x2] =	wrdreg s2  }
0xaf: {  	[dreg:$0x3] =	wrdreg s24  }
0xb0: {  	[dreg:$0x4] =	wrdreg $0x160800  }
0xb1: {  	[dreg:$0x5] =	wrdreg $0x9  }
0xb2: {  	_ =	task.clear_ibuf [dreg:s7], $0x6FFFF;
	_ =	strace $0x9000004C  }
0xb3: {  	s29 =	simm.s32 $0x9;
	_ =	strace $0x8000004E  }
0xb4: {  	_ =	swait.ge [sflag:s29], $0x1  }
0xb5: {  	[sflag:s29] =	ssyncadd.s32 $0xFFFFFFFF  }
0xb6: {  	_ =	strace $0x9000004E  }
0xb7: {  	_ =	sfence  }
0xb8: {  	s30 =	sld [smem:$0x0];
	_ =	sdelay $0x2  }
0xb9: {  	s31 =	sshll.u32 s1, $0xD;
	s1 =	sshrl.u32 s1, $0x2  }
0xba: {  	s3 =	sand.u32 $0x4000, s31;
	s1 =	sadd.s32 s1, s30  }
0xbb: {  	s0 =	sor.u32 s3, s0;
	s1 =	sshll.u32 s1, $0x11  }
0xbc: {  	s0 =	sor.u32 s1, s0  }
0xbd: {  	s0 =	sadd.s32 $0x8F2B, s0  }
0xbe: {  	[sflag:s0] =	ssyncadd.remote.s32 $0x1  }
0xbf: {  	_ =	sfence.sel $0xFFFF  }
0xc0: {  	[dreg:$0x0] =	wrdreg $0xFFFFFFFF;
	(pc) =	sbr.abs _section_cstart, $3  }
0xc1: {  	[dreg:$0x1] =	wrdreg $0xFFFFFFFF  }
0xc2: {  	_ =	task.clear_ibuf [dreg:s7], $0x2FFFF;
	_ =	strace $0x9FFFFFFF  }
0xc3: {  	(tm) =	ssettm $0x7FFFFFFF  }
tec
execute0_lowered:
.L_overlay_start_1:
0x0: {  	(tag) =	ssettag $0x1  }
0x1: {  	s1 =	rddreg [dreg:$0x0]  }
0x2: {  	s0 =	rddreg [dreg:$0x1]  }
0x3: {  	s2 =	rddreg [dreg:$0x2];
	s4 =	simm.s32 $0x0;
	s21 =	stileid.u32  }
0x4: {  	s5 =	srdreg.scid;
	[smem:$0x7FF] =	sst s4  }
0x5: {  	s3 =	sadd.s32 $0x3000, s0;
	s6 =	smul.u32 $0x28000, s21;
	s11 =	sadd.s32 $0x17000, s0  }
0x6: {  	s12 =	sand.u32 $0x1, s5;
	s13 =	smul.u32 $0xA000, s21;
	s14 =	sshllo.u32 s21, $0x1  }
0x7: {  	s15 =	sadd.s32 $0x35E00, s0;
	s5 =	sadd.s32 $0x2B000, s0;
	s0 =	sadd.s32 $0x36000, s0  }
0x8: {  	s23 =	sadd.s32 $0x96000, s2;
	s26 =	sshll.u32 s21, $0x8;
	p1 =	seq.s32 s21, $0xF  }
0x9: {  	_ =	strace $0x8000004D;
	s7 =	ssub.s32 $0x2, s12;
	s8 =	smul.u32 $0x2800, s12  }
0xa: {  	s10 =	smul.u32 $0x5000, s14;
	[dreg:$0x5] =	wrdreg s23;
	s18 =	sshll.u32 s12, $0x4  }
0xb: {  	s19 =	sand.u32 $0xC00, s26;
	s14 =	sshll.u32 s14, $0x7;
	s23 =	simm.s32 $0x0  }
0xc: {  	s9 =	sshrl.u32 s7, $0x1;
	s6 =	sshrl.u32 s6, $0x2;
	s14 =	sand.u32 $0x380, s14  }
0xd: {  	s16 =	ssub.s32 s7, s9;
	s20 =	sadd.s32 s8, s13;
	s6 =	sadd.s32 s6, s2  }
0xe: {  	s8 =	sadd.s32 s8, s10;
	s28 =	sor.u32 s14, s19;
	[dreg:$0x4] =	wrdreg s6  }
0xf: {  	s22 =	sshrl.u32 s20, $0x3;
	s17 =	sshrl.u32 s8, $0x3;
	s20 =	smul.u32 $0x9F400, s12  }
0x10: {  	s16 =	smax.u32 s16, $0x1;
	s24 =	sadd.s32 s3, s22;
	s3 =	sadd.s32 s3, s17  }
0x11: {  	s25 =	sadd.s32 s11, s22;
	s11 =	sadd.s32 s11, s17;
	[dreg:$0x6] =	wrdreg s24  }
0x12: {  	s17 =	simm.s32 $0x5;
	[dreg:$0x7] =	wrdreg s3;
	s3 =	sor.u32 s18, s26  }
0x13: {  	s13 =	sadd.s32 s13, s20;
	s29 =	sshrl.u32 s20, $0x3;
	s3 =	sshrl.u32 s3, $0x3  }
0x14: {  	s30 =	sshrl.u32 s13, $0x3;
	s31 =	sadd.s32 s0, s29;
	s12 =	sadd.s32 s15, s3  }
0x15: {  	s3 =	sor.u32 s18, s28;
	s14 =	sadd.s32 s0, s30;
	s0 =	simm.s32 @!p1 $0x0  }
0x16: {  	[dreg:$0x8] =	wrdreg s25;
	s3 =	sshrl.u32 s3, $0x3;
	s0 =	simm.s32 @p1 $0x1  }
0x17: {  	s13 =	sadd.s32 s15, s3;
	s15 =	sadd.s32 $0x12C00, s31;
	[smem:$0x7FD] =	sst s0  }
.LBB2_1:
0x18: {  	s0 =	rddreg [dreg:$0x5]  }
0x19: {  	s26 =	sshrl.u32 @p1 s0, $0x3;
	s0 =	simm.s32 @p1 $0x1FC4  }
0x1a: {  	[spmem:s26], [sflag:s0] =	dma.local @p1 [hbm:s5], $0x1280  }
0x1b: {  	s0 =	stileid.u32  }
0x1c: {  	s24 =	sshll.u32 @!p1 s0, $0x6;
	s3 =	rddreg [dreg:$0x4]  }
0x1d: {  	s0 =	sor.u32 @!p1 $0x1C04, s24;
	s25 =	sshrl.u32 @!p1 s3, $0x3  }
0x1e: {  	[spmem:s25], [sflag:s0] =	dma.local @!p1 [hbm:s5], $0x1400  }
0x1f: {  	s0 =	rddreg [dreg:$0x6]  }
0x20: {  	[tilespmem:s4], [sflag:$0x5] =	stream.linear.gather [hbm4b:s0+s4], $0x2800, $0x38;
	v63 =	vld [tilespmem:$0x0]  }
0x21: {  	_ =	swait.ge [sflag:s17], $0x2800  }
0x22: {  	[sflag:s17] =	ssyncset.done $0x0  }
0x23: {  	s10 =	simm.s32 $0x2800;
	s9 =	rddreg [dreg:$0x7];
	[sflag:s17] =	ssyncadd.s32 $0xFFFFD800  }
0x24: {  	[tilespmem:s10], [sflag:$0x5] =	stream.linear.gather [hbm4b:s9+s4], $0x2800, $0x38;
	v63 =	vld [tilespmem:$0x0]  }
0x25: {  	_ =	swait.ge [sflag:s17], $0x2800  }
0x26: {  	[sflag:s17] =	ssyncset.done $0x0  }
0x27: {  	s19 =	simm.s32 $0x5000;
	s18 =	rddreg [dreg:$0x8];
	[sflag:s17] =	ssyncadd.s32 $0xFFFFD800  }
0x28: {  	[tilespmem:s19], [sflag:$0x5] =	stream.linear.gather [hbm4b:s18+s4], $0x2800, $0x38;
	v63 =	vld [tilespmem:$0x0]  }
0x29: {  	_ =	swait.ge [sflag:s17], $0x2800  }
0x2a: {  	[sflag:s17] =	ssyncset.done $0x0  }
0x2b: {  	s20 =	simm.s32 $0x7800;
	[sflag:s17] =	ssyncadd.s32 $0xFFFFD800  }
0x2c: {  	[tilespmem:s20], [sflag:$0x5] =	stream.linear.gather [hbm4b:s11+s4], $0x2800, $0x38;
	v63 =	vld [tilespmem:$0x0]  }
0x2d: {  	_ =	swait.ge [sflag:s17], $0x2800  }
0x2e: {  	[sflag:s17] =	ssyncset.done $0x0  }
0x2f: {  	s21 =	simm.s32 $0x16000;
	[sflag:s17] =	ssyncadd.s32 $0xFFFFD800  }
0x30: {  	[tilespmem:s21], [sflag:$0x5] =	stream.linear.gather [hbm4b:s12+s4], $0x10, $0x38;
	v63 =	vld [tilespmem:$0x0]  }
0x31: {  	_ =	swait.ge [sflag:s17], $0x10  }
0x32: {  	[sflag:s17] =	ssyncset.done $0x0  }
0x33: {  	s22 =	simm.s32 $0x16010;
	[sflag:s17] =	ssyncadd.s32 $0xFFFFFFF0  }
0x34: {  	[tilespmem:s22], [sflag:$0x5] =	stream.linear.gather [hbm4b:s13+s4], $0x10, $0x38;
	v63 =	vld [tilespmem:$0x0]  }
0x35: {  	_ =	swait.ge [sflag:s17], $0x10  }
0x36: {  	[sflag:s17] =	ssyncset.done $0x0  }
0x37: {  	s0 =	simm.s32 @p1 $0x4;
	[sflag:s17] =	ssyncadd.s32 $0xFFFFFFF0  }
0x38: {  	_ =	swait.ge @p1 [sflag:s0], $0x1280  }
0x39: {  	[sflag:s0] =	ssyncset.done @p1 $0x0  }
0x3a: {  	[sflag:s0] =	ssyncadd.s32 @p1 $0xFFFFED80;
	s0 =	simm.s32 @!p1 $0x4  }
0x3b: {  	_ =	swait.ge @!p1 [sflag:s0], $0x1400  }
0x3c: {  	[sflag:s0] =	ssyncset.done @!p1 $0x0  }
0x3d: {  	[sflag:s0] =	ssyncadd.s32 @!p1 $0xFFFFEC00  }
0x3e: {  	[bflag:$0x0] =	sbarrier.arrive $0xFFFF  }
0x3f: {  	v0 =	vld [tilespmem:$0x16000];
	_ =	sdelay $0x4  }
0x40: {  	v62 =	vld [tilespmem:$0x16010];
	(v2sf) =	vpush v0, $0x0;
	_ =	sdelay $0x4  }
0x41: {  	(v2sf) =	vpush v62, $0x0;
	_ =	sdelay $0x9  }
0x42: {  	s28 =	spop (v2sf)  }
0x43: {  	p0 =	slt.s32 s28, $0x1  }
0x44: {  	s0 =	simm.s32 @!p0 $0x7D  }
0x45: {  	s3 =	simm.s32 @!p0 $0x0;
	s18 =	simm.s32 @!p0 $0xA000;
	p1 =	slt.u32 @!p0 s28, $0x7E  }
0x46: {  	[tilespmem:s18], [sflag:$0x1] =	stream.indirect.gather @!p0 [hbm4b:s1+s0], $0x80, s3, s0, $0xb8;
	v63 =	vld [tilespmem:$0x0]  }
0x47: {  	s29 =	spop (v2sf);
	p0 =	por p1, p0  }
0x48: {  	s0 =	simm.s32 @!p0 $0x7D;
	s3 =	simm.s32 @!p0 $0x80;
	s18 =	simm.s32 @!p0 $0xE000  }
0x49: {  	[tilespmem:s18], [sflag:$0x2] =	stream.indirect.gather @!p0 [hbm4b:s1+s0], $0x80, s3, s0, $0xb8;
	v63 =	vld [tilespmem:$0x0]  }
0x4a: {  	p3 =	por $0x1, $0x1;
	p2 =	sgt.s32 s28, $0x0;
	p0 =	sgt.s32 s29, $0xFFFFD8F0  }
0x4b: {  	p4 =	sgt.s32 s29, $0xFFFFD9EA;
	p2 =	por @!p3 p0, p0  }
0x4c: {  	p1 =	por $0x1, $0x1;
	p0 =	sgt.s32 s28, $0xFA;
	s0 =	simm.s32 @p2 $0x1  }
0x4d: {  	p0 =	por @!p1 p4, p4;
	_ =	swait.ge @p2 [sflag:s0], $0x3E80  }
0x4e: {  	s18 =	simm.s32 @p2 $0x5000;
	s3 =	simm.s32 @p0 $0x100;
	[sflag:s0] =	ssyncset.done @p2 $0x0  }
0x4f: {  	s30 =	simm.s32 @p0 $0x7D;
	s31 =	simm.s32 @p0 $0x12000;
	[sflag:s0] =	ssyncadd.s32 @p2 $0xFFFFC180  }
0x50: {  	[tilespmem:s31], [sflag:$0x3] =	stream.indirect.gather @p0 [hbm4b:s1+s30], $0x80, s3, s30, $0xb8;
	v63 =	vld [tilespmem:$0x0]  }
0x51: {  	s19 =	simm.s32 @p2 $0x6;
	s0 =	simm.s32 @p2 $0xA000;
	s3 =	simm.s32 @p2 $0x7D  }
0x52: {  	[spmem:s2] =	stream.indirect.scatter.add.f32 @p2 [tilespmem:s0], [sflag:$0x6], $0x80, s18, s3, $0xb8;
	v63 =	vld [tilespmem:$0x0]  }
0x53: {  	p5 =	sgt.s32 s29, $0xFFFFD96D;
	p4 =	sgt.s32 s28, $0x7D;
	_ =	swait.ge @p2 [sflag:s19], $0x3E80  }
0x54: {  	p4 =	por @!p3 p5, p5;
	p3 =	sgt.s32 s29, $0xFFFFDA67;
	[sflag:s19] =	ssyncset.done @p2 $0x0  }
0x55: {  	s0 =	simm.s32 @p4 $0x2;
	[sflag:s19] =	ssyncadd.s32 @p2 $0xFFFFC180;
	p2 =	sgt.s32 s28, $0x177  }
0x56: {  	p2 =	por @!p1 p3, p3;
	_ =	swait.ge @p4 [sflag:s0], $0x3E80  }
0x57: {  	s18 =	simm.s32 @p4 $0x5080;
	s3 =	simm.s32 @p2 $0x180;
	[sflag:s0] =	ssyncset.done @p4 $0x0  }
0x58: {  	s19 =	simm.s32 @p2 $0x7D;
	s20 =	simm.s32 @p2 $0xA000;
	[sflag:s0] =	ssyncadd.s32 @p4 $0xFFFFC180  }
0x59: {  	[tilespmem:s20], [sflag:$0x1] =	stream.indirect.gather @p2 [hbm4b:s1+s19], $0x80, s3, s19, $0xb8;
	v63 =	vld [tilespmem:$0x0]  }
0x5a: {  	p3 =	sgt.s32 s28, $0x1F4;
	s0 =	simm.s32 @p4 $0x7D;
	p2 =	sgt.s32 s29, $0xFFFFDAE4  }
0x5b: {  	s3 =	simm.s32 @p4 $0xE000;
	s19 =	simm.s32 @p4 $0x6;
	p3 =	por @!p1 p2, p2  }
0x5c: {  	[spmem:s2] =	stream.indirect.scatter.add.f32 @p4 [tilespmem:s3], [sflag:$0x6], $0x80, s18, s0, $0xb8;
	v63 =	vld [tilespmem:$0x0]  }
0x5d: {  	p2 =	por p0, p0;
	s0 =	simm.s32 $0xFFFFDAE4;
	_ =	swait.ge @p4 [sflag:s19], $0x3E80  }
0x5e: {  	s3 =	simm.s32 @p0 $0x5100;
	s18 =	simm.s32 $0x600;
	[sflag:s19] =	ssyncset.done @p4 $0x0  }
0x5f: {  	s21 =	simm.s32 @p2 $0x3;
	s22 =	simm.s32 @p3 $0x0;
	[sflag:s19] =	ssyncadd.s32 @p4 $0xFFFFC180  }
0x60: {  	s20 =	simm.s32 @p3 $0x7D;
	s19 =	simm.s32 $0x1;
	_ =	swait.ge @p2 [sflag:s21], $0x3E80  }
.LBB2_2:
0x61: {  	s6 =	sadd.s32 $0x2710, s0;
	p0 =	slt.u32 s19, $0x1A  }
0x62: {  	s10 =	sadd.s32 $0xFFFFFF83, s0;
	[smem:$0x7F8] =	sst s1;
	s1 =	simm.s32 @!p0 $0x0  }
0x63: {  	s9 =	sadd.s32 $0x2693, s0;
	p1 =	slt.s32 s10, s29;
	s1 =	simm.s32 @p0 $0x1  }
0x64: {  	p5 =	slt.s32 s9, s28;
	s9 =	simm.s32 @!p1 $0x0;
	[smem:$0x7FB] =	sst s1  }
0x65: {  	s7 =	sadd.s32 $0xFA, s0;
	s9 =	simm.s32 @p1 $0x1;
	s1 =	sld [smem:$0x7F8]  }
0x66: {  	s8 =	simm.s32 @p3 $0xE000;
	p1 =	slt.u32 s19, $0x1B;
	[smem:$0x7F9] =	sst s9  }
0x67: {  	s9 =	sadd.s32 $0x7D, s0;
	s10 =	simm.s32 @!p1 $0x0;
	[sflag:s21] =	ssyncset.done @p2 $0x0  }
0x68: {  	s10 =	simm.s32 @p1 $0x1;
	p4 =	slt.s32 s9, s29;
	[sflag:s21] =	ssyncadd.s32 @p2 $0xFFFFC180  }
0x69: {  	s9 =	sadd.s32 @p3 $0x200, s22;
	[smem:$0x7FA] =	sst s10;
	s10 =	sadd.s32 $0x278D, s0  }
0x6a: {  	s21 =	smov.u32 s0;
	s0 =	sadd.s32 $0x177, s0;
	p6 =	slt.s32 s10, s28  }
0x6b: {  	[tilespmem:s8], [sflag:$0x2] =	stream.indirect.gather @p3 [hbm4b:s1+s20], $0x80, s9, s20, $0xb8;
	v63 =	vld [tilespmem:$0x0]  }
0x6c: {  	p6 =	por @!p0 p4, p4;
	p0 =	sne.s32 s0, $0x2887  }
0x6d: {  	s10 =	sld [smem:$0x7F9];
	s8 =	simm.s32 @!p0 $0x0  }
0x6e: {  	[spmem:s2] =	stream.indirect.scatter.add.f32 @p2 [tilespmem:s31], [sflag:$0x5], $0x80, s3, s30, $0xb8;
	v63 =	vld [tilespmem:$0x0]  }
0x6f: {  	s22 =	sadd.s32 $0x280A, s21;
	s9 =	simm.s32 @p2 $0x5;
	s8 =	simm.s32 @p0 $0x1  }
0x70: {  	p3 =	slt.s32 s22, s28;
	p4 =	slt.s32 s6, s28;
	[smem:$0x7FC] =	sst s8  }
0x71: {  	s30 =	simm.s32 @p6 $0x7D;
	p0 =	seq.s32 s10, $0x1;
	_ =	swait.ge @p2 [sflag:s9], $0x3E80  }
0x72: {  	s31 =	simm.s32 @p6 $0x12000;
	p5 =	por @!p1 p0, p0;
	[sflag:s9] =	ssyncset.done @p2 $0x0  }
0x73: {  	s8 =	sshra.s32 @p6 s18, $0x2;
	s10 =	simm.s32 @p5 $0x1;
	[sflag:s9] =	ssyncadd.s32 @p2 $0xFFFFC180  }
0x74: {  	p0 =	slt.s32 s7, s29;
	s6 =	sadd.s32 @p6 $0x100, s8;
	_ =	swait.ge @p5 [sflag:s10], $0x3E80  }
0x75: {  	s7 =	sshra.s32 @p5 s18, $0x2;
	s3 =	sadd.s32 @p6 $0x5100, s8;
	[sflag:s10] =	ssyncset.done @p5 $0x0  }
0x76: {  	s8 =	simm.s32 @p5 $0x6;
	s7 =	sadd.s32 @p5 $0x5000, s7;
	[sflag:s10] =	ssyncadd.s32 @p5 $0xFFFFC180  }
0x77: {  	[tilespmem:s31], [sflag:$0x3] =	stream.indirect.gather @p6 [hbm4b:s1+s30], $0x80, s6, s30, $0xb8;
	v63 =	vld [tilespmem:$0x0]  }
0x78: {  	s9 =	simm.s32 @p5 $0xA000;
	s22 =	sld [smem:$0x7FB];
	s6 =	simm.s32 @p5 $0x7D  }
0x79: {  	[spmem:s2] =	stream.indirect.scatter.add.f32 @p5 [tilespmem:s9], [sflag:$0x6], $0x80, s7, s6, $0xb8;
	v63 =	vld [tilespmem:$0x0]  }
0x7a: {  	_ =	swait.ge @p5 [sflag:s8], $0x3E80  }
0x7b: {  	p1 =	seq.s32 s22, $0x1;
	s22 =	sld [smem:$0x7FA];
	_ =	sdelay $0x2  }
0x7c: {  	p3 =	por @!p1 p0, p0;
	p0 =	slt.s32 s21, s29;
	p1 =	seq.s32 s22, $0x1  }
0x7d: {  	[sflag:s8] =	ssyncset.done @p5 $0x0;
	p4 =	por @!p1 p0, p0  }
0x7e: {  	[sflag:s8] =	ssyncadd.s32 @p5 $0xFFFFC180;
	s7 =	simm.s32 @p4 $0x2  }
0x7f: {  	s6 =	sshra.s32 @p3 s18, $0x2;
	s9 =	simm.s32 @p3 $0x7D;
	_ =	swait.ge @p4 [sflag:s7], $0x3E80  }
0x80: {  	s10 =	simm.s32 @p3 $0xA000;
	s8 =	sshra.s32 @p4 s18, $0x2;
	[sflag:s7] =	ssyncset.done @p4 $0x0  }
0x81: {  	s6 =	sadd.s32 @p3 $0x180, s6;
	s8 =	sadd.s32 @p4 $0x5080, s8;
	[sflag:s7] =	ssyncadd.s32 @p4 $0xFFFFC180  }
0x82: {  	[tilespmem:s10], [sflag:$0x1] =	stream.indirect.gather @p3 [hbm4b:s1+s9], $0x80, s6, s9, $0xb8;
	v63 =	vld [tilespmem:$0x0]  }
0x83: {  	s7 =	simm.s32 @p4 $0xE000;
	s6 =	simm.s32 @p4 $0x7D;
	s9 =	simm.s32 @p4 $0x6  }
0x84: {  	[spmem:s2] =	stream.indirect.scatter.add.f32 @p4 [tilespmem:s7], [sflag:$0x6], $0x80, s8, s6, $0xb8;
	v63 =	vld [tilespmem:$0x0]  }
0x85: {  	_ =	swait.ge @p4 [sflag:s9], $0x3E80  }
0x86: {  	p2 =	por p6, p6;
	[sflag:s9] =	ssyncset.done @p4 $0x0  }
0x87: {  	s8 =	sadd.s32 $0x2887, s21;
	s21 =	simm.s32 @p2 $0x3;
	[sflag:s9] =	ssyncadd.s32 @p4 $0xFFFFC180  }
0x88: {  	s9 =	sld [smem:$0x7FB];
	_ =	swait.ge @p2 [sflag:s21], $0x3E80  }
0x89: {  	s10 =	sld [smem:$0x7FC];
	_ =	sdelay $0x1  }
0x8a: {  	p0 =	slt.s32 s0, s29;
	p3 =	slt.s32 s8, s28;
	p1 =	seq.s32 s9, $0x1  }
0x8b: {  	p3 =	por @!p1 p0, p0;
	p0 =	seq.s32 s10, $0x1  }
.Ltmp0:
0x8c: {  	_ = 	snop;
	(pc) =	sbr.rel @p0 .LBB2_2-.Ltmp0, $3  }
0x8d: {  	_ =	sdelay $0x1  }
0x8e: {  	s19 =	sadd.s32 $0x1, s19;
	s20 =	smov.u32 s18  }
0x8f: {  	s18 =	sadd.s32 $0x600, s18;
	s22 =	sshra.s32 @p3 s20, $0x2;
	s20 =	simm.s32 @p3 $0x7D  }
0x90: {  	[sflag:s21] =	ssyncset.done @p2 $0x0  }
0x91: {  	s0 =	simm.s32 @p3 $0xE000;
	s6 =	sadd.s32 @p3 $0x200, s22;
	[sflag:s21] =	ssyncadd.s32 @p2 $0xFFFFC180  }
0x92: {  	[tilespmem:s0], [sflag:$0x2] =	stream.indirect.gather @p3 [hbm4b:s1+s20], $0x80, s6, s20, $0xb8;
	v63 =	vld [tilespmem:$0x0]  }
0x93: {  	s0 =	simm.s32 @p2 $0x5  }
0x94: {  	[spmem:s2] =	stream.indirect.scatter.add.f32 @p2 [tilespmem:s31], [sflag:$0x5], $0x80, s3, s30, $0xb8;
	v63 =	vld [tilespmem:$0x0]  }
0x95: {  	_ =	swait.ge @p2 [sflag:s0], $0x3E80  }
0x96: {  	[sflag:s0] =	ssyncset.done @p2 $0x0  }
0x97: {  	[sflag:s0] =	ssyncadd.s32 @p2 $0xFFFFC180  }
0x98: {  	[bflag:$0x0] =	sbarrier.arrive $0xFFFF  }
0x99: {  	s31 =	sld [smem:$0x7FD];
	_ =	sdelay $0x2  }
0x9a: {  	p1 =	seq.s32 s31, $0x1  }
0x9b: {  	s0 =	simm.s32 @p1 $0x1FC5  }
0x9c: {  	[hbm:s15], [sflag:s0] =	dma.local @p1 [spmem:s26], $0x1280  }
0x9d: {  	s0 =	simm.s32 @p1 $0x5  }
0x9e: {  	_ =	swait.ge @p1 [sflag:s0], $0x1280  }
0x9f: {  	s23 =	sadd.s32 $0x1, s23;
	[sflag:s0] =	ssyncset.done @p1 $0x0  }
0xa0: {  	p0 =	sne.s32 s23, s16;
	[sflag:s0] =	ssyncadd.s32 @p1 $0xFFFFED80;
	s0 =	sor.u32 @!p1 $0x1C05, s24  }
0xa1: {  	[hbm:s14], [sflag:s0] =	dma.local @!p1 [spmem:s25], $0x1400  }
.Ltmp1:
0xa2: {  	_ = 	snop;
	(pc) =	sbr.rel @p0 .LBB2_1-.Ltmp1, $4  }
0xa3: {  	s0 =	simm.s32 @!p1 $0x5  }
0xa4: {  	_ =	swait.ge @!p1 [sflag:s0], $0x1400  }
0xa5: {  	[sflag:s0] =	ssyncset.done @!p1 $0x0  }
0xa6: {  	[sflag:s0] =	ssyncadd.s32 @!p1 $0xFFFFEC00  }
0xa7: {  	_ =	sfence.sel $0x180000  }
0xa8: {  	[bflag:$0x0] =	sbarrier.arrive $0xFFFF  }
0xa9: {  	_ =	strace $0x9000004D  }
0xaa: {  	s0 =	stileid.u32;
	[bflag:$0x2] =	sbarrier.arrive $0xFFFF  }
0xab: {  	p0 =	sne.s32 s0, $0x0;
	s0 =	rddreg [dreg:$0x3]  }
0xac: {  	s0 =	sadd.s32 @!p0 $0x100000, s0  }
0xad: {  	[sflag:s0] =	ssyncadd.tile.s32 @!p0 $0x1;
	_ =	shalt  }
.Lfunc_end2:
_tile_overlayer_lowered:
.L_overlay_start_2:
0xae: {  	(tag) =	ssettag $0x2  }
0xaf: {  	s0 =	rddreg [dreg:$0x0];
	s2 =	stileid.u32  }
0xb0: {  	s1 =	rddreg [dreg:$0x1];
	p0 =	sne.s32 s2, $0x0  }
0xb1: {  	s3 =	rddreg [dreg:$0x2];
	[bflag:$0x3] =	sbarrier.arrive $0xFFFF;
	s2 =	simm.s32 @!p0 $0x1C05  }
0xb2: {  	[timem:s3], [sflag:s2] =	dma.local @!p0 [hbm:s0], s1  }
0xb3: {  	s0 =	simm.s32 @!p0 $0x5  }
0xb4: {  	_ =	swait.ge @!p0 [sflag:s0], s1  }
0xb5: {  	s1 =	ssub.s32 @!p0 $0x0, s1;
	[sflag:s0] =	ssyncset.done @!p0 $0x0  }
0xb6: {  	[sflag:s0] =	ssyncadd.s32 @!p0 s1  }
0xb7: {  	[bflag:$0x3] =	sbarrier.arrive $0xFFFF  }
0xb8: {  	_ =	shalt  }

// kernel: kernel.9.cloned.1.call-start
scs
__scs_entry_jumppad:
0x0: {  	(pc) =	sbr.rel $0x88, $3  }
0x1: {  	(tag) =	ssettag $0x0;
	lr =	simm.s32 $0x1  }
0x2: {  	[smem:$0x3F9B] =	sst lr;
	_ =	strace $0xD0000000  }
0x3: {  	_ = 	snop  }
0x4: {  	_ = 	snop  }
0x5: {  	_ = 	snop  }
0x6: {  	_ = 	snop  }
0x7: {  	_ = 	snop  }
__scs_overlays_trampoline_lowered:
0x8: {  	[smem:$0x3FAA] =	sst s0  }
0x9: {  	[smem:$0x3FAB] =	sst s1  }
0xa: {  	[smem:$0x3FAC] =	sst s2  }
0xb: {  	[smem:$0x3FAD] =	sst s3  }
0xc: {  	[smem:$0x3FAE] =	sst s4  }
0xd: {  	[smem:$0x3FAF] =	sst s5  }
0xe: {  	[smem:$0x3FB0] =	sst s6  }
0xf: {  	[smem:$0x3FB1] =	sst s7  }
0x10: {  	[smem:$0x3FB2] =	sst s8  }
0x11: {  	[smem:$0x3FB3] =	sst s9;
	s0 =	simm.s32 @!p0 $0x0  }
0x12: {  	s1 =	sld [smem:$0x3F99];
	s0 =	simm.s32 @p0 $0x1  }
0x13: {  	[smem:$0x3FB4] =	sst s0;
	s0 =	simm.s32 @!p1 $0x0  }
0x14: {  	s2 =	sld [smem:$0x3F98];
	s0 =	simm.s32 @p1 $0x1  }
0x15: {  	[smem:$0x3FB5] =	sst s0;
	s0 =	simm.s32 @!p2 $0x0  }
0x16: {  	s3 =	sld [smem:$0x3FDB];
	s0 =	simm.s32 @p2 $0x1  }
0x17: {  	s4 =	simm.s32 $0x1BF5;
	[smem:$0x3FB7] =	sst s0  }
0x18: {  	s0 =	sld [smem:$0x3F9A];
	_ =	swait.ge [sflag:s4], $0x0  }
0x19: {  	s7 =	sld [smem:$0x3F9B]  }
0x1a: {  	s8 =	sadd.s32 $0xFFFFE003, lr  }
0x1b: {  	s9 =	sadd.s32 $0xFFFFFEF7, lr;
	s5 =	simm.s32 $0xFFFFFFFF;
	p2 =	slt.u32 s8, $0xFFFFF086  }
0x1c: {  	p1 =	slt.u32 s9, $0xF7A;
	s5 =	simm.s32 @!p2 $0x0  }
0x1d: {  	s5 =	simm.s32 @p1 $0x1;
	p0 =	seq.s32 s7, s2  }
0x1e: {  	s7 =	smul.u32 @!p0 $0xF7A, s2;
	p2 =	seq.s32 @!p0 s5, $0x0  }
0x1f: {  	s9 =	smul.u32 $0xF7A, s1;
	s8 =	simm.s32 @!p0 $0x1BF5;
	p2 =	por !p2, p0  }
0x20: {  	[sflag:s8] =	ssyncset.s32 @!p0 $0xFFFFF086;
	s6 =	sadd.s32 @!p0 s3, s7;
	s7 =	simm.s32 @!p0 $0x108  }
0x21: {  	s3 =	sadd.s32 s3, s9;
	s6 =	sadd.s32 @!p0 $0x88, s6;
	s7 =	simm.s32 @p2 $0x1082  }
0x22: {  	[simem:s7], [sflag:s8] =	dma.local @!p0 [hbm:s6], $0xF7A  }
0x23: {  	s9 =	sor.u32 $0xD0000000, s2;
	s6 =	simm.s32 $0x108;
	_ =	swait.ge @!p0 [sflag:s8], $0x0  }
0x24: {  	s3 =	sadd.s32 $0x88, s3;
	s6 =	simm.s32 @!p1 $0x1082;
	[sflag:s4] =	ssyncset.s32 $0xFFFFF086  }
0x25: {  	[simem:s6], [sflag:s4] =	dma.local [hbm:s3], $0xF7A  }
0x26: {  	[smem:$0x3F9B] =	sst s1;
	(tag) =	ssettag s2;
	_ =	strace s9  }
0x27: {  	s1 =	sld [smem:$0x3FAB]  }
0x28: {  	s2 =	sld [smem:$0x3FAC]  }
0x29: {  	s4 =	sld [smem:$0x3FAE]  }
0x2a: {  	p0 =	seq.s32 s5, $0x0;
	s5 =	sld [smem:$0x3FAF]  }
0x2b: {  	s6 =	sld [smem:$0x3FB0]  }
0x2c: {  	s7 =	sld [smem:$0x3FB1]  }
0x2d: {  	s3 =	simm.s32 $0x108;
	s8 =	sld [smem:$0x3FB2]  }
0x2e: {  	s3 =	simm.s32 @!p0 $0x1082;
	s9 =	sld [smem:$0x3FB3]  }
0x2f: {  	lr =	sadd.s32 s0, s3;
	s0 =	sld [smem:$0x3FAA]  }
0x30: {  	s3 =	sld [smem:$0x3FAD]  }
0x31: {  	[smem:$0x3FB6] =	sst s10  }
0x32: {  	s10 =	sld [smem:$0x3FB4];
	_ =	sdelay $0x3  }
0x33: {  	p0 =	seq.s32 s10, $0x1;
	s10 =	sld [smem:$0x3FB6];
	_ =	sdelay $0x3  }
0x34: {  	[smem:$0x3FB6] =	sst s10  }
0x35: {  	s10 =	sld [smem:$0x3FB5];
	_ =	sdelay $0x3  }
0x36: {  	p1 =	seq.s32 s10, $0x1;
	s10 =	sld [smem:$0x3FB6];
	_ =	sdelay $0x3  }
0x37: {  	[smem:$0x3FB6] =	sst s10  }
0x38: {  	s10 =	sld [smem:$0x3FB7]  }
0x39: {  	_ = 	snop;
	(pc) =	sbr.ind lr, $3  }
0x3a: {  	_ = 	snop  }
0x3b: {  	_ = 	snop  }
0x3c: {  	p2 =	seq.s32 s10, $0x1;
	s10 =	sld [smem:$0x3FB6]  }
0x3d: {  	_ =	shalt  }
0x3e: {  	_ =	shalt  }
0x3f: {  	_ =	shalt  }
0x40: {  	_ =	shalt  }
0x41: {  	_ =	shalt  }
0x42: {  	_ =	shalt  }
0x43: {  	_ =	shalt  }
0x44: {  	_ =	shalt  }
0x45: {  	_ =	shalt  }
0x46: {  	_ =	shalt  }
0x47: {  	_ =	shalt  }
0x48: {  	_ =	shalt  }
0x49: {  	_ =	shalt  }
0x4a: {  	_ =	shalt  }
0x4b: {  	_ =	shalt  }
0x4c: {  	_ =	shalt  }
0x4d: {  	_ =	shalt  }
0x4e: {  	_ =	shalt  }
0x4f: {  	_ =	shalt  }
0x50: {  	_ =	shalt  }
0x51: {  	_ =	shalt  }
0x52: {  	_ =	shalt  }
0x53: {  	_ =	shalt  }
0x54: {  	_ =	shalt  }
0x55: {  	_ =	shalt  }
0x56: {  	_ =	shalt  }
0x57: {  	_ =	shalt  }
0x58: {  	_ =	shalt  }
0x59: {  	_ =	shalt  }
0x5a: {  	_ =	shalt  }
0x5b: {  	_ =	shalt  }
0x5c: {  	_ =	shalt  }
0x5d: {  	_ =	shalt  }
0x5e: {  	_ =	shalt  }
0x5f: {  	_ =	shalt  }
0x60: {  	_ =	shalt  }
0x61: {  	_ =	shalt  }
0x62: {  	_ =	shalt  }
0x63: {  	_ =	shalt  }
0x64: {  	_ =	shalt  }
0x65: {  	_ =	shalt  }
0x66: {  	_ =	shalt  }
0x67: {  	_ =	shalt  }
0x68: {  	_ =	shalt  }
0x69: {  	_ =	shalt  }
0x6a: {  	_ =	shalt  }
0x6b: {  	_ =	shalt  }
0x6c: {  	_ =	shalt  }
0x6d: {  	_ =	shalt  }
0x6e: {  	_ =	shalt  }
0x6f: {  	_ =	shalt  }
0x70: {  	_ =	shalt  }
0x71: {  	_ =	shalt  }
0x72: {  	_ =	shalt  }
0x73: {  	_ =	shalt  }
0x74: {  	_ =	shalt  }
0x75: {  	_ =	shalt  }
0x76: {  	_ =	shalt  }
0x77: {  	_ =	shalt  }
0x78: {  	_ =	shalt  }
0x79: {  	_ =	shalt  }
0x7a: {  	_ =	shalt  }
0x7b: {  	_ =	shalt  }
0x7c: {  	_ =	shalt  }
0x7d: {  	_ =	shalt  }
0x7e: {  	_ =	shalt  }
0x7f: {  	_ =	shalt  }
0x80: {  	_ =	shalt  }
0x81: {  	_ =	shalt  }
0x82: {  	_ =	shalt  }
0x83: {  	_ =	shalt  }
0x84: {  	_ =	shalt  }
0x85: {  	_ =	shalt  }
0x86: {  	_ =	shalt  }
0x87: {  	_ =	shalt  }
.Lfunc_end0:
.L_simem_size_0:
called_computation_lowered:
.L_overlay_start_0:
0x88: {  	s2 =	sld [smem:$0x3FD9]  }
0x89: {  	s3 =	sld [smem:$0x3FFE];
	_ =	sdelay $0x1  }
0x8a: {  	s1 =	srdreg.scid  }
0x8b: {  	s0 =	sand.u32 $0x1, s1  }
0x8c: {  	s17 =	sshll.u32 s0, $0xA;
	s2 =	sadd.s32 s3, s2  }
0x8d: {  	s2 =	sadd.s32 s2, s17  }
0x8e: {  	[smem:$0x3FC2] =	sst s2  }
0x8f: {  	_ = 	snop  }
0x90: {  	s2 =	sld [smem:$0x3FD0];
	(tm) =	ssettm $0x1  }
0x91: {  	s18 =	sld [smem:$0x3FFB];
	_ =	sdelay $0x3  }
0x92: {  	_ =	strace s18  }
0x93: {  	s3 =	sld [smem:$0x3FFC];
	_ =	sdelay $0x3  }
0x94: {  	_ =	strace s3  }
0x95: {  	s3 =	sld [smem:$0x3FFD];
	_ =	sdelay $0x3  }
0x96: {  	_ =	strace s3  }
0x97: {  	_ =	strace $0x8FFFFFFF  }
0x98: {  	s19 =	sld [smem:$0x3FDB];
	_ =	sdelay $0x1  }
0x99: {  	s4 =	simm.s32 $_scs_section_size  }
0x9a: {  	s5 =	simm.s32 $_size__tile_overlayer_lowered;
	s6 =	simm.s32 $_tile_overlayer_lowered  }
0x9b: {  	s22 =	simm.s32 $0x1BFF;
	s21 =	sshll.u32 s6, $0x1;
	s3 =	sadd.s32 s4, s19  }
0x9c: {  	s7 =	simm.s32 $0x0;
	s20 =	sshll.u32 s5, $0x1;
	s5 =	sadd.s32 s21, s3  }
0x9d: {  	[timem:s7], [sflag:s22] =	dma.local [hbm:s5], s20  }
0x9e: {  	_ =	swait.ge [sflag:s22], s20  }
0x9f: {  	s4 =	ssub.s32 $0x0, s20;
	[sflag:s22] =	ssyncset.done $0x0  }
0xa0: {  	[sflag:s22] =	ssyncadd.s32 s4;
	_ =	sdelay $0x1  }
0xa1: {  	s23 =	simm.s32 $0x1B8B  }
0xa2: {  	_ =	swait.ge [sflag:s23], $0x1  }
0xa3: {  	[sflag:s23] =	ssyncset.done $0x0  }
0xa4: {  	s25 =	simm.s32 $0x1B8E;
	s24 =	sld [smem:$0x3FFE];
	[sflag:s23] =	ssyncadd.s32 $0xFFFFFFFF  }
0xa5: {  	s26 =	simm.s32 $execute0_lowered;
	[smem:$0x3FD2] =	sst s25  }
0xa6: {  	s5 =	sshll.u32 s26, $0x1;
	_ =	strace $0x80000046;
	[dreg:$0x1] =	wrdreg $0xFFFFFFFF  }
0xa7: {  	s28 =	simm.s32 $_size_execute0_lowered;
	s3 =	sadd.s32 s3, s5;
	[dreg:$0x0] =	wrdreg $0x0  }
0xa8: {  	s5 =	sshll.u32 s28, $0x1;
	[dreg:$0x2] =	wrdreg s3  }
0xa9: {  	[dreg:$0x3] =	wrdreg s5  }
0xaa: {  	[dreg:$0x4] =	wrdreg $0xC0  }
0xab: {  	_ =	task [dreg:s7], $0x5FFFF  }
0xac: {  	[dreg:$0x1] =	wrdreg $0xFFFFFFFF  }
0xad: {  	[dreg:$0x0] =	wrdreg $0x60  }
0xae: {  	[dreg:$0x2] =	wrdreg s24  }
0xaf: {  	[dreg:$0x3] =	wrdreg s2  }
0xb0: {  	[dreg:$0x4] =	wrdreg $0x9  }
0xb1: {  	_ =	task.clear_ibuf [dreg:s7], $0x5FFFF;
	_ =	strace $0x90000046  }
0xb2: {  	s29 =	simm.s32 $0x9;
	_ =	strace $0x80000048  }
0xb3: {  	_ =	swait.ge [sflag:s29], $0x1  }
0xb4: {  	[sflag:s29] =	ssyncadd.s32 $0xFFFFFFFF  }
0xb5: {  	_ =	strace $0x90000048  }
0xb6: {  	_ =	sfence  }
0xb7: {  	s30 =	sld [smem:$0x0];
	_ =	sdelay $0x2  }
0xb8: {  	s31 =	sshll.u32 s1, $0xD;
	s1 =	sshrl.u32 s1, $0x2  }
0xb9: {  	s3 =	sand.u32 $0x4000, s31;
	s1 =	sadd.s32 s1, s30  }
0xba: {  	s0 =	sor.u32 s3, s0;
	s1 =	sshll.u32 s1, $0x11  }
0xbb: {  	s0 =	sor.u32 s1, s0  }
0xbc: {  	s0 =	sadd.s32 $0x8F2B, s0  }
0xbd: {  	[sflag:s0] =	ssyncadd.remote.s32 $0x1  }
0xbe: {  	_ =	sfence.sel $0xFFFF  }
0xbf: {  	[dreg:$0x0] =	wrdreg $0xFFFFFFFF;
	(pc) =	sbr.abs _section_cstart, $3  }
0xc0: {  	[dreg:$0x1] =	wrdreg $0xFFFFFFFF  }
0xc1: {  	_ =	task.clear_ibuf [dreg:s7], $0x2FFFF;
	_ =	strace $0x9FFFFFFF  }
0xc2: {  	(tm) =	ssettm $0x7FFFFFFF  }
0xc3: {  	_ =	shalt  }
tec
execute0_lowered:
.L_overlay_start_1:
0x0: {  	(tag) =	ssettag $0x1  }
0x1: {  	s6 =	rddreg [dreg:$0x0]  }
0x2: {  	s0 =	srdreg.scid;
	s10 =	rddreg [dreg:$0x1]  }
0x3: {  	s1 =	stileid.u32;
	s2 =	simm.s32 $0x0;
	s18 =	simm.s32 $0x9F00  }
0x4: {  	s19 =	simm.s32 $0x7700;
	s20 =	simm.s32 $0xC700;
	s21 =	simm.s32 $0xEF80  }
0x5: {  	s22 =	simm.s32 $0x80;
	s23 =	simm.s32 $0x100;
	s24 =	simm.s32 $0x400  }
0x6: {  	s25 =	simm.s32 $0xEF00;
	s7 =	sand.u32 $0x1, s0;
	s0 =	rddreg [dreg:$0x2]  }
0x7: {  	s26 =	simm.s32 $0x0;
	[smem:$0x7FF] =	sst s2;
	s4 =	sshll.u32 s1, $0x7  }
0x8: {  	s14 =	sadd.s32 $0x17E00, s6;
	s3 =	sshll.u32 s7, $0x4;
	_ =	strace $0x80000047  }
0x9: {  	s11 =	sand.u32 $0x380, s4;
	s7 =	ssub.s32 $0x2, s7;
	s8 =	sor.u32 s1, s3  }
0xa: {  	s4 =	sadd.s32 $0x16C00, s6;
	s29 =	sshrl.u32 s7, $0x1;
	s3 =	smul.u32 $0x4E2, s8  }
0xb: {  	s5 =	sshrl.u32 s8, $0x3;
	s30 =	smul.u32 $0xA00, s8;
	s17 =	ssub.s32 s7, s29  }
0xc: {  	s12 =	sshll.u32 s5, $0xA;
	s13 =	smul.u32 $0x14000, s5;
	s5 =	sadd.s32 $0x17800, s6  }
0xd: {  	s9 =	sadd.s32 s3, s6;
	s3 =	sadd.s32 $0x17200, s6;
	s12 =	sor.u32 s11, s12  }
0xe: {  	s8 =	sadd.s32 s10, s30;
	s31 =	sor.u32 $0x10, s30;
	s11 =	sor.u32 s11, s13  }
0xf: {  	s12 =	sshrl.u32 s12, $0x3;
	s7 =	sadd.s32 $0x3000, s9;
	s11 =	sshrl.u32 s11, $0x3  }
0x10: {  	s10 =	sadd.s32 s10, s31;
	s15 =	sadd.s32 s12, s6;
	s16 =	sadd.s32 s11, s6  }
0x11: {  	s6 =	sadd.s32 $0xCE00, s9;
	s9 =	sadd.s32 s14, s30;
	s11 =	sadd.s32 s14, s31  }
0x12: {  	v0 =	vlaneseq.u32;
	s13 =	sadd.s32 $0x35E00, s15;
	s14 =	smax.u32 s17, $0x1;
	s15 =	simm.s32 $0x1  }
0x13: {  	v1 =	vimm.s32 $0x0;
	v3 =	vimm.f32 $1.000000000e+00;
	v2 =	vor.u32 $0x27A0, v0;
	s17 =	simm.s32 $0x4F00;
	s12 =	sadd.s32 $0x2BE00, s16;
	s16 =	simm.s32 $0x2780  }
.LBB2_1:
0x14: {  	[tilespmem:s2], [sflag:$0x1] =	stream.linear.gather [hbm4b:s6+s2], $0x2710, $0x38;
	[tilespmem:$0x11780] =	vst v63  }
0x15: {  	_ =	swait.ge [sflag:s15], $0x2710  }
0x16: {  	[sflag:s15] =	ssyncset.done $0x0  }
0x17: {  	[sflag:s15] =	ssyncadd.s32 $0xFFFFD8F0  }
0x18: {  	[tilespmem:s16], [sflag:$0x1] =	stream.linear.gather [hbm4b:s7+s2], $0x2710, $0x38;
	[tilespmem:$0x11780] =	vst v63  }
0x19: {  	_ =	swait.ge [sflag:s15], $0x2710  }
0x1a: {  	[sflag:s15] =	ssyncset.done $0x0  }
0x1b: {  	[sflag:s15] =	ssyncadd.s32 $0xFFFFD8F0  }
0x1c: {  	[tilespmem:s17], [sflag:$0x1] =	stream.linear.gather [hbm4b:s3+s2], $0x2800, $0x38;
	[tilespmem:$0x11780] =	vst v63  }
0x1d: {  	_ =	swait.ge [sflag:s15], $0x2800  }
0x1e: {  	[sflag:s15] =	ssyncset.done $0x0  }
0x1f: {  	[sflag:s15] =	ssyncadd.s32 $0xFFFFD800  }
0x20: {  	[tilespmem:s18], [sflag:$0x1] =	stream.linear.gather [hbm4b:s3+s2], $0x2800, $0x38;
	[tilespmem:$0x11780] =	vst v63  }
0x21: {  	_ =	swait.ge [sflag:s15], $0x2800  }
0x22: {  	[sflag:s15] =	ssyncset.done $0x0  }
0x23: {  	[sflag:s15] =	ssyncadd.s32 $0xFFFFD800  }
0x24: {  	[tilespmem:s19], [sflag:$0x1] =	stream.linear.gather [hbm4b:s4+s2], $0x2800, $0x38;
	[tilespmem:$0x11780] =	vst v63  }
0x25: {  	_ =	swait.ge [sflag:s15], $0x2800  }
0x26: {  	[sflag:s15] =	ssyncset.done $0x0  }
0x27: {  	[sflag:s15] =	ssyncadd.s32 $0xFFFFD800  }
0x28: {  	[tilespmem:s20], [sflag:$0x1] =	stream.linear.gather [hbm4b:s4+s2], $0x2800, $0x38;
	[tilespmem:$0x11780] =	vst v63  }
0x29: {  	_ =	swait.ge [sflag:s15], $0x2800  }
0x2a: {  	[sflag:s15] =	ssyncset.done $0x0  }
0x2b: {  	[sflag:s15] =	ssyncadd.s32 $0xFFFFD800  }
0x2c: {  	[tilespmem:s21], [sflag:$0x1] =	stream.linear.gather [hbm4b:s5+s2], $0x2800, $0x38;
	[tilespmem:$0x11780] =	vst v63  }
0x2d: {  	_ =	swait.ge [sflag:s15], $0x2800  }
0x2e: {  	[sflag:s15] =	ssyncset.done $0x0  }
0x2f: {  	s28 =	simm.s32 $0x0;
	[sflag:s15] =	ssyncadd.s32 $0xFFFFD800  }
0x30: {  	v6 =	vld [tilespmem:s28+$0x2780];
	_ =	sdelay $0x4  }
0x31: {  	vm0 =	vlt.s32 v6, $0x13E8  }
0x32: {  	v4 =	vsel vm0, $0x1, v1  }
0x33: {  	(xrf0) =	vadd.scan.msk.s32 $0xffff, v4;
	_ =	sdelay $0x5  }
0x34: {  	v4, _, _ =	vpop (xrf0)  }
0x35: {  	v5 =	vadd.s32 v4, v1  }
0x36: {  	v5 =	vadd.s32 $0xFFFFFFFF, v5  }
0x37: {  	v7 =	vld [tilespmem:s28+$0x0];
	v4 =	vsub.s32 v1, v4;
	v5 =	vsel vm0, v5, v2  }
0x38: {  	v4 =	vadd.s32 v0, v4  }
0x39: {  	v8 =	vsel vm0, v2, v4;
	_ =	sdelay $0x2  }
0x3a: {  	[tilespmem:v5+s17+$0x0] =	vst.idx.msk $0xffff, v7  }
0x3b: {  	v4 =	vmpcnt.ones.xlane vm0;
	[tilespmem:v5+s19+$0x0] =	vst.idx.msk $0xffff, v6  }
0x3c: {  	[tilespmem:v8+s18+$0x0] =	vst.idx.msk $0xffff, v7;
	v7 =	vadd.s32 $0xFFFFEC18, v6  }
0x3d: {  	v9 =	vsub.s32 v1, v4  }
0x3e: {  	v4 =	vadd.s32 v1, v4;
	v5 =	vadd.s32 $0x10, v9  }
0x3f: {  	s29 =	simm.s32 $0x80;
	s28 =	simm.s32 $0x40;
	[tilespmem:v8+s20+$0x0] =	vst.idx.msk $0xffff, v7;
	v8 =	vmov v4;
	v7 =	vmov v5  }
.LBB2_2:
0x40: {  	p0 =	sne.s32 s29, $0x9C00  }
0x41: {  	s30 =	sshra.s32 s28, $0x2;
	[tilespmem:v6+s21+$0x0] =	vst.idx.add.f32.msk $0xffff, v3;
	s28 =	smov.u32 s29;
	s29 =	sadd.s32 $0x40, s29  }
0x42: {  	v6 =	vld [tilespmem:s30+$0x2780];
	_ =	sdelay $0x4  }
0x43: {  	vm0 =	vlt.s32 v6, $0x13E8  }
0x44: {  	v9 =	vsel vm0, $0x1, v1;
	v10 =	vmpcnt.ones.xlane vm0  }
0x45: {  	(xrf0) =	vadd.scan.msk.s32 $0xffff, v9  }
0x46: {  	v4 =	vadd.s32 v4, v10;
	v5 =	vsub.s32 v5, v10  }
0x47: {  	v5 =	vadd.s32 $0x10, v5;
	_ =	sdelay $0x3  }
0x48: {  	v9, _, _ =	vpop (xrf0)  }
0x49: {  	v10 =	vadd.s32 v9, v8;
	v9 =	vsub.s32 v7, v9;
	v8 =	vmovc v4;
	v7 =	vmov v5  }
0x4a: {  	v10 =	vadd.s32 $0xFFFFFFFF, v10;
	v9 =	vadd.s32 v0, v9  }
0x4b: {  	v11 =	vld [tilespmem:s30+$0x0];
	v10 =	vsel vm0, v10, v2;
	_ =	sdelay $0x1  }
0x4c: {  	v9 =	vsel vm0, v2, v9;
	_ =	sdelay $0x1  }
.Ltmp0:
0x4d: {  	(pc) =	sbr.rel @p0 .LBB2_2-.Ltmp0, $4  }
0x4e: {  	[tilespmem:v10+s17+$0x0] =	vst.idx.msk $0xffff, v11  }
0x4f: {  	[tilespmem:v10+s19+$0x0] =	vst.idx.msk $0xffff, v6  }
0x50: {  	v10 =	vadd.s32 $0xFFFFEC18, v6;
	[tilespmem:v9+s18+$0x0] =	vst.idx.msk $0xffff, v11  }
0x51: {  	[tilespmem:v9+s20+$0x0] =	vst.idx.msk $0xffff, v10  }
0x52: {  	_ =	sdelay $0x3  }
0x53: {  	s28 =	sshra.s32 s28, $0x2;
	[tilespmem:v6+s21+$0x0] =	vst.idx.add.f32.msk $0xffff, v3  }
0x54: {  	v6 =	vld [tilespmem:s28+$0x2780];
	_ =	sdelay $0x4  }
0x55: {  	vm0 =	vlt.s32 v6, $0x13E8  }
0x56: {  	v9 =	vsel vm0, $0x1, v1  }
0x57: {  	(xrf0) =	vadd.scan.msk.s32 $0xffff, v9;
	_ =	sdelay $0x5  }
0x58: {  	v9, _, _ =	vpop (xrf0)  }
0x59: {  	v8 =	vadd.s32 v9, v8  }
0x5a: {  	v8 =	vadd.s32 $0xFFFFFFFF, v8  }
0x5b: {  	v61 =	vld [tilespmem:s28+$0x0];
	v7 =	vsub.s32 v7, v9;
	v8 =	vsel vm0, v8, v2  }
0x5c: {  	v7 =	vadd.s32 v0, v7  }
0x5d: {  	v7 =	vsel vm0, v2, v7;
	_ =	sdelay $0x2  }
0x5e: {  	[tilespmem:v8+s17+$0x0] =	vst.idx.msk $0xffff, v61  }
0x5f: {  	[tilespmem:v8+s19+$0x0] =	vst.idx.msk $0xffff, v6  }
0x60: {  	v62 =	vadd.s32 $0xFFFFEC18, v6;
	[tilespmem:v7+s18+$0x0] =	vst.idx.msk $0xffff, v61  }
0x61: {  	[tilespmem:v7+s20+$0x0] =	vst.idx.msk $0xffff, v62  }
0x62: {  	[tilespmem:v6+s21+$0x0] =	vst.idx.add.f32.msk $0xffff, v3  }
0x63: {  	[hbm4b:s8+s22] =	stream.strided.scatter [tilespmem:s17], [sflag:$0x1], $0x2800, s23, s22, $0x38;
	[tilespmem:$0x11780] =	vst v63  }
0x64: {  	_ =	swait.ge [sflag:s15], $0x2800  }
0x65: {  	[sflag:s15] =	ssyncset.done $0x0  }
0x66: {  	[sflag:s15] =	ssyncadd.s32 $0xFFFFD800  }
0x67: {  	[hbm4b:s9+s22] =	stream.strided.scatter [tilespmem:s19], [sflag:$0x1], $0x2800, s23, s22, $0x38;
	[tilespmem:$0x11780] =	vst v63  }
0x68: {  	_ =	swait.ge [sflag:s15], $0x2800  }
0x69: {  	[sflag:s15] =	ssyncset.done $0x0  }
0x6a: {  	[sflag:s15] =	ssyncadd.s32 $0xFFFFD800  }
0x6b: {  	[hbm4b:s10+s22] =	stream.strided.scatter [tilespmem:s18], [sflag:$0x1], $0x2800, s23, s22, $0x38;
	[tilespmem:$0x11780] =	vst v63  }
0x6c: {  	_ =	swait.ge [sflag:s15], $0x2800  }
0x6d: {  	[sflag:s15] =	ssyncset.done $0x0  }
0x6e: {  	[sflag:s15] =	ssyncadd.s32 $0xFFFFD800  }
0x6f: {  	[hbm4b:s11+s22] =	stream.strided.scatter [tilespmem:s20], [sflag:$0x1], $0x2800, s23, s22, $0x38;
	[tilespmem:$0x11780] =	vst v63  }
0x70: {  	_ =	swait.ge [sflag:s15], $0x2800  }
0x71: {  	[sflag:s15] =	ssyncset.done $0x0  }
0x72: {  	[sflag:s15] =	ssyncadd.s32 $0xFFFFD800  }
0x73: {  	[hbm4b:s12+s22] =	stream.strided.scatter [tilespmem:s21], [sflag:$0x1], $0x2800, s24, s22, $0x38;
	[tilespmem:$0x11780] =	vst v63  }
0x74: {  	v63 =	vmpcnt.ones.xlane vm0;
	_ =	swait.ge [sflag:s15], $0x2800  }
0x75: {  	[sflag:s15] =	ssyncset.done $0x0  }
0x76: {  	s26 =	sadd.s32 $0x1, s26;
	v4 =	vadd.s32 v4, v63;
	v5 =	vsub.s32 v5, v63;
	[sflag:s15] =	ssyncadd.s32 $0xFFFFD800  }
0x77: {  	p0 =	sne.s32 s26, s14;
	v5 =	vadd.s32 $0x10, v5;
	[tilespmem:$0xEF00] =	vst v4  }
.Ltmp1:
0x78: {  	[tilespmem:$0xEF10] =	vst v5;
	(pc) =	sbr.rel @p0 .LBB2_1-.Ltmp1, $4  }
0x79: {  	[hbm4b:s13+s2] =	stream.linear.scatter [tilespmem:s25], [sflag:$0x1], $0x80, $0x38;
	[tilespmem:$0x11780] =	vst v63  }
0x7a: {  	_ =	swait.ge [sflag:s15], $0x80  }
0x7b: {  	[sflag:s15] =	ssyncset.done $0x0  }
0x7c: {  	[sflag:s15] =	ssyncadd.s32 $0xFFFFFF80  }
0x7d: {  	_ =	sfence.sel $0x180000  }
0x7e: {  	[bflag:$0x0] =	sbarrier.arrive $0xFFFF  }
0x7f: {  	p0 =	sne.s32 s1, $0x0;
	_ =	strace $0x90000047  }
0x80: {  	s0 =	sadd.s32 @!p0 $0x100000, s0;
	[bflag:$0x2] =	sbarrier.arrive $0xFFFF  }
0x81: {  	[sflag:s0] =	ssyncadd.tile.s32 @!p0 $0x1;
	_ =	shalt  }
.Lfunc_end2:
_tile_overlayer_lowered:
.L_overlay_start_2:
0x82: {  	(tag) =	ssettag $0x2  }
0x83: {  	s0 =	rddreg [dreg:$0x0];
	s2 =	stileid.u32  }
0x84: {  	s1 =	rddreg [dreg:$0x1];
	p0 =	sne.s32 s2, $0x0  }
0x85: {  	s3 =	rddreg [dreg:$0x2];
	[bflag:$0x3] =	sbarrier.arrive $0xFFFF;
	s2 =	simm.s32 @!p0 $0x1C01  }
0x86: {  	[timem:s3], [sflag:s2] =	dma.local @!p0 [hbm:s0], s1  }
0x87: {  	s0 =	simm.s32 @!p0 $0x1  }
0x88: {  	_ =	swait.ge @!p0 [sflag:s0], s1  }
0x89: {  	s1 =	ssub.s32 @!p0 $0x0, s1;
	[sflag:s0] =	ssyncset.done @!p0 $0x0  }
0x8a: {  	[sflag:s0] =	ssyncadd.s32 @!p0 s1  }
0x8b: {  	[bflag:$0x3] =	sbarrier.arrive $0xFFFF  }
0x8c: {  	_ =	shalt  }

</sc_bundles>
